<compile_context>
chip_gen: v7x
topology: tpu7x:2x2x1
jax: 0.10.2.dev20260603
libtpu: 0.0.44.dev20260713+nightly
codegen_flags: <defaults>
</compile_context>

<pallas_src>
import jax
import jax.numpy as jnp
from jax import lax
from jax.experimental import pallas as pl
from jax.experimental.pallas import tpu as pltpu
from jax.experimental.pallas import tpu_sc as plsc

VOCAB = 1_000_000
D = 64
B = 16384
NNEG = 20

NC = 2
NS = 16
NW = NC * NS
BW = B // NW
G = 16
NG = BW // G
NEGW = BW * NNEG
NEG_G = G * NNEG
PD = 128


def _issue(cent, ctxt, cidx_v, xidx_v, nidx_v, cen_b, ctx_b, neg_b, sem, g):
    pltpu.async_copy(cent.at[cidx_v.at[pl.ds(g * G, G)]], cen_b, sem)
    pltpu.async_copy(ctxt.at[xidx_v.at[pl.ds(g * G, G)]], ctx_b, sem)
    base = g * NEG_G
    pltpu.async_copy(ctxt.at[nidx_v.at[pl.ds(base, 128)]],
                     neg_b.at[pl.ds(0, 128)], sem)
    pltpu.async_copy(ctxt.at[nidx_v.at[pl.ds(base + 128, 128)]],
                     neg_b.at[pl.ds(128, 128)], sem)
    pltpu.async_copy(ctxt.at[nidx_v.at[pl.ds(base + 256, 64)]],
                     neg_b.at[pl.ds(256, 64)], sem)


def _drain(cent, ctxt, cidx_v, xidx_v, nidx_v, cen_b, ctx_b, neg_b, sem, g):
    pltpu.make_async_copy(
        cent.at[cidx_v.at[pl.ds(g * G, G)]], cen_b, sem).wait()
    pltpu.make_async_copy(
        ctxt.at[xidx_v.at[pl.ds(g * G, G)]], ctx_b, sem).wait()
    base = g * NEG_G
    pltpu.make_async_copy(ctxt.at[nidx_v.at[pl.ds(base, 128)]],
                          neg_b.at[pl.ds(0, 128)], sem).wait()
    pltpu.make_async_copy(ctxt.at[nidx_v.at[pl.ds(base + 128, 128)]],
                          neg_b.at[pl.ds(128, 128)], sem).wait()
    pltpu.make_async_copy(ctxt.at[nidx_v.at[pl.ds(base + 256, 64)]],
                          neg_b.at[pl.ds(256, 64)], sem).wait()


def _compute_group(cen_b, ctx_b, neg_b, pos_s, neg_s, g):
    iota = lax.iota(jnp.int32, 16)
    rows20 = iota * NNEG
    zero = jnp.zeros((16,), jnp.float32)

    def dbody(d0, carry):
        pos_acc, naccs = carry
        for du in range(4):
            dvec = (d0 * 4 + du + iota) & (D - 1)
            c = plsc.load_gather(cen_b, [iota, dvec])
            x = plsc.load_gather(ctx_b, [iota, dvec])
            pos_acc = pos_acc + c * x
            new_naccs = []
            for jj in range(NNEG):
                nvd = plsc.load_gather(neg_b, [rows20 + jj, dvec])
                new_naccs.append(naccs[jj] + c * nvd)
            naccs = tuple(new_naccs)
        return pos_acc, naccs

    pos_acc, naccs = lax.fori_loop(
        0, D // 4, dbody, (zero, tuple([zero] * NNEG)))
    pos_s[pl.ds(g * G, G)] = pos_acc
    for jj in range(NNEG):
        plsc.store_scatter(neg_s, [g * NEG_G + rows20 + jj], naccs[jj])


def _sc_body(cent, ctxt, cidx, xidx, nidx, pos_out, neg_out,
             cidx_v, xidx_v, nidx_v,
             cen_b0, ctx_b0, neg_b0, cen_b1, ctx_b1, neg_b1,
             pos_s, neg_s, sem0, sem1):
    w = lax.axis_index("s") * NC + lax.axis_index("c")

    pltpu.sync_copy(cidx.at[pl.ds(w * BW, BW)], cidx_v)
    pltpu.sync_copy(xidx.at[pl.ds(w * BW, BW)], xidx_v)
    pltpu.sync_copy(nidx.at[pl.ds(w * NEGW, NEGW)], nidx_v)

    args = (cent, ctxt, cidx_v, xidx_v, nidx_v)
    _issue(*args, cen_b0, ctx_b0, neg_b0, sem0, 0)

    def hbody(h, carry):
        g0 = 2 * h
        g1 = 2 * h + 1
        _issue(*args, cen_b1, ctx_b1, neg_b1, sem1, g1)
        _drain(*args, cen_b0, ctx_b0, neg_b0, sem0, g0)
        _compute_group(cen_b0, ctx_b0, neg_b0, pos_s, neg_s, g0)

        @pl.when(h + 1 < NG // 2)
        def _():
            _issue(*args, cen_b0, ctx_b0, neg_b0, sem0, g0 + 2)

        _drain(*args, cen_b1, ctx_b1, neg_b1, sem1, g1)
        _compute_group(cen_b1, ctx_b1, neg_b1, pos_s, neg_s, g1)
        return carry
    lax.fori_loop(0, NG // 2, hbody, 0)

    pltpu.sync_copy(pos_s, pos_out.at[pl.ds(w * BW, BW)])
    pltpu.sync_copy(neg_s, neg_out.at[pl.ds(w * NEGW, NEGW)])


@jax.jit
def _sc_scores(cent, ctxt, cidx, xidx, nidx):
    mesh = plsc.VectorSubcoreMesh(core_axis_name="c", subcore_axis_name="s")
    return pl.kernel(
        _sc_body,
        out_type=(
            jax.ShapeDtypeStruct((B,), jnp.float32),
            jax.ShapeDtypeStruct((B * NNEG,), jnp.float32),
        ),
        mesh=mesh,
        scratch_types=[
            pltpu.VMEM((BW,), jnp.int32),
            pltpu.VMEM((BW,), jnp.int32),
            pltpu.VMEM((NEGW,), jnp.int32),
            pltpu.VMEM((G, PD), jnp.float32),
            pltpu.VMEM((G, PD), jnp.float32),
            pltpu.VMEM((NEG_G, PD), jnp.float32),
            pltpu.VMEM((G, PD), jnp.float32),
            pltpu.VMEM((G, PD), jnp.float32),
            pltpu.VMEM((NEG_G, PD), jnp.float32),
            pltpu.VMEM((BW,), jnp.float32),
            pltpu.VMEM((NEGW,), jnp.float32),
            pltpu.SemaphoreType.DMA,
            pltpu.SemaphoreType.DMA,
        ],
        compiler_params=pltpu.CompilerParams(
            needs_layout_passes=False,
        ),
    )(cent, ctxt, cidx, xidx, nidx)


def _log_sigmoid(x):
    return jnp.minimum(x, 0.0) - jnp.log(1.0 + jnp.exp(-jnp.abs(x)))


def _tc_loss_body(pos_ref, neg_ref, out_ref):
    s = (jnp.sum(_log_sigmoid(pos_ref[...]))
         + jnp.sum(_log_sigmoid(-neg_ref[...])))
    out_ref[0, 0] = -s / B


@jax.jit
def _tc_loss(pos, neg):
    out = pl.pallas_call(
        _tc_loss_body,
        out_specs=pl.BlockSpec(memory_space=pltpu.SMEM),
        out_shape=jax.ShapeDtypeStruct((1, 1), jnp.float32),
    )(pos.reshape(128, 128), neg.reshape(2560, 128))
    return out[0, 0]


def kernel(center_table, context_table, center_words, context_words,
           negative_words):
    cidx = center_words.astype(jnp.int32)
    xidx = context_words.astype(jnp.int32)
    nidx = negative_words.astype(jnp.int32).reshape(-1)
    cent = jnp.pad(center_table, ((0, 0), (0, PD - D)))
    ctxt = jnp.pad(context_table, ((0, 0), (0, PD - D)))
    pos, neg = _sc_scores(cent, ctxt, cidx, xidx, nidx)
    return _tc_loss(pos, neg)

# --- scband reference (transcript-rebuilt; emitter-appended) ---
"""Pipeline reference for scband-skip-gram-47064251629887 (READ-ONLY COPY).

The authoritative reference and input builder live on the scoring server;
editing this copy changes nothing except your own understanding.
"""

import jax, jax.numpy as jnp
import numpy as np

VOCAB_SIZE = 1000000
EMBEDDING_DIM = 64
BATCH = 16384
NUM_NEG = 20


def setup_inputs(seed: int = 0) -> dict:
    key = jax.random.key(seed)
    k1, k2, k3, k4, k5 = jax.random.split(key, 5)
    init_range = 0.5 / EMBEDDING_DIM
    center_table = jax.random.uniform(
        k1,
        (VOCAB_SIZE, EMBEDDING_DIM),
        dtype=jnp.float32,
        minval=-init_range,
        maxval=init_range,
    )
    context_table = jax.random.uniform(
        k2,
        (VOCAB_SIZE, EMBEDDING_DIM),
        dtype=jnp.float32,
        minval=-init_range,
        maxval=init_range,
    )
    center_words = jax.random.randint(
        k3,
        (BATCH,),
        0,
        VOCAB_SIZE,
        dtype=jnp.int64 if jax.config.read("jax_enable_x64") else jnp.int32,
    )
    context_words = jax.random.randint(
        k4, (BATCH,), 0, VOCAB_SIZE, dtype=center_words.dtype
    )
    negative_words = jax.random.randint(
        k5, (BATCH, NUM_NEG), 0, VOCAB_SIZE, dtype=center_words.dtype
    )
    return {
        "center_table": center_table,
        "context_table": context_table,
        "center_words": center_words,
        "context_words": context_words,
        "negative_words": negative_words,
    }


def reference(center_table, context_table, center_words, context_words, negative_words):
    # Embedding lookups (gather)
    center_embeds = jnp.take(center_table, center_words, axis=0)  # (B, D)
    context_embeds = jnp.take(context_table, context_words, axis=0)  # (B, D)
    neg_embeds = jnp.take(context_table, negative_words, axis=0)  # (B, num_neg, D)

    # Positive score: dot(center, context) per row
    pos_score = jnp.sum(center_embeds * context_embeds, axis=1)  # (B,)
    pos_loss = jax.nn.log_sigmoid(pos_score)  # (B,)

    # Negative score: bmm(neg_embeds, center_embeds[:, :, None]) -> (B, num_neg)
    neg_score = jnp.einsum("bnd,bd->bn", neg_embeds, center_embeds)
    neg_loss = jnp.sum(jax.nn.log_sigmoid(-neg_score), axis=1)  # (B,)

    loss = -jnp.mean(pos_loss + neg_loss)
    return loss

if __name__ == "__main__":
    import jax
    _d = setup_inputs()
    print(jax.jit(kernel)(*tuple(_d.values())))

</pallas_src>

<mosaic_0001>
#map = affine_map<(d0, d1) -> (0, 0)>
#map1 = affine_map<(d0, d1) -> (0)>
module attributes {stable_mosaic.version = 14 : i64} {
  func.func @_sc_body(%arg0: i32, %arg1: i32, %arg2: memref<1000000x128xf32, #tpu.memory_space<hbm>>, %arg3: memref<1000000x128xf32, #tpu.memory_space<hbm>>, %arg4: memref<16384xi32, #tpu.memory_space<hbm>>, %arg5: memref<16384xi32, #tpu.memory_space<hbm>>, %arg6: memref<327680xi32, #tpu.memory_space<hbm>>, %arg7: memref<16384xf32, #tpu.memory_space<hbm>>, %arg8: memref<327680xf32, #tpu.memory_space<hbm>>, %arg9: memref<512xi32, #tpu.memory_space<vmem>>, %arg10: memref<512xi32, #tpu.memory_space<vmem>>, %arg11: memref<10240xi32, #tpu.memory_space<vmem>>, %arg12: memref<16x128xf32, #tpu.memory_space<vmem>>, %arg13: memref<16x128xf32, #tpu.memory_space<vmem>>, %arg14: memref<320x128xf32, #tpu.memory_space<vmem>>, %arg15: memref<16x128xf32, #tpu.memory_space<vmem>>, %arg16: memref<16x128xf32, #tpu.memory_space<vmem>>, %arg17: memref<320x128xf32, #tpu.memory_space<vmem>>, %arg18: memref<512xf32, #tpu.memory_space<vmem>>, %arg19: memref<10240xf32, #tpu.memory_space<vmem>>, %arg20: memref<!tpu.dma_semaphore, #tpu.memory_space<semaphore_mem>>, %arg21: memref<!tpu.dma_semaphore, #tpu.memory_space<semaphore_mem>>) attributes {dimension_semantics = [#tpu.dimension_semantics<core_parallel>, #tpu.dimension_semantics<subcore_parallel>], iteration_bounds = array<i64: 2, 16>, scalar_prefetch = 0 : i64, scratch_operands = 13 : i64, tpu.core_type = #tpu.core_type<sc_vector_subcore>, window_params = [{transform_indices = #map}, {transform_indices = #map}, {transform_indices = #map1}, {transform_indices = #map1}, {transform_indices = #map1}, {transform_indices = #map1}, {transform_indices = #map1}]} {
    %mul3A = arith.constant 2 : i32
    %mul3A_0 = arith.muli %arg1, %mul3A : i32
    %add3A = arith.addi %mul3A_0, %arg0 : i32
    %mul3A_1 = arith.constant 512 : i32
    %mul3A_2 = arith.muli %add3A, %mul3A_1 : i32
    "tpu.region"() ({
      %run_scoped3A = tpu.sem_alloc : memref<!tpu.dma_semaphore, #tpu.memory_space<semaphore_mem>>
      %dma_start3A_49 = tpu.memref_slice %arg4[%mul3A_2] : memref<16384xi32, #tpu.memory_space<hbm>> -> memref<512xi32, #tpu.memory_space<hbm>>
      %dma_start3A_50 = tpu.memref_slice %arg4[%mul3A_2] : memref<16384xi32, #tpu.memory_space<hbm>> -> memref<512xi32, #tpu.memory_space<hbm>>
      tpu.enqueue_dma source(%dma_start3A_50 : memref<512xi32, #tpu.memory_space<hbm>>) target(%arg9 : memref<512xi32, #tpu.memory_space<vmem>>) target_semaphore(%run_scoped3A : memref<!tpu.dma_semaphore, #tpu.memory_space<semaphore_mem>>)
      %dma_wait3A = tpu.memref_slice %arg4[%mul3A_2] : memref<16384xi32, #tpu.memory_space<hbm>> -> memref<512xi32, #tpu.memory_space<hbm>>
      %dma_wait3A_51 = tpu.memref_slice %arg4[%mul3A_2] : memref<16384xi32, #tpu.memory_space<hbm>> -> memref<512xi32, #tpu.memory_space<hbm>>
      tpu.wait_dma2 semaphore(%run_scoped3A : memref<!tpu.dma_semaphore, #tpu.memory_space<semaphore_mem>>) src(%dma_wait3A_51 : memref<512xi32, #tpu.memory_space<hbm>>) dst(%arg9 : memref<512xi32, #tpu.memory_space<vmem>>)
      tpu.yield
    }) : () -> ()
    %mul3A_3 = arith.constant 512 : i32
    %mul3A_4 = arith.muli %add3A, %mul3A_3 : i32
    "tpu.region"() ({
      %run_scoped3A = tpu.sem_alloc : memref<!tpu.dma_semaphore, #tpu.memory_space<semaphore_mem>>
      %dma_start3A_49 = tpu.memref_slice %arg5[%mul3A_4] : memref<16384xi32, #tpu.memory_space<hbm>> -> memref<512xi32, #tpu.memory_space<hbm>>
      %dma_start3A_50 = tpu.memref_slice %arg5[%mul3A_4] : memref<16384xi32, #tpu.memory_space<hbm>> -> memref<512xi32, #tpu.memory_space<hbm>>
      tpu.enqueue_dma source(%dma_start3A_50 : memref<512xi32, #tpu.memory_space<hbm>>) target(%arg10 : memref<512xi32, #tpu.memory_space<vmem>>) target_semaphore(%run_scoped3A : memref<!tpu.dma_semaphore, #tpu.memory_space<semaphore_mem>>)
      %dma_wait3A = tpu.memref_slice %arg5[%mul3A_4] : memref<16384xi32, #tpu.memory_space<hbm>> -> memref<512xi32, #tpu.memory_space<hbm>>
      %dma_wait3A_51 = tpu.memref_slice %arg5[%mul3A_4] : memref<16384xi32, #tpu.memory_space<hbm>> -> memref<512xi32, #tpu.memory_space<hbm>>
      tpu.wait_dma2 semaphore(%run_scoped3A : memref<!tpu.dma_semaphore, #tpu.memory_space<semaphore_mem>>) src(%dma_wait3A_51 : memref<512xi32, #tpu.memory_space<hbm>>) dst(%arg10 : memref<512xi32, #tpu.memory_space<vmem>>)
      tpu.yield
    }) : () -> ()
    %mul3A_5 = arith.constant 10240 : i32
    %mul3A_6 = arith.muli %add3A, %mul3A_5 : i32
    "tpu.region"() ({
      %run_scoped3A = tpu.sem_alloc : memref<!tpu.dma_semaphore, #tpu.memory_space<semaphore_mem>>
      %dma_start3A_49 = tpu.memref_slice %arg6[%mul3A_6] : memref<327680xi32, #tpu.memory_space<hbm>> -> memref<10240xi32, #tpu.memory_space<hbm>>
      %dma_start3A_50 = tpu.memref_slice %arg6[%mul3A_6] : memref<327680xi32, #tpu.memory_space<hbm>> -> memref<10240xi32, #tpu.memory_space<hbm>>
      tpu.enqueue_dma source(%dma_start3A_50 : memref<10240xi32, #tpu.memory_space<hbm>>) target(%arg11 : memref<10240xi32, #tpu.memory_space<vmem>>) target_semaphore(%run_scoped3A : memref<!tpu.dma_semaphore, #tpu.memory_space<semaphore_mem>>)
      %dma_wait3A = tpu.memref_slice %arg6[%mul3A_6] : memref<327680xi32, #tpu.memory_space<hbm>> -> memref<10240xi32, #tpu.memory_space<hbm>>
      %dma_wait3A_51 = tpu.memref_slice %arg6[%mul3A_6] : memref<327680xi32, #tpu.memory_space<hbm>> -> memref<10240xi32, #tpu.memory_space<hbm>>
      tpu.wait_dma2 semaphore(%run_scoped3A : memref<!tpu.dma_semaphore, #tpu.memory_space<semaphore_mem>>) src(%dma_wait3A_51 : memref<10240xi32, #tpu.memory_space<hbm>>) dst(%arg11 : memref<10240xi32, #tpu.memory_space<vmem>>)
      tpu.yield
    }) : () -> ()
    %dma_start3A = arith.constant 0 : i32
    %dma_start3A_7 = tpu.memref_slice %arg9[%dma_start3A] : memref<512xi32, #tpu.memory_space<vmem>> -> memref<16xi32, #tpu.memory_space<vmem>>
    %dma_start3A_8 = arith.constant 0 : i32
    %dma_start3A_9 = arith.constant 0 : i32
    %dma_start3A_10 = tpu.memref_slice %arg2[%dma_start3A_8, %dma_start3A_9] : memref<1000000x128xf32, #tpu.memory_space<hbm>> -> memref<1000000x128xf32, #tpu.memory_space<hbm>>
    tpu.enqueue_indirect_dma source(%dma_start3A_10 : memref<1000000x128xf32, #tpu.memory_space<hbm>>) target(%arg12 : memref<16x128xf32, #tpu.memory_space<vmem>>) offsets(%dma_start3A_7 : memref<16xi32, #tpu.memory_space<vmem>>) semaphore(%arg20 : memref<!tpu.dma_semaphore, #tpu.memory_space<semaphore_mem>>)
    %dma_start3A_11 = arith.constant 0 : i32
    %dma_start3A_12 = tpu.memref_slice %arg10[%dma_start3A_11] : memref<512xi32, #tpu.memory_space<vmem>> -> memref<16xi32, #tpu.memory_space<vmem>>
    %dma_start3A_13 = arith.constant 0 : i32
    %dma_start3A_14 = arith.constant 0 : i32
    %dma_start3A_15 = tpu.memref_slice %arg3[%dma_start3A_13, %dma_start3A_14] : memref<1000000x128xf32, #tpu.memory_space<hbm>> -> memref<1000000x128xf32, #tpu.memory_space<hbm>>
    tpu.enqueue_indirect_dma source(%dma_start3A_15 : memref<1000000x128xf32, #tpu.memory_space<hbm>>) target(%arg13 : memref<16x128xf32, #tpu.memory_space<vmem>>) offsets(%dma_start3A_12 : memref<16xi32, #tpu.memory_space<vmem>>) semaphore(%arg20 : memref<!tpu.dma_semaphore, #tpu.memory_space<semaphore_mem>>)
    %dma_start3A_16 = arith.constant 0 : i32
    %dma_start3A_17 = arith.constant 0 : i32
    %dma_start3A_18 = tpu.memref_slice %arg14[%dma_start3A_16, %dma_start3A_17] : memref<320x128xf32, #tpu.memory_space<vmem>> -> memref<128x128xf32, #tpu.memory_space<vmem>>
    %dma_start3A_19 = arith.constant 0 : i32
    %dma_start3A_20 = tpu.memref_slice %arg11[%dma_start3A_19] : memref<10240xi32, #tpu.memory_space<vmem>> -> memref<128xi32, #tpu.memory_space<vmem>>
    %dma_start3A_21 = arith.constant 0 : i32
    %dma_start3A_22 = arith.constant 0 : i32
    %dma_start3A_23 = tpu.memref_slice %arg3[%dma_start3A_21, %dma_start3A_22] : memref<1000000x128xf32, #tpu.memory_space<hbm>> -> memref<1000000x128xf32, #tpu.memory_space<hbm>>
    tpu.enqueue_indirect_dma source(%dma_start3A_23 : memref<1000000x128xf32, #tpu.memory_space<hbm>>) target(%dma_start3A_18 : memref<128x128xf32, #tpu.memory_space<vmem>>) offsets(%dma_start3A_20 : memref<128xi32, #tpu.memory_space<vmem>>) semaphore(%arg20 : memref<!tpu.dma_semaphore, #tpu.memory_space<semaphore_mem>>)
    %dma_start3A_24 = arith.constant 128 : i32
    %dma_start3A_25 = arith.constant 0 : i32
    %dma_start3A_26 = tpu.memref_slice %arg14[%dma_start3A_24, %dma_start3A_25] : memref<320x128xf32, #tpu.memory_space<vmem>> -> memref<128x128xf32, #tpu.memory_space<vmem>>
    %dma_start3A_27 = arith.constant 128 : i32
    %dma_start3A_28 = tpu.memref_slice %arg11[%dma_start3A_27] : memref<10240xi32, #tpu.memory_space<vmem>> -> memref<128xi32, #tpu.memory_space<vmem>>
    %dma_start3A_29 = arith.constant 0 : i32
    %dma_start3A_30 = arith.constant 0 : i32
    %dma_start3A_31 = tpu.memref_slice %arg3[%dma_start3A_29, %dma_start3A_30] : memref<1000000x128xf32, #tpu.memory_space<hbm>> -> memref<1000000x128xf32, #tpu.memory_space<hbm>>
    tpu.enqueue_indirect_dma source(%dma_start3A_31 : memref<1000000x128xf32, #tpu.memory_space<hbm>>) target(%dma_start3A_26 : memref<128x128xf32, #tpu.memory_space<vmem>>) offsets(%dma_start3A_28 : memref<128xi32, #tpu.memory_space<vmem>>) semaphore(%arg20 : memref<!tpu.dma_semaphore, #tpu.memory_space<semaphore_mem>>)
    %dma_start3A_32 = arith.constant 256 : i32
    %dma_start3A_33 = arith.constant 0 : i32
    %dma_start3A_34 = tpu.memref_slice %arg14[%dma_start3A_32, %dma_start3A_33] : memref<320x128xf32, #tpu.memory_space<vmem>> -> memref<64x128xf32, #tpu.memory_space<vmem>>
    %dma_start3A_35 = arith.constant 256 : i32
    %dma_start3A_36 = tpu.memref_slice %arg11[%dma_start3A_35] : memref<10240xi32, #tpu.memory_space<vmem>> -> memref<64xi32, #tpu.memory_space<vmem>>
    %dma_start3A_37 = arith.constant 0 : i32
    %dma_start3A_38 = arith.constant 0 : i32
    %dma_start3A_39 = tpu.memref_slice %arg3[%dma_start3A_37, %dma_start3A_38] : memref<1000000x128xf32, #tpu.memory_space<hbm>> -> memref<1000000x128xf32, #tpu.memory_space<hbm>>
    tpu.enqueue_indirect_dma source(%dma_start3A_39 : memref<1000000x128xf32, #tpu.memory_space<hbm>>) target(%dma_start3A_34 : memref<64x128xf32, #tpu.memory_space<vmem>>) offsets(%dma_start3A_36 : memref<64xi32, #tpu.memory_space<vmem>>) semaphore(%arg20 : memref<!tpu.dma_semaphore, #tpu.memory_space<semaphore_mem>>)
    %scan3A = arith.constant 0 : i32
    %scan3A_40 = arith.constant 0 : i32
    %scan3A_41 = arith.constant 16 : i32
    %scan3A_42 = arith.addi %scan3A_40, %scan3A_41 : i32
    %scan3A_43 = arith.constant 1 : i32
    scf.for %scan3A_49 = %scan3A_40 to %scan3A_42 step %scan3A_43  : i32 {
      %mul3A_50 = arith.constant 2 : i32
      %mul3A_51 = arith.muli %mul3A_50, %scan3A_49 : i32
      %mul3A_52 = arith.constant 2 : i32
      %mul3A_53 = arith.muli %mul3A_52, %scan3A_49 : i32
      %add3A_54 = arith.constant 1 : i32
      %add3A_55 = arith.addi %mul3A_53, %add3A_54 : i32
      %mul3A_56 = arith.constant 16 : i32
      %mul3A_57 = arith.muli %add3A_55, %mul3A_56 : i32
      %dma_start3A_58 = tpu.memref_slice %arg9[%mul3A_57] : memref<512xi32, #tpu.memory_space<vmem>> -> memref<16xi32, #tpu.memory_space<vmem>>
      %dma_start3A_59 = arith.constant 0 : i32
      %dma_start3A_60 = arith.constant 0 : i32
      %dma_start3A_61 = tpu.memref_slice %arg2[%dma_start3A_59, %dma_start3A_60] : memref<1000000x128xf32, #tpu.memory_space<hbm>> -> memref<1000000x128xf32, #tpu.memory_space<hbm>>
      tpu.enqueue_indirect_dma source(%dma_start3A_61 : memref<1000000x128xf32, #tpu.memory_space<hbm>>) target(%arg15 : memref<16x128xf32, #tpu.memory_space<vmem>>) offsets(%dma_start3A_58 : memref<16xi32, #tpu.memory_space<vmem>>) semaphore(%arg21 : memref<!tpu.dma_semaphore, #tpu.memory_space<semaphore_mem>>)
      %mul3A_62 = arith.constant 16 : i32
      %mul3A_63 = arith.muli %add3A_55, %mul3A_62 : i32
      %dma_start3A_64 = tpu.memref_slice %arg10[%mul3A_63] : memref<512xi32, #tpu.memory_space<vmem>> -> memref<16xi32, #tpu.memory_space<vmem>>
      %dma_start3A_65 = arith.constant 0 : i32
      %dma_start3A_66 = arith.constant 0 : i32
      %dma_start3A_67 = tpu.memref_slice %arg3[%dma_start3A_65, %dma_start3A_66] : memref<1000000x128xf32, #tpu.memory_space<hbm>> -> memref<1000000x128xf32, #tpu.memory_space<hbm>>
      tpu.enqueue_indirect_dma source(%dma_start3A_67 : memref<1000000x128xf32, #tpu.memory_space<hbm>>) target(%arg16 : memref<16x128xf32, #tpu.memory_space<vmem>>) offsets(%dma_start3A_64 : memref<16xi32, #tpu.memory_space<vmem>>) semaphore(%arg21 : memref<!tpu.dma_semaphore, #tpu.memory_space<semaphore_mem>>)
      %mul3A_68 = arith.constant 320 : i32
      %mul3A_69 = arith.muli %add3A_55, %mul3A_68 : i32
      %dma_start3A_70 = arith.constant 0 : i32
      %dma_start3A_71 = arith.constant 0 : i32
      %dma_start3A_72 = tpu.memref_slice %arg17[%dma_start3A_70, %dma_start3A_71] : memref<320x128xf32, #tpu.memory_space<vmem>> -> memref<128x128xf32, #tpu.memory_space<vmem>>
      %dma_start3A_73 = tpu.memref_slice %arg11[%mul3A_69] : memref<10240xi32, #tpu.memory_space<vmem>> -> memref<128xi32, #tpu.memory_space<vmem>>
      %dma_start3A_74 = arith.constant 0 : i32
      %dma_start3A_75 = arith.constant 0 : i32
      %dma_start3A_76 = tpu.memref_slice %arg3[%dma_start3A_74, %dma_start3A_75] : memref<1000000x128xf32, #tpu.memory_space<hbm>> -> memref<1000000x128xf32, #tpu.memory_space<hbm>>
      tpu.enqueue_indirect_dma source(%dma_start3A_76 : memref<1000000x128xf32, #tpu.memory_space<hbm>>) target(%dma_start3A_72 : memref<128x128xf32, #tpu.memory_space<vmem>>) offsets(%dma_start3A_73 : memref<128xi32, #tpu.memory_space<vmem>>) semaphore(%arg21 : memref<!tpu.dma_semaphore, #tpu.memory_space<semaphore_mem>>)
      %add3A_77 = arith.constant 128 : i32
      %add3A_78 = arith.addi %mul3A_69, %add3A_77 : i32
      %dma_start3A_79 = arith.constant 128 : i32
      %dma_start3A_80 = arith.constant 0 : i32
      %dma_start3A_81 = tpu.memref_slice %arg17[%dma_start3A_79, %dma_start3A_80] : memref<320x128xf32, #tpu.memory_space<vmem>> -> memref<128x128xf32, #tpu.memory_space<vmem>>
      %dma_start3A_82 = tpu.memref_slice %arg11[%add3A_78] : memref<10240xi32, #tpu.memory_space<vmem>> -> memref<128xi32, #tpu.memory_space<vmem>>
      %dma_start3A_83 = arith.constant 0 : i32
      %dma_start3A_84 = arith.constant 0 : i32
      %dma_start3A_85 = tpu.memref_slice %arg3[%dma_start3A_83, %dma_start3A_84] : memref<1000000x128xf32, #tpu.memory_space<hbm>> -> memref<1000000x128xf32, #tpu.memory_space<hbm>>
      tpu.enqueue_indirect_dma source(%dma_start3A_85 : memref<1000000x128xf32, #tpu.memory_space<hbm>>) target(%dma_start3A_81 : memref<128x128xf32, #tpu.memory_space<vmem>>) offsets(%dma_start3A_82 : memref<128xi32, #tpu.memory_space<vmem>>) semaphore(%arg21 : memref<!tpu.dma_semaphore, #tpu.memory_space<semaphore_mem>>)
      %add3A_86 = arith.constant 256 : i32
      %add3A_87 = arith.addi %mul3A_69, %add3A_86 : i32
      %dma_start3A_88 = arith.constant 256 : i32
      %dma_start3A_89 = arith.constant 0 : i32
      %dma_start3A_90 = tpu.memref_slice %arg17[%dma_start3A_88, %dma_start3A_89] : memref<320x128xf32, #tpu.memory_space<vmem>> -> memref<64x128xf32, #tpu.memory_space<vmem>>
      %dma_start3A_91 = tpu.memref_slice %arg11[%add3A_87] : memref<10240xi32, #tpu.memory_space<vmem>> -> memref<64xi32, #tpu.memory_space<vmem>>
      %dma_start3A_92 = arith.constant 0 : i32
      %dma_start3A_93 = arith.constant 0 : i32
      %dma_start3A_94 = tpu.memref_slice %arg3[%dma_start3A_92, %dma_start3A_93] : memref<1000000x128xf32, #tpu.memory_space<hbm>> -> memref<1000000x128xf32, #tpu.memory_space<hbm>>
      tpu.enqueue_indirect_dma source(%dma_start3A_94 : memref<1000000x128xf32, #tpu.memory_space<hbm>>) target(%dma_start3A_90 : memref<64x128xf32, #tpu.memory_space<vmem>>) offsets(%dma_start3A_91 : memref<64xi32, #tpu.memory_space<vmem>>) semaphore(%arg21 : memref<!tpu.dma_semaphore, #tpu.memory_space<semaphore_mem>>)
      %mul3A_95 = arith.constant 16 : i32
      %mul3A_96 = arith.muli %mul3A_51, %mul3A_95 : i32
      %dma_wait3A = tpu.memref_slice %arg9[%mul3A_96] : memref<512xi32, #tpu.memory_space<vmem>> -> memref<16xi32, #tpu.memory_space<vmem>>
      %dma_wait3A_97 = arith.constant 0 : i32
      %dma_wait3A_98 = arith.constant 0 : i32
      %dma_wait3A_99 = tpu.memref_slice %arg2[%dma_wait3A_97, %dma_wait3A_98] : memref<1000000x128xf32, #tpu.memory_space<hbm>> -> memref<1000000x128xf32, #tpu.memory_space<hbm>>
      tpu.wait_indirect_dma semaphore(%arg20 : memref<!tpu.dma_semaphore, #tpu.memory_space<semaphore_mem>>) src(%dma_wait3A_99 : memref<1000000x128xf32, #tpu.memory_space<hbm>>) dst(%arg12 : memref<16x128xf32, #tpu.memory_space<vmem>>)
      %mul3A_100 = arith.constant 16 : i32
      %mul3A_101 = arith.muli %mul3A_51, %mul3A_100 : i32
      %dma_wait3A_102 = tpu.memref_slice %arg10[%mul3A_101] : memref<512xi32, #tpu.memory_space<vmem>> -> memref<16xi32, #tpu.memory_space<vmem>>
      %dma_wait3A_103 = arith.constant 0 : i32
      %dma_wait3A_104 = arith.constant 0 : i32
      %dma_wait3A_105 = tpu.memref_slice %arg3[%dma_wait3A_103, %dma_wait3A_104] : memref<1000000x128xf32, #tpu.memory_space<hbm>> -> memref<1000000x128xf32, #tpu.memory_space<hbm>>
      tpu.wait_indirect_dma semaphore(%arg20 : memref<!tpu.dma_semaphore, #tpu.memory_space<semaphore_mem>>) src(%dma_wait3A_105 : memref<1000000x128xf32, #tpu.memory_space<hbm>>) dst(%arg13 : memref<16x128xf32, #tpu.memory_space<vmem>>)
      %mul3A_106 = arith.constant 320 : i32
      %mul3A_107 = arith.muli %mul3A_51, %mul3A_106 : i32
      %dma_wait3A_108 = arith.constant 0 : i32
      %dma_wait3A_109 = arith.constant 0 : i32
      %dma_wait3A_110 = tpu.memref_slice %arg14[%dma_wait3A_108, %dma_wait3A_109] : memref<320x128xf32, #tpu.memory_space<vmem>> -> memref<128x128xf32, #tpu.memory_space<vmem>>
      %dma_wait3A_111 = tpu.memref_slice %arg11[%mul3A_107] : memref<10240xi32, #tpu.memory_space<vmem>> -> memref<128xi32, #tpu.memory_space<vmem>>
      %dma_wait3A_112 = arith.constant 0 : i32
      %dma_wait3A_113 = arith.constant 0 : i32
      %dma_wait3A_114 = tpu.memref_slice %arg3[%dma_wait3A_112, %dma_wait3A_113] : memref<1000000x128xf32, #tpu.memory_space<hbm>> -> memref<1000000x128xf32, #tpu.memory_space<hbm>>
      tpu.wait_indirect_dma semaphore(%arg20 : memref<!tpu.dma_semaphore, #tpu.memory_space<semaphore_mem>>) src(%dma_wait3A_114 : memref<1000000x128xf32, #tpu.memory_space<hbm>>) dst(%dma_wait3A_110 : memref<128x128xf32, #tpu.memory_space<vmem>>)
      %add3A_115 = arith.constant 128 : i32
      %add3A_116 = arith.addi %mul3A_107, %add3A_115 : i32
      %dma_wait3A_117 = arith.constant 128 : i32
      %dma_wait3A_118 = arith.constant 0 : i32
      %dma_wait3A_119 = tpu.memref_slice %arg14[%dma_wait3A_117, %dma_wait3A_118] : memref<320x128xf32, #tpu.memory_space<vmem>> -> memref<128x128xf32, #tpu.memory_space<vmem>>
      %dma_wait3A_120 = tpu.memref_slice %arg11[%add3A_116] : memref<10240xi32, #tpu.memory_space<vmem>> -> memref<128xi32, #tpu.memory_space<vmem>>
      %dma_wait3A_121 = arith.constant 0 : i32
      %dma_wait3A_122 = arith.constant 0 : i32
      %dma_wait3A_123 = tpu.memref_slice %arg3[%dma_wait3A_121, %dma_wait3A_122] : memref<1000000x128xf32, #tpu.memory_space<hbm>> -> memref<1000000x128xf32, #tpu.memory_space<hbm>>
      tpu.wait_indirect_dma semaphore(%arg20 : memref<!tpu.dma_semaphore, #tpu.memory_space<semaphore_mem>>) src(%dma_wait3A_123 : memref<1000000x128xf32, #tpu.memory_space<hbm>>) dst(%dma_wait3A_119 : memref<128x128xf32, #tpu.memory_space<vmem>>)
      %add3A_124 = arith.constant 256 : i32
      %add3A_125 = arith.addi %mul3A_107, %add3A_124 : i32
      %dma_wait3A_126 = arith.constant 256 : i32
      %dma_wait3A_127 = arith.constant 0 : i32
      %dma_wait3A_128 = tpu.memref_slice %arg14[%dma_wait3A_126, %dma_wait3A_127] : memref<320x128xf32, #tpu.memory_space<vmem>> -> memref<64x128xf32, #tpu.memory_space<vmem>>
      %dma_wait3A_129 = tpu.memref_slice %arg11[%add3A_125] : memref<10240xi32, #tpu.memory_space<vmem>> -> memref<64xi32, #tpu.memory_space<vmem>>
      %dma_wait3A_130 = arith.constant 0 : i32
      %dma_wait3A_131 = arith.constant 0 : i32
      %dma_wait3A_132 = tpu.memref_slice %arg3[%dma_wait3A_130, %dma_wait3A_131] : memref<1000000x128xf32, #tpu.memory_space<hbm>> -> memref<1000000x128xf32, #tpu.memory_space<hbm>>
      tpu.wait_indirect_dma semaphore(%arg20 : memref<!tpu.dma_semaphore, #tpu.memory_space<semaphore_mem>>) src(%dma_wait3A_132 : memref<1000000x128xf32, #tpu.memory_space<hbm>>) dst(%dma_wait3A_128 : memref<64x128xf32, #tpu.memory_space<vmem>>)
      %iota3A = tpu.iota {dimensions = array<i32: 0>} : vector<16xi32>
      %mul3A_133 = arith.constant 20 : i32
      %mul3A_134 = vector.broadcast %mul3A_133 : i32 to vector<16xi32>
      %mul3A_135 = arith.muli %iota3A, %mul3A_134 : vector<16xi32>
      %broadcast_in_dim3A = arith.constant 0.000000e+00 : f32
      %broadcast_in_dim3A_136 = vector.broadcast %broadcast_in_dim3A : f32 to vector<16xf32>
      %scan3A_137 = arith.constant 0 : i32
      %scan3A_138 = arith.constant 16 : i32
      %scan3A_139 = arith.addi %scan3A_137, %scan3A_138 : i32
      %scan3A_140 = arith.constant 1 : i32
      %scan3A_141:21 = scf.for %scan3A_485 = %scan3A_137 to %scan3A_139 step %scan3A_140 iter_args(%scan3A_486 = %broadcast_in_dim3A_136, %scan3A_487 = %broadcast_in_dim3A_136, %scan3A_488 = %broadcast_in_dim3A_136, %scan3A_489 = %broadcast_in_dim3A_136, %scan3A_490 = %broadcast_in_dim3A_136, %scan3A_491 = %broadcast_in_dim3A_136, %scan3A_492 = %broadcast_in_dim3A_136, %scan3A_493 = %broadcast_in_dim3A_136, %scan3A_494 = %broadcast_in_dim3A_136, %scan3A_495 = %broadcast_in_dim3A_136, %scan3A_496 = %broadcast_in_dim3A_136, %scan3A_497 = %broadcast_in_dim3A_136, %scan3A_498 = %broadcast_in_dim3A_136, %scan3A_499 = %broadcast_in_dim3A_136, %scan3A_500 = %broadcast_in_dim3A_136, %scan3A_501 = %broadcast_in_dim3A_136, %scan3A_502 = %broadcast_in_dim3A_136, %scan3A_503 = %broadcast_in_dim3A_136, %scan3A_504 = %broadcast_in_dim3A_136, %scan3A_505 = %broadcast_in_dim3A_136, %scan3A_506 = %broadcast_in_dim3A_136) -> (vector<16xf32>, vector<16xf32>, vector<16xf32>, vector<16xf32>, vector<16xf32>, vector<16xf32>, vector<16xf32>, vector<16xf32>, vector<16xf32>, vector<16xf32>, vector<16xf32>, vector<16xf32>, vector<16xf32>, vector<16xf32>, vector<16xf32>, vector<16xf32>, vector<16xf32>, vector<16xf32>, vector<16xf32>, vector<16xf32>, vector<16xf32>)  : i32 {
        %mul3A_507 = arith.constant 4 : i32
        %mul3A_508 = arith.muli %scan3A_485, %mul3A_507 : i32
        %add3A_509 = arith.constant 0 : i32
        %add3A_510 = arith.addi %mul3A_508, %add3A_509 : i32
        %add3A_511 = vector.broadcast %add3A_510 : i32 to vector<16xi32>
        %add3A_512 = arith.addi %add3A_511, %iota3A : vector<16xi32>
        %and3A = arith.constant 63 : i32
        %and3A_513 = vector.broadcast %and3A : i32 to vector<16xi32>
        %and3A_514 = arith.andi %add3A_512, %and3A_513 : vector<16xi32>
        %gather3A = tpu.vector_load_idx %arg12[%iota3A, %and3A_514] : memref<16x128xf32, #tpu.memory_space<vmem>>[vector<16xi32>, vector<16xi32>], vector<16xf32>,
        %gather3A_515 = tpu.vector_load_idx %arg13[%iota3A, %and3A_514] : memref<16x128xf32, #tpu.memory_space<vmem>>[vector<16xi32>, vector<16xi32>], vector<16xf32>,
        %mul3A_516 = arith.mulf %gather3A, %gather3A_515 : vector<16xf32>
        %add3A_517 = arith.addf %scan3A_486, %mul3A_516 : vector<16xf32>
        %add3A_518 = arith.constant 0 : i32
        %add3A_519 = vector.broadcast %add3A_518 : i32 to vector<16xi32>
        %add3A_520 = arith.addi %mul3A_135, %add3A_519 : vector<16xi32>
        %gather3A_521 = tpu.vector_load_idx %arg14[%add3A_520, %and3A_514] : memref<320x128xf32, #tpu.memory_space<vmem>>[vector<16xi32>, vector<16xi32>], vector<16xf32>,
        %mul3A_522 = arith.mulf %gather3A, %gather3A_521 : vector<16xf32>
        %add3A_523 = arith.addf %scan3A_487, %mul3A_522 : vector<16xf32>
        %add3A_524 = arith.constant 1 : i32
        %add3A_525 = vector.broadcast %add3A_524 : i32 to vector<16xi32>
        %add3A_526 = arith.addi %mul3A_135, %add3A_525 : vector<16xi32>
        %gather3A_527 = tpu.vector_load_idx %arg14[%add3A_526, %and3A_514] : memref<320x128xf32, #tpu.memory_space<vmem>>[vector<16xi32>, vector<16xi32>], vector<16xf32>,
        %mul3A_528 = arith.mulf %gather3A, %gather3A_527 : vector<16xf32>
        %add3A_529 = arith.addf %scan3A_488, %mul3A_528 : vector<16xf32>
        %add3A_530 = arith.constant 2 : i32
        %add3A_531 = vector.broadcast %add3A_530 : i32 to vector<16xi32>
        %add3A_532 = arith.addi %mul3A_135, %add3A_531 : vector<16xi32>
        %gather3A_533 = tpu.vector_load_idx %arg14[%add3A_532, %and3A_514] : memref<320x128xf32, #tpu.memory_space<vmem>>[vector<16xi32>, vector<16xi32>], vector<16xf32>,
        %mul3A_534 = arith.mulf %gather3A, %gather3A_533 : vector<16xf32>
        %add3A_535 = arith.addf %scan3A_489, %mul3A_534 : vector<16xf32>
        %add3A_536 = arith.constant 3 : i32
        %add3A_537 = vector.broadcast %add3A_536 : i32 to vector<16xi32>
        %add3A_538 = arith.addi %mul3A_135, %add3A_537 : vector<16xi32>
        %gather3A_539 = tpu.vector_load_idx %arg14[%add3A_538, %and3A_514] : memref<320x128xf32, #tpu.memory_space<vmem>>[vector<16xi32>, vector<16xi32>], vector<16xf32>,
        %mul3A_540 = arith.mulf %gather3A, %gather3A_539 : vector<16xf32>
        %add3A_541 = arith.addf %scan3A_490, %mul3A_540 : vector<16xf32>
        %add3A_542 = arith.constant 4 : i32
        %add3A_543 = vector.broadcast %add3A_542 : i32 to vector<16xi32>
        %add3A_544 = arith.addi %mul3A_135, %add3A_543 : vector<16xi32>
        %gather3A_545 = tpu.vector_load_idx %arg14[%add3A_544, %and3A_514] : memref<320x128xf32, #tpu.memory_space<vmem>>[vector<16xi32>, vector<16xi32>], vector<16xf32>,
        %mul3A_546 = arith.mulf %gather3A, %gather3A_545 : vector<16xf32>
        %add3A_547 = arith.addf %scan3A_491, %mul3A_546 : vector<16xf32>
        %add3A_548 = arith.constant 5 : i32
        %add3A_549 = vector.broadcast %add3A_548 : i32 to vector<16xi32>
        %add3A_550 = arith.addi %mul3A_135, %add3A_549 : vector<16xi32>
        %gather3A_551 = tpu.vector_load_idx %arg14[%add3A_550, %and3A_514] : memref<320x128xf32, #tpu.memory_space<vmem>>[vector<16xi32>, vector<16xi32>], vector<16xf32>,
        %mul3A_552 = arith.mulf %gather3A, %gather3A_551 : vector<16xf32>
        %add3A_553 = arith.addf %scan3A_492, %mul3A_552 : vector<16xf32>
        %add3A_554 = arith.constant 6 : i32
        %add3A_555 = vector.broadcast %add3A_554 : i32 to vector<16xi32>
        %add3A_556 = arith.addi %mul3A_135, %add3A_555 : vector<16xi32>
        %gather3A_557 = tpu.vector_load_idx %arg14[%add3A_556, %and3A_514] : memref<320x128xf32, #tpu.memory_space<vmem>>[vector<16xi32>, vector<16xi32>], vector<16xf32>,
        %mul3A_558 = arith.mulf %gather3A, %gather3A_557 : vector<16xf32>
        %add3A_559 = arith.addf %scan3A_493, %mul3A_558 : vector<16xf32>
        %add3A_560 = arith.constant 7 : i32
        %add3A_561 = vector.broadcast %add3A_560 : i32 to vector<16xi32>
        %add3A_562 = arith.addi %mul3A_135, %add3A_561 : vector<16xi32>
        %gather3A_563 = tpu.vector_load_idx %arg14[%add3A_562, %and3A_514] : memref<320x128xf32, #tpu.memory_space<vmem>>[vector<16xi32>, vector<16xi32>], vector<16xf32>,
        %mul3A_564 = arith.mulf %gather3A, %gather3A_563 : vector<16xf32>
        %add3A_565 = arith.addf %scan3A_494, %mul3A_564 : vector<16xf32>
        %add3A_566 = arith.constant 8 : i32
        %add3A_567 = vector.broadcast %add3A_566 : i32 to vector<16xi32>
        %add3A_568 = arith.addi %mul3A_135, %add3A_567 : vector<16xi32>
        %gather3A_569 = tpu.vector_load_idx %arg14[%add3A_568, %and3A_514] : memref<320x128xf32, #tpu.memory_space<vmem>>[vector<16xi32>, vector<16xi32>], vector<16xf32>,
        %mul3A_570 = arith.mulf %gather3A, %gather3A_569 : vector<16xf32>
        %add3A_571 = arith.addf %scan3A_495, %mul3A_570 : vector<16xf32>
        %add3A_572 = arith.constant 9 : i32
        %add3A_573 = vector.broadcast %add3A_572 : i32 to vector<16xi32>
        %add3A_574 = arith.addi %mul3A_135, %add3A_573 : vector<16xi32>
        %gather3A_575 = tpu.vector_load_idx %arg14[%add3A_574, %and3A_514] : memref<320x128xf32, #tpu.memory_space<vmem>>[vector<16xi32>, vector<16xi32>], vector<16xf32>,
        %mul3A_576 = arith.mulf %gather3A, %gather3A_575 : vector<16xf32>
        %add3A_577 = arith.addf %scan3A_496, %mul3A_576 : vector<16xf32>
        %add3A_578 = arith.constant 10 : i32
        %add3A_579 = vector.broadcast %add3A_578 : i32 to vector<16xi32>
        %add3A_580 = arith.addi %mul3A_135, %add3A_579 : vector<16xi32>
        %gather3A_581 = tpu.vector_load_idx %arg14[%add3A_580, %and3A_514] : memref<320x128xf32, #tpu.memory_space<vmem>>[vector<16xi32>, vector<16xi32>], vector<16xf32>,
        %mul3A_582 = arith.mulf %gather3A, %gather3A_581 : vector<16xf32>
        %add3A_583 = arith.addf %scan3A_497, %mul3A_582 : vector<16xf32>
        %add3A_584 = arith.constant 11 : i32
        %add3A_585 = vector.broadcast %add3A_584 : i32 to vector<16xi32>
        %add3A_586 = arith.addi %mul3A_135, %add3A_585 : vector<16xi32>
        %gather3A_587 = tpu.vector_load_idx %arg14[%add3A_586, %and3A_514] : memref<320x128xf32, #tpu.memory_space<vmem>>[vector<16xi32>, vector<16xi32>], vector<16xf32>,
        %mul3A_588 = arith.mulf %gather3A, %gather3A_587 : vector<16xf32>
        %add3A_589 = arith.addf %scan3A_498, %mul3A_588 : vector<16xf32>
        %add3A_590 = arith.constant 12 : i32
        %add3A_591 = vector.broadcast %add3A_590 : i32 to vector<16xi32>
        %add3A_592 = arith.addi %mul3A_135, %add3A_591 : vector<16xi32>
        %gather3A_593 = tpu.vector_load_idx %arg14[%add3A_592, %and3A_514] : memref<320x128xf32, #tpu.memory_space<vmem>>[vector<16xi32>, vector<16xi32>], vector<16xf32>,
        %mul3A_594 = arith.mulf %gather3A, %gather3A_593 : vector<16xf32>
        %add3A_595 = arith.addf %scan3A_499, %mul3A_594 : vector<16xf32>
        %add3A_596 = arith.constant 13 : i32
        %add3A_597 = vector.broadcast %add3A_596 : i32 to vector<16xi32>
        %add3A_598 = arith.addi %mul3A_135, %add3A_597 : vector<16xi32>
        %gather3A_599 = tpu.vector_load_idx %arg14[%add3A_598, %and3A_514] : memref<320x128xf32, #tpu.memory_space<vmem>>[vector<16xi32>, vector<16xi32>], vector<16xf32>,
        %mul3A_600 = arith.mulf %gather3A, %gather3A_599 : vector<16xf32>
        %add3A_601 = arith.addf %scan3A_500, %mul3A_600 : vector<16xf32>
        %add3A_602 = arith.constant 14 : i32
        %add3A_603 = vector.broadcast %add3A_602 : i32 to vector<16xi32>
        %add3A_604 = arith.addi %mul3A_135, %add3A_603 : vector<16xi32>
        %gather3A_605 = tpu.vector_load_idx %arg14[%add3A_604, %and3A_514] : memref<320x128xf32, #tpu.memory_space<vmem>>[vector<16xi32>, vector<16xi32>], vector<16xf32>,
        %mul3A_606 = arith.mulf %gather3A, %gather3A_605 : vector<16xf32>
        %add3A_607 = arith.addf %scan3A_501, %mul3A_606 : vector<16xf32>
        %add3A_608 = arith.constant 15 : i32
        %add3A_609 = vector.broadcast %add3A_608 : i32 to vector<16xi32>
        %add3A_610 = arith.addi %mul3A_135, %add3A_609 : vector<16xi32>
        %gather3A_611 = tpu.vector_load_idx %arg14[%add3A_610, %and3A_514] : memref<320x128xf32, #tpu.memory_space<vmem>>[vector<16xi32>, vector<16xi32>], vector<16xf32>,
        %mul3A_612 = arith.mulf %gather3A, %gather3A_611 : vector<16xf32>
        %add3A_613 = arith.addf %scan3A_502, %mul3A_612 : vector<16xf32>
        %add3A_614 = arith.constant 16 : i32
        %add3A_615 = vector.broadcast %add3A_614 : i32 to vector<16xi32>
        %add3A_616 = arith.addi %mul3A_135, %add3A_615 : vector<16xi32>
        %gather3A_617 = tpu.vector_load_idx %arg14[%add3A_616, %and3A_514] : memref<320x128xf32, #tpu.memory_space<vmem>>[vector<16xi32>, vector<16xi32>], vector<16xf32>,
        %mul3A_618 = arith.mulf %gather3A, %gather3A_617 : vector<16xf32>
        %add3A_619 = arith.addf %scan3A_503, %mul3A_618 : vector<16xf32>
        %add3A_620 = arith.constant 17 : i32
        %add3A_621 = vector.broadcast %add3A_620 : i32 to vector<16xi32>
        %add3A_622 = arith.addi %mul3A_135, %add3A_621 : vector<16xi32>
        %gather3A_623 = tpu.vector_load_idx %arg14[%add3A_622, %and3A_514] : memref<320x128xf32, #tpu.memory_space<vmem>>[vector<16xi32>, vector<16xi32>], vector<16xf32>,
        %mul3A_624 = arith.mulf %gather3A, %gather3A_623 : vector<16xf32>
        %add3A_625 = arith.addf %scan3A_504, %mul3A_624 : vector<16xf32>
        %add3A_626 = arith.constant 18 : i32
        %add3A_627 = vector.broadcast %add3A_626 : i32 to vector<16xi32>
        %add3A_628 = arith.addi %mul3A_135, %add3A_627 : vector<16xi32>
        %gather3A_629 = tpu.vector_load_idx %arg14[%add3A_628, %and3A_514] : memref<320x128xf32, #tpu.memory_space<vmem>>[vector<16xi32>, vector<16xi32>], vector<16xf32>,
        %mul3A_630 = arith.mulf %gather3A, %gather3A_629 : vector<16xf32>
        %add3A_631 = arith.addf %scan3A_505, %mul3A_630 : vector<16xf32>
        %add3A_632 = arith.constant 19 : i32
        %add3A_633 = vector.broadcast %add3A_632 : i32 to vector<16xi32>
        %add3A_634 = arith.addi %mul3A_135, %add3A_633 : vector<16xi32>
        %gather3A_635 = tpu.vector_load_idx %arg14[%add3A_634, %and3A_514] : memref<320x128xf32, #tpu.memory_space<vmem>>[vector<16xi32>, vector<16xi32>], vector<16xf32>,
        %mul3A_636 = arith.mulf %gather3A, %gather3A_635 : vector<16xf32>
        %add3A_637 = arith.addf %scan3A_506, %mul3A_636 : vector<16xf32>
        %mul3A_638 = arith.constant 4 : i32
        %mul3A_639 = arith.muli %scan3A_485, %mul3A_638 : i32
        %add3A_640 = arith.constant 1 : i32
        %add3A_641 = arith.addi %mul3A_639, %add3A_640 : i32
        %add3A_642 = vector.broadcast %add3A_641 : i32 to vector<16xi32>
        %add3A_643 = arith.addi %add3A_642, %iota3A : vector<16xi32>
        %and3A_644 = arith.constant 63 : i32
        %and3A_645 = vector.broadcast %and3A_644 : i32 to vector<16xi32>
        %and3A_646 = arith.andi %add3A_643, %and3A_645 : vector<16xi32>
        %gather3A_647 = tpu.vector_load_idx %arg12[%iota3A, %and3A_646] : memref<16x128xf32, #tpu.memory_space<vmem>>[vector<16xi32>, vector<16xi32>], vector<16xf32>,
        %gather3A_648 = tpu.vector_load_idx %arg13[%iota3A, %and3A_646] : memref<16x128xf32, #tpu.memory_space<vmem>>[vector<16xi32>, vector<16xi32>], vector<16xf32>,
        %mul3A_649 = arith.mulf %gather3A_647, %gather3A_648 : vector<16xf32>
        %add3A_650 = arith.addf %add3A_517, %mul3A_649 : vector<16xf32>
        %add3A_651 = arith.constant 0 : i32
        %add3A_652 = vector.broadcast %add3A_651 : i32 to vector<16xi32>
        %add3A_653 = arith.addi %mul3A_135, %add3A_652 : vector<16xi32>
        %gather3A_654 = tpu.vector_load_idx %arg14[%add3A_653, %and3A_646] : memref<320x128xf32, #tpu.memory_space<vmem>>[vector<16xi32>, vector<16xi32>], vector<16xf32>,
        %mul3A_655 = arith.mulf %gather3A_647, %gather3A_654 : vector<16xf32>
        %add3A_656 = arith.addf %add3A_523, %mul3A_655 : vector<16xf32>
        %add3A_657 = arith.constant 1 : i32
        %add3A_658 = vector.broadcast %add3A_657 : i32 to vector<16xi32>
        %add3A_659 = arith.addi %mul3A_135, %add3A_658 : vector<16xi32>
        %gather3A_660 = tpu.vector_load_idx %arg14[%add3A_659, %and3A_646] : memref<320x128xf32, #tpu.memory_space<vmem>>[vector<16xi32>, vector<16xi32>], vector<16xf32>,
        %mul3A_661 = arith.mulf %gather3A_647, %gather3A_660 : vector<16xf32>
        %add3A_662 = arith.addf %add3A_529, %mul3A_661 : vector<16xf32>
        %add3A_663 = arith.constant 2 : i32
        %add3A_664 = vector.broadcast %add3A_663 : i32 to vector<16xi32>
        %add3A_665 = arith.addi %mul3A_135, %add3A_664 : vector<16xi32>
        %gather3A_666 = tpu.vector_load_idx %arg14[%add3A_665, %and3A_646] : memref<320x128xf32, #tpu.memory_space<vmem>>[vector<16xi32>, vector<16xi32>], vector<16xf32>,
        %mul3A_667 = arith.mulf %gather3A_647, %gather3A_666 : vector<16xf32>
        %add3A_668 = arith.addf %add3A_535, %mul3A_667 : vector<16xf32>
        %add3A_669 = arith.constant 3 : i32
        %add3A_670 = vector.broadcast %add3A_669 : i32 to vector<16xi32>
        %add3A_671 = arith.addi %mul3A_135, %add3A_670 : vector<16xi32>
        %gather3A_672 = tpu.vector_load_idx %arg14[%add3A_671, %and3A_646] : memref<320x128xf32, #tpu.memory_space<vmem>>[vector<16xi32>, vector<16xi32>], vector<16xf32>,
        %mul3A_673 = arith.mulf %gather3A_647, %gather3A_672 : vector<16xf32>
        %add3A_674 = arith.addf %add3A_541, %mul3A_673 : vector<16xf32>
        %add3A_675 = arith.constant 4 : i32
        %add3A_676 = vector.broadcast %add3A_675 : i32 to vector<16xi32>
        %add3A_677 = arith.addi %mul3A_135, %add3A_676 : vector<16xi32>
        %gather3A_678 = tpu.vector_load_idx %arg14[%add3A_677, %and3A_646] : memref<320x128xf32, #tpu.memory_space<vmem>>[vector<16xi32>, vector<16xi32>], vector<16xf32>,
        %mul3A_679 = arith.mulf %gather3A_647, %gather3A_678 : vector<16xf32>
        %add3A_680 = arith.addf %add3A_547, %mul3A_679 : vector<16xf32>
        %add3A_681 = arith.constant 5 : i32
        %add3A_682 = vector.broadcast %add3A_681 : i32 to vector<16xi32>
        %add3A_683 = arith.addi %mul3A_135, %add3A_682 : vector<16xi32>
        %gather3A_684 = tpu.vector_load_idx %arg14[%add3A_683, %and3A_646] : memref<320x128xf32, #tpu.memory_space<vmem>>[vector<16xi32>, vector<16xi32>], vector<16xf32>,
        %mul3A_685 = arith.mulf %gather3A_647, %gather3A_684 : vector<16xf32>
        %add3A_686 = arith.addf %add3A_553, %mul3A_685 : vector<16xf32>
        %add3A_687 = arith.constant 6 : i32
        %add3A_688 = vector.broadcast %add3A_687 : i32 to vector<16xi32>
        %add3A_689 = arith.addi %mul3A_135, %add3A_688 : vector<16xi32>
        %gather3A_690 = tpu.vector_load_idx %arg14[%add3A_689, %and3A_646] : memref<320x128xf32, #tpu.memory_space<vmem>>[vector<16xi32>, vector<16xi32>], vector<16xf32>,
        %mul3A_691 = arith.mulf %gather3A_647, %gather3A_690 : vector<16xf32>
        %add3A_692 = arith.addf %add3A_559, %mul3A_691 : vector<16xf32>
        %add3A_693 = arith.constant 7 : i32
        %add3A_694 = vector.broadcast %add3A_693 : i32 to vector<16xi32>
        %add3A_695 = arith.addi %mul3A_135, %add3A_694 : vector<16xi32>
        %gather3A_696 = tpu.vector_load_idx %arg14[%add3A_695, %and3A_646] : memref<320x128xf32, #tpu.memory_space<vmem>>[vector<16xi32>, vector<16xi32>], vector<16xf32>,
        %mul3A_697 = arith.mulf %gather3A_647, %gather3A_696 : vector<16xf32>
        %add3A_698 = arith.addf %add3A_565, %mul3A_697 : vector<16xf32>
        %add3A_699 = arith.constant 8 : i32
        %add3A_700 = vector.broadcast %add3A_699 : i32 to vector<16xi32>
        %add3A_701 = arith.addi %mul3A_135, %add3A_700 : vector<16xi32>
        %gather3A_702 = tpu.vector_load_idx %arg14[%add3A_701, %and3A_646] : memref<320x128xf32, #tpu.memory_space<vmem>>[vector<16xi32>, vector<16xi32>], vector<16xf32>,
        %mul3A_703 = arith.mulf %gather3A_647, %gather3A_702 : vector<16xf32>
        %add3A_704 = arith.addf %add3A_571, %mul3A_703 : vector<16xf32>
        %add3A_705 = arith.constant 9 : i32
        %add3A_706 = vector.broadcast %add3A_705 : i32 to vector<16xi32>
        %add3A_707 = arith.addi %mul3A_135, %add3A_706 : vector<16xi32>
        %gather3A_708 = tpu.vector_load_idx %arg14[%add3A_707, %and3A_646] : memref<320x128xf32, #tpu.memory_space<vmem>>[vector<16xi32>, vector<16xi32>], vector<16xf32>,
        %mul3A_709 = arith.mulf %gather3A_647, %gather3A_708 : vector<16xf32>
        %add3A_710 = arith.addf %add3A_577, %mul3A_709 : vector<16xf32>
        %add3A_711 = arith.constant 10 : i32
        %add3A_712 = vector.broadcast %add3A_711 : i32 to vector<16xi32>
        %add3A_713 = arith.addi %mul3A_135, %add3A_712 : vector<16xi32>
        %gather3A_714 = tpu.vector_load_idx %arg14[%add3A_713, %and3A_646] : memref<320x128xf32, #tpu.memory_space<vmem>>[vector<16xi32>, vector<16xi32>], vector<16xf32>,
        %mul3A_715 = arith.mulf %gather3A_647, %gather3A_714 : vector<16xf32>
        %add3A_716 = arith.addf %add3A_583, %mul3A_715 : vector<16xf32>
        %add3A_717 = arith.constant 11 : i32
        %add3A_718 = vector.broadcast %add3A_717 : i32 to vector<16xi32>
        %add3A_719 = arith.addi %mul3A_135, %add3A_718 : vector<16xi32>
        %gather3A_720 = tpu.vector_load_idx %arg14[%add3A_719, %and3A_646] : memref<320x128xf32, #tpu.memory_space<vmem>>[vector<16xi32>, vector<16xi32>], vector<16xf32>,
        %mul3A_721 = arith.mulf %gather3A_647, %gather3A_720 : vector<16xf32>
        %add3A_722 = arith.addf %add3A_589, %mul3A_721 : vector<16xf32>
        %add3A_723 = arith.constant 12 : i32
        %add3A_724 = vector.broadcast %add3A_723 : i32 to vector<16xi32>
        %add3A_725 = arith.addi %mul3A_135, %add3A_724 : vector<16xi32>
        %gather3A_726 = tpu.vector_load_idx %arg14[%add3A_725, %and3A_646] : memref<320x128xf32, #tpu.memory_space<vmem>>[vector<16xi32>, vector<16xi32>], vector<16xf32>,
        %mul3A_727 = arith.mulf %gather3A_647, %gather3A_726 : vector<16xf32>
        %add3A_728 = arith.addf %add3A_595, %mul3A_727 : vector<16xf32>
        %add3A_729 = arith.constant 13 : i32
        %add3A_730 = vector.broadcast %add3A_729 : i32 to vector<16xi32>
        %add3A_731 = arith.addi %mul3A_135, %add3A_730 : vector<16xi32>
        %gather3A_732 = tpu.vector_load_idx %arg14[%add3A_731, %and3A_646] : memref<320x128xf32, #tpu.memory_space<vmem>>[vector<16xi32>, vector<16xi32>], vector<16xf32>,
        %mul3A_733 = arith.mulf %gather3A_647, %gather3A_732 : vector<16xf32>
        %add3A_734 = arith.addf %add3A_601, %mul3A_733 : vector<16xf32>
        %add3A_735 = arith.constant 14 : i32
        %add3A_736 = vector.broadcast %add3A_735 : i32 to vector<16xi32>
        %add3A_737 = arith.addi %mul3A_135, %add3A_736 : vector<16xi32>
        %gather3A_738 = tpu.vector_load_idx %arg14[%add3A_737, %and3A_646] : memref<320x128xf32, #tpu.memory_space<vmem>>[vector<16xi32>, vector<16xi32>], vector<16xf32>,
        %mul3A_739 = arith.mulf %gather3A_647, %gather3A_738 : vector<16xf32>
        %add3A_740 = arith.addf %add3A_607, %mul3A_739 : vector<16xf32>
        %add3A_741 = arith.constant 15 : i32
        %add3A_742 = vector.broadcast %add3A_741 : i32 to vector<16xi32>
        %add3A_743 = arith.addi %mul3A_135, %add3A_742 : vector<16xi32>
        %gather3A_744 = tpu.vector_load_idx %arg14[%add3A_743, %and3A_646] : memref<320x128xf32, #tpu.memory_space<vmem>>[vector<16xi32>, vector<16xi32>], vector<16xf32>,
        %mul3A_745 = arith.mulf %gather3A_647, %gather3A_744 : vector<16xf32>
        %add3A_746 = arith.addf %add3A_613, %mul3A_745 : vector<16xf32>
        %add3A_747 = arith.constant 16 : i32
        %add3A_748 = vector.broadcast %add3A_747 : i32 to vector<16xi32>
        %add3A_749 = arith.addi %mul3A_135, %add3A_748 : vector<16xi32>
        %gather3A_750 = tpu.vector_load_idx %arg14[%add3A_749, %and3A_646] : memref<320x128xf32, #tpu.memory_space<vmem>>[vector<16xi32>, vector<16xi32>], vector<16xf32>,
        %mul3A_751 = arith.mulf %gather3A_647, %gather3A_750 : vector<16xf32>
        %add3A_752 = arith.addf %add3A_619, %mul3A_751 : vector<16xf32>
        %add3A_753 = arith.constant 17 : i32
        %add3A_754 = vector.broadcast %add3A_753 : i32 to vector<16xi32>
        %add3A_755 = arith.addi %mul3A_135, %add3A_754 : vector<16xi32>
        %gather3A_756 = tpu.vector_load_idx %arg14[%add3A_755, %and3A_646] : memref<320x128xf32, #tpu.memory_space<vmem>>[vector<16xi32>, vector<16xi32>], vector<16xf32>,
        %mul3A_757 = arith.mulf %gather3A_647, %gather3A_756 : vector<16xf32>
        %add3A_758 = arith.addf %add3A_625, %mul3A_757 : vector<16xf32>
        %add3A_759 = arith.constant 18 : i32
        %add3A_760 = vector.broadcast %add3A_759 : i32 to vector<16xi32>
        %add3A_761 = arith.addi %mul3A_135, %add3A_760 : vector<16xi32>
        %gather3A_762 = tpu.vector_load_idx %arg14[%add3A_761, %and3A_646] : memref<320x128xf32, #tpu.memory_space<vmem>>[vector<16xi32>, vector<16xi32>], vector<16xf32>,
        %mul3A_763 = arith.mulf %gather3A_647, %gather3A_762 : vector<16xf32>
        %add3A_764 = arith.addf %add3A_631, %mul3A_763 : vector<16xf32>
        %add3A_765 = arith.constant 19 : i32
        %add3A_766 = vector.broadcast %add3A_765 : i32 to vector<16xi32>
        %add3A_767 = arith.addi %mul3A_135, %add3A_766 : vector<16xi32>
        %gather3A_768 = tpu.vector_load_idx %arg14[%add3A_767, %and3A_646] : memref<320x128xf32, #tpu.memory_space<vmem>>[vector<16xi32>, vector<16xi32>], vector<16xf32>,
        %mul3A_769 = arith.mulf %gather3A_647, %gather3A_768 : vector<16xf32>
        %add3A_770 = arith.addf %add3A_637, %mul3A_769 : vector<16xf32>
        %mul3A_771 = arith.constant 4 : i32
        %mul3A_772 = arith.muli %scan3A_485, %mul3A_771 : i32
        %add3A_773 = arith.constant 2 : i32
        %add3A_774 = arith.addi %mul3A_772, %add3A_773 : i32
        %add3A_775 = vector.broadcast %add3A_774 : i32 to vector<16xi32>
        %add3A_776 = arith.addi %add3A_775, %iota3A : vector<16xi32>
        %and3A_777 = arith.constant 63 : i32
        %and3A_778 = vector.broadcast %and3A_777 : i32 to vector<16xi32>
        %and3A_779 = arith.andi %add3A_776, %and3A_778 : vector<16xi32>
        %gather3A_780 = tpu.vector_load_idx %arg12[%iota3A, %and3A_779] : memref<16x128xf32, #tpu.memory_space<vmem>>[vector<16xi32>, vector<16xi32>], vector<16xf32>,
        %gather3A_781 = tpu.vector_load_idx %arg13[%iota3A, %and3A_779] : memref<16x128xf32, #tpu.memory_space<vmem>>[vector<16xi32>, vector<16xi32>], vector<16xf32>,
        %mul3A_782 = arith.mulf %gather3A_780, %gather3A_781 : vector<16xf32>
        %add3A_783 = arith.addf %add3A_650, %mul3A_782 : vector<16xf32>
        %add3A_784 = arith.constant 0 : i32
        %add3A_785 = vector.broadcast %add3A_784 : i32 to vector<16xi32>
        %add3A_786 = arith.addi %mul3A_135, %add3A_785 : vector<16xi32>
        %gather3A_787 = tpu.vector_load_idx %arg14[%add3A_786, %and3A_779] : memref<320x128xf32, #tpu.memory_space<vmem>>[vector<16xi32>, vector<16xi32>], vector<16xf32>,
        %mul3A_788 = arith.mulf %gather3A_780, %gather3A_787 : vector<16xf32>
        %add3A_789 = arith.addf %add3A_656, %mul3A_788 : vector<16xf32>
        %add3A_790 = arith.constant 1 : i32
        %add3A_791 = vector.broadcast %add3A_790 : i32 to vector<16xi32>
        %add3A_792 = arith.addi %mul3A_135, %add3A_791 : vector<16xi32>
        %gather3A_793 = tpu.vector_load_idx %arg14[%add3A_792, %and3A_779] : memref<320x128xf32, #tpu.memory_space<vmem>>[vector<16xi32>, vector<16xi32>], vector<16xf32>,
        %mul3A_794 = arith.mulf %gather3A_780, %gather3A_793 : vector<16xf32>
        %add3A_795 = arith.addf %add3A_662, %mul3A_794 : vector<16xf32>
        %add3A_796 = arith.constant 2 : i32
        %add3A_797 = vector.broadcast %add3A_796 : i32 to vector<16xi32>
        %add3A_798 = arith.addi %mul3A_135, %add3A_797 : vector<16xi32>
        %gather3A_799 = tpu.vector_load_idx %arg14[%add3A_798, %and3A_779] : memref<320x128xf32, #tpu.memory_space<vmem>>[vector<16xi32>, vector<16xi32>], vector<16xf32>,
        %mul3A_800 = arith.mulf %gather3A_780, %gather3A_799 : vector<16xf32>
        %add3A_801 = arith.addf %add3A_668, %mul3A_800 : vector<16xf32>
        %add3A_802 = arith.constant 3 : i32
        %add3A_803 = vector.broadcast %add3A_802 : i32 to vector<16xi32>
        %add3A_804 = arith.addi %mul3A_135, %add3A_803 : vector<16xi32>
        %gather3A_805 = tpu.vector_load_idx %arg14[%add3A_804, %and3A_779] : memref<320x128xf32, #tpu.memory_space<vmem>>[vector<16xi32>, vector<16xi32>], vector<16xf32>,
        %mul3A_806 = arith.mulf %gather3A_780, %gather3A_805 : vector<16xf32>
        %add3A_807 = arith.addf %add3A_674, %mul3A_806 : vector<16xf32>
        %add3A_808 = arith.constant 4 : i32
        %add3A_809 = vector.broadcast %add3A_808 : i32 to vector<16xi32>
        %add3A_810 = arith.addi %mul3A_135, %add3A_809 : vector<16xi32>
        %gather3A_811 = tpu.vector_load_idx %arg14[%add3A_810, %and3A_779] : memref<320x128xf32, #tpu.memory_space<vmem>>[vector<16xi32>, vector<16xi32>], vector<16xf32>,
        %mul3A_812 = arith.mulf %gather3A_780, %gather3A_811 : vector<16xf32>
        %add3A_813 = arith.addf %add3A_680, %mul3A_812 : vector<16xf32>
        %add3A_814 = arith.constant 5 : i32
        %add3A_815 = vector.broadcast %add3A_814 : i32 to vector<16xi32>
        %add3A_816 = arith.addi %mul3A_135, %add3A_815 : vector<16xi32>
        %gather3A_817 = tpu.vector_load_idx %arg14[%add3A_816, %and3A_779] : memref<320x128xf32, #tpu.memory_space<vmem>>[vector<16xi32>, vector<16xi32>], vector<16xf32>,
        %mul3A_818 = arith.mulf %gather3A_780, %gather3A_817 : vector<16xf32>
        %add3A_819 = arith.addf %add3A_686, %mul3A_818 : vector<16xf32>
        %add3A_820 = arith.constant 6 : i32
        %add3A_821 = vector.broadcast %add3A_820 : i32 to vector<16xi32>
        %add3A_822 = arith.addi %mul3A_135, %add3A_821 : vector<16xi32>
        %gather3A_823 = tpu.vector_load_idx %arg14[%add3A_822, %and3A_779] : memref<320x128xf32, #tpu.memory_space<vmem>>[vector<16xi32>, vector<16xi32>], vector<16xf32>,
        %mul3A_824 = arith.mulf %gather3A_780, %gather3A_823 : vector<16xf32>
        %add3A_825 = arith.addf %add3A_692, %mul3A_824 : vector<16xf32>
        %add3A_826 = arith.constant 7 : i32
        %add3A_827 = vector.broadcast %add3A_826 : i32 to vector<16xi32>
        %add3A_828 = arith.addi %mul3A_135, %add3A_827 : vector<16xi32>
        %gather3A_829 = tpu.vector_load_idx %arg14[%add3A_828, %and3A_779] : memref<320x128xf32, #tpu.memory_space<vmem>>[vector<16xi32>, vector<16xi32>], vector<16xf32>,
        %mul3A_830 = arith.mulf %gather3A_780, %gather3A_829 : vector<16xf32>
        %add3A_831 = arith.addf %add3A_698, %mul3A_830 : vector<16xf32>
        %add3A_832 = arith.constant 8 : i32
        %add3A_833 = vector.broadcast %add3A_832 : i32 to vector<16xi32>
        %add3A_834 = arith.addi %mul3A_135, %add3A_833 : vector<16xi32>
        %gather3A_835 = tpu.vector_load_idx %arg14[%add3A_834, %and3A_779] : memref<320x128xf32, #tpu.memory_space<vmem>>[vector<16xi32>, vector<16xi32>], vector<16xf32>,
        %mul3A_836 = arith.mulf %gather3A_780, %gather3A_835 : vector<16xf32>
        %add3A_837 = arith.addf %add3A_704, %mul3A_836 : vector<16xf32>
        %add3A_838 = arith.constant 9 : i32
        %add3A_839 = vector.broadcast %add3A_838 : i32 to vector<16xi32>
        %add3A_840 = arith.addi %mul3A_135, %add3A_839 : vector<16xi32>
        %gather3A_841 = tpu.vector_load_idx %arg14[%add3A_840, %and3A_779] : memref<320x128xf32, #tpu.memory_space<vmem>>[vector<16xi32>, vector<16xi32>], vector<16xf32>,
        %mul3A_842 = arith.mulf %gather3A_780, %gather3A_841 : vector<16xf32>
        %add3A_843 = arith.addf %add3A_710, %mul3A_842 : vector<16xf32>
        %add3A_844 = arith.constant 10 : i32
        %add3A_845 = vector.broadcast %add3A_844 : i32 to vector<16xi32>
        %add3A_846 = arith.addi %mul3A_135, %add3A_845 : vector<16xi32>
        %gather3A_847 = tpu.vector_load_idx %arg14[%add3A_846, %and3A_779] : memref<320x128xf32, #tpu.memory_space<vmem>>[vector<16xi32>, vector<16xi32>], vector<16xf32>,
        %mul3A_848 = arith.mulf %gather3A_780, %gather3A_847 : vector<16xf32>
        %add3A_849 = arith.addf %add3A_716, %mul3A_848 : vector<16xf32>
        %add3A_850 = arith.constant 11 : i32
        %add3A_851 = vector.broadcast %add3A_850 : i32 to vector<16xi32>
        %add3A_852 = arith.addi %mul3A_135, %add3A_851 : vector<16xi32>
        %gather3A_853 = tpu.vector_load_idx %arg14[%add3A_852, %and3A_779] : memref<320x128xf32, #tpu.memory_space<vmem>>[vector<16xi32>, vector<16xi32>], vector<16xf32>,
        %mul3A_854 = arith.mulf %gather3A_780, %gather3A_853 : vector<16xf32>
        %add3A_855 = arith.addf %add3A_722, %mul3A_854 : vector<16xf32>
        %add3A_856 = arith.constant 12 : i32
        %add3A_857 = vector.broadcast %add3A_856 : i32 to vector<16xi32>
        %add3A_858 = arith.addi %mul3A_135, %add3A_857 : vector<16xi32>
        %gather3A_859 = tpu.vector_load_idx %arg14[%add3A_858, %and3A_779] : memref<320x128xf32, #tpu.memory_space<vmem>>[vector<16xi32>, vector<16xi32>], vector<16xf32>,
        %mul3A_860 = arith.mulf %gather3A_780, %gather3A_859 : vector<16xf32>
        %add3A_861 = arith.addf %add3A_728, %mul3A_860 : vector<16xf32>
        %add3A_862 = arith.constant 13 : i32
        %add3A_863 = vector.broadcast %add3A_862 : i32 to vector<16xi32>
        %add3A_864 = arith.addi %mul3A_135, %add3A_863 : vector<16xi32>
        %gather3A_865 = tpu.vector_load_idx %arg14[%add3A_864, %and3A_779] : memref<320x128xf32, #tpu.memory_space<vmem>>[vector<16xi32>, vector<16xi32>], vector<16xf32>,
        %mul3A_866 = arith.mulf %gather3A_780, %gather3A_865 : vector<16xf32>
        %add3A_867 = arith.addf %add3A_734, %mul3A_866 : vector<16xf32>
        %add3A_868 = arith.constant 14 : i32
        %add3A_869 = vector.broadcast %add3A_868 : i32 to vector<16xi32>
        %add3A_870 = arith.addi %mul3A_135, %add3A_869 : vector<16xi32>
        %gather3A_871 = tpu.vector_load_idx %arg14[%add3A_870, %and3A_779] : memref<320x128xf32, #tpu.memory_space<vmem>>[vector<16xi32>, vector<16xi32>], vector<16xf32>,
        %mul3A_872 = arith.mulf %gather3A_780, %gather3A_871 : vector<16xf32>
        %add3A_873 = arith.addf %add3A_740, %mul3A_872 : vector<16xf32>
        %add3A_874 = arith.constant 15 : i32
        %add3A_875 = vector.broadcast %add3A_874 : i32 to vector<16xi32>
        %add3A_876 = arith.addi %mul3A_135, %add3A_875 : vector<16xi32>
        %gather3A_877 = tpu.vector_load_idx %arg14[%add3A_876, %and3A_779] : memref<320x128xf32, #tpu.memory_space<vmem>>[vector<16xi32>, vector<16xi32>], vector<16xf32>,
        %mul3A_878 = arith.mulf %gather3A_780, %gather3A_877 : vector<16xf32>
        %add3A_879 = arith.addf %add3A_746, %mul3A_878 : vector<16xf32>
        %add3A_880 = arith.constant 16 : i32
        %add3A_881 = vector.broadcast %add3A_880 : i32 to vector<16xi32>
        %add3A_882 = arith.addi %mul3A_135, %add3A_881 : vector<16xi32>
        %gather3A_883 = tpu.vector_load_idx %arg14[%add3A_882, %and3A_779] : memref<320x128xf32, #tpu.memory_space<vmem>>[vector<16xi32>, vector<16xi32>], vector<16xf32>,
        %mul3A_884 = arith.mulf %gather3A_780, %gather3A_883 : vector<16xf32>
        %add3A_885 = arith.addf %add3A_752, %mul3A_884 : vector<16xf32>
        %add3A_886 = arith.constant 17 : i32
        %add3A_887 = vector.broadcast %add3A_886 : i32 to vector<16xi32>
        %add3A_888 = arith.addi %mul3A_135, %add3A_887 : vector<16xi32>
        %gather3A_889 = tpu.vector_load_idx %arg14[%add3A_888, %and3A_779] : memref<320x128xf32, #tpu.memory_space<vmem>>[vector<16xi32>, vector<16xi32>], vector<16xf32>,
        %mul3A_890 = arith.mulf %gather3A_780, %gather3A_889 : vector<16xf32>
        %add3A_891 = arith.addf %add3A_758, %mul3A_890 : vector<16xf32>
        %add3A_892 = arith.constant 18 : i32
        %add3A_893 = vector.broadcast %add3A_892 : i32 to vector<16xi32>
        %add3A_894 = arith.addi %mul3A_135, %add3A_893 : vector<16xi32>
        %gather3A_895 = tpu.vector_load_idx %arg14[%add3A_894, %and3A_779] : memref<320x128xf32, #tpu.memory_space<vmem>>[vector<16xi32>, vector<16xi32>], vector<16xf32>,
        %mul3A_896 = arith.mulf %gather3A_780, %gather3A_895 : vector<16xf32>
        %add3A_897 = arith.addf %add3A_764, %mul3A_896 : vector<16xf32>
        %add3A_898 = arith.constant 19 : i32
        %add3A_899 = vector.broadcast %add3A_898 : i32 to vector<16xi32>
        %add3A_900 = arith.addi %mul3A_135, %add3A_899 : vector<16xi32>
        %gather3A_901 = tpu.vector_load_idx %arg14[%add3A_900, %and3A_779] : memref<320x128xf32, #tpu.memory_space<vmem>>[vector<16xi32>, vector<16xi32>], vector<16xf32>,
        %mul3A_902 = arith.mulf %gather3A_780, %gather3A_901 : vector<16xf32>
        %add3A_903 = arith.addf %add3A_770, %mul3A_902 : vector<16xf32>
        %mul3A_904 = arith.constant 4 : i32
        %mul3A_905 = arith.muli %scan3A_485, %mul3A_904 : i32
        %add3A_906 = arith.constant 3 : i32
        %add3A_907 = arith.addi %mul3A_905, %add3A_906 : i32
        %add3A_908 = vector.broadcast %add3A_907 : i32 to vector<16xi32>
        %add3A_909 = arith.addi %add3A_908, %iota3A : vector<16xi32>
        %and3A_910 = arith.constant 63 : i32
        %and3A_911 = vector.broadcast %and3A_910 : i32 to vector<16xi32>
        %and3A_912 = arith.andi %add3A_909, %and3A_911 : vector<16xi32>
        %gather3A_913 = tpu.vector_load_idx %arg12[%iota3A, %and3A_912] : memref<16x128xf32, #tpu.memory_space<vmem>>[vector<16xi32>, vector<16xi32>], vector<16xf32>,
        %gather3A_914 = tpu.vector_load_idx %arg13[%iota3A, %and3A_912] : memref<16x128xf32, #tpu.memory_space<vmem>>[vector<16xi32>, vector<16xi32>], vector<16xf32>,
        %mul3A_915 = arith.mulf %gather3A_913, %gather3A_914 : vector<16xf32>
        %add3A_916 = arith.addf %add3A_783, %mul3A_915 : vector<16xf32>
        %add3A_917 = arith.constant 0 : i32
        %add3A_918 = vector.broadcast %add3A_917 : i32 to vector<16xi32>
        %add3A_919 = arith.addi %mul3A_135, %add3A_918 : vector<16xi32>
        %gather3A_920 = tpu.vector_load_idx %arg14[%add3A_919, %and3A_912] : memref<320x128xf32, #tpu.memory_space<vmem>>[vector<16xi32>, vector<16xi32>], vector<16xf32>,
        %mul3A_921 = arith.mulf %gather3A_913, %gather3A_920 : vector<16xf32>
        %add3A_922 = arith.addf %add3A_789, %mul3A_921 : vector<16xf32>
        %add3A_923 = arith.constant 1 : i32
        %add3A_924 = vector.broadcast %add3A_923 : i32 to vector<16xi32>
        %add3A_925 = arith.addi %mul3A_135, %add3A_924 : vector<16xi32>
        %gather3A_926 = tpu.vector_load_idx %arg14[%add3A_925, %and3A_912] : memref<320x128xf32, #tpu.memory_space<vmem>>[vector<16xi32>, vector<16xi32>], vector<16xf32>,
        %mul3A_927 = arith.mulf %gather3A_913, %gather3A_926 : vector<16xf32>
        %add3A_928 = arith.addf %add3A_795, %mul3A_927 : vector<16xf32>
        %add3A_929 = arith.constant 2 : i32
        %add3A_930 = vector.broadcast %add3A_929 : i32 to vector<16xi32>
        %add3A_931 = arith.addi %mul3A_135, %add3A_930 : vector<16xi32>
        %gather3A_932 = tpu.vector_load_idx %arg14[%add3A_931, %and3A_912] : memref<320x128xf32, #tpu.memory_space<vmem>>[vector<16xi32>, vector<16xi32>], vector<16xf32>,
        %mul3A_933 = arith.mulf %gather3A_913, %gather3A_932 : vector<16xf32>
        %add3A_934 = arith.addf %add3A_801, %mul3A_933 : vector<16xf32>
        %add3A_935 = arith.constant 3 : i32
        %add3A_936 = vector.broadcast %add3A_935 : i32 to vector<16xi32>
        %add3A_937 = arith.addi %mul3A_135, %add3A_936 : vector<16xi32>
        %gather3A_938 = tpu.vector_load_idx %arg14[%add3A_937, %and3A_912] : memref<320x128xf32, #tpu.memory_space<vmem>>[vector<16xi32>, vector<16xi32>], vector<16xf32>,
        %mul3A_939 = arith.mulf %gather3A_913, %gather3A_938 : vector<16xf32>
        %add3A_940 = arith.addf %add3A_807, %mul3A_939 : vector<16xf32>
        %add3A_941 = arith.constant 4 : i32
        %add3A_942 = vector.broadcast %add3A_941 : i32 to vector<16xi32>
        %add3A_943 = arith.addi %mul3A_135, %add3A_942 : vector<16xi32>
        %gather3A_944 = tpu.vector_load_idx %arg14[%add3A_943, %and3A_912] : memref<320x128xf32, #tpu.memory_space<vmem>>[vector<16xi32>, vector<16xi32>], vector<16xf32>,
        %mul3A_945 = arith.mulf %gather3A_913, %gather3A_944 : vector<16xf32>
        %add3A_946 = arith.addf %add3A_813, %mul3A_945 : vector<16xf32>
        %add3A_947 = arith.constant 5 : i32
        %add3A_948 = vector.broadcast %add3A_947 : i32 to vector<16xi32>
        %add3A_949 = arith.addi %mul3A_135, %add3A_948 : vector<16xi32>
        %gather3A_950 = tpu.vector_load_idx %arg14[%add3A_949, %and3A_912] : memref<320x128xf32, #tpu.memory_space<vmem>>[vector<16xi32>, vector<16xi32>], vector<16xf32>,
        %mul3A_951 = arith.mulf %gather3A_913, %gather3A_950 : vector<16xf32>
        %add3A_952 = arith.addf %add3A_819, %mul3A_951 : vector<16xf32>
        %add3A_953 = arith.constant 6 : i32
        %add3A_954 = vector.broadcast %add3A_953 : i32 to vector<16xi32>
        %add3A_955 = arith.addi %mul3A_135, %add3A_954 : vector<16xi32>
        %gather3A_956 = tpu.vector_load_idx %arg14[%add3A_955, %and3A_912] : memref<320x128xf32, #tpu.memory_space<vmem>>[vector<16xi32>, vector<16xi32>], vector<16xf32>,
        %mul3A_957 = arith.mulf %gather3A_913, %gather3A_956 : vector<16xf32>
        %add3A_958 = arith.addf %add3A_825, %mul3A_957 : vector<16xf32>
        %add3A_959 = arith.constant 7 : i32
        %add3A_960 = vector.broadcast %add3A_959 : i32 to vector<16xi32>
        %add3A_961 = arith.addi %mul3A_135, %add3A_960 : vector<16xi32>
        %gather3A_962 = tpu.vector_load_idx %arg14[%add3A_961, %and3A_912] : memref<320x128xf32, #tpu.memory_space<vmem>>[vector<16xi32>, vector<16xi32>], vector<16xf32>,
        %mul3A_963 = arith.mulf %gather3A_913, %gather3A_962 : vector<16xf32>
        %add3A_964 = arith.addf %add3A_831, %mul3A_963 : vector<16xf32>
        %add3A_965 = arith.constant 8 : i32
        %add3A_966 = vector.broadcast %add3A_965 : i32 to vector<16xi32>
        %add3A_967 = arith.addi %mul3A_135, %add3A_966 : vector<16xi32>
        %gather3A_968 = tpu.vector_load_idx %arg14[%add3A_967, %and3A_912] : memref<320x128xf32, #tpu.memory_space<vmem>>[vector<16xi32>, vector<16xi32>], vector<16xf32>,
        %mul3A_969 = arith.mulf %gather3A_913, %gather3A_968 : vector<16xf32>
        %add3A_970 = arith.addf %add3A_837, %mul3A_969 : vector<16xf32>
        %add3A_971 = arith.constant 9 : i32
        %add3A_972 = vector.broadcast %add3A_971 : i32 to vector<16xi32>
        %add3A_973 = arith.addi %mul3A_135, %add3A_972 : vector<16xi32>
        %gather3A_974 = tpu.vector_load_idx %arg14[%add3A_973, %and3A_912] : memref<320x128xf32, #tpu.memory_space<vmem>>[vector<16xi32>, vector<16xi32>], vector<16xf32>,
        %mul3A_975 = arith.mulf %gather3A_913, %gather3A_974 : vector<16xf32>
        %add3A_976 = arith.addf %add3A_843, %mul3A_975 : vector<16xf32>
        %add3A_977 = arith.constant 10 : i32
        %add3A_978 = vector.broadcast %add3A_977 : i32 to vector<16xi32>
        %add3A_979 = arith.addi %mul3A_135, %add3A_978 : vector<16xi32>
        %gather3A_980 = tpu.vector_load_idx %arg14[%add3A_979, %and3A_912] : memref<320x128xf32, #tpu.memory_space<vmem>>[vector<16xi32>, vector<16xi32>], vector<16xf32>,
        %mul3A_981 = arith.mulf %gather3A_913, %gather3A_980 : vector<16xf32>
        %add3A_982 = arith.addf %add3A_849, %mul3A_981 : vector<16xf32>
        %add3A_983 = arith.constant 11 : i32
        %add3A_984 = vector.broadcast %add3A_983 : i32 to vector<16xi32>
        %add3A_985 = arith.addi %mul3A_135, %add3A_984 : vector<16xi32>
        %gather3A_986 = tpu.vector_load_idx %arg14[%add3A_985, %and3A_912] : memref<320x128xf32, #tpu.memory_space<vmem>>[vector<16xi32>, vector<16xi32>], vector<16xf32>,
        %mul3A_987 = arith.mulf %gather3A_913, %gather3A_986 : vector<16xf32>
        %add3A_988 = arith.addf %add3A_855, %mul3A_987 : vector<16xf32>
        %add3A_989 = arith.constant 12 : i32
        %add3A_990 = vector.broadcast %add3A_989 : i32 to vector<16xi32>
        %add3A_991 = arith.addi %mul3A_135, %add3A_990 : vector<16xi32>
        %gather3A_992 = tpu.vector_load_idx %arg14[%add3A_991, %and3A_912] : memref<320x128xf32, #tpu.memory_space<vmem>>[vector<16xi32>, vector<16xi32>], vector<16xf32>,
        %mul3A_993 = arith.mulf %gather3A_913, %gather3A_992 : vector<16xf32>
        %add3A_994 = arith.addf %add3A_861, %mul3A_993 : vector<16xf32>
        %add3A_995 = arith.constant 13 : i32
        %add3A_996 = vector.broadcast %add3A_995 : i32 to vector<16xi32>
        %add3A_997 = arith.addi %mul3A_135, %add3A_996 : vector<16xi32>
        %gather3A_998 = tpu.vector_load_idx %arg14[%add3A_997, %and3A_912] : memref<320x128xf32, #tpu.memory_space<vmem>>[vector<16xi32>, vector<16xi32>], vector<16xf32>,
        %mul3A_999 = arith.mulf %gather3A_913, %gather3A_998 : vector<16xf32>
        %add3A_1000 = arith.addf %add3A_867, %mul3A_999 : vector<16xf32>
        %add3A_1001 = arith.constant 14 : i32
        %add3A_1002 = vector.broadcast %add3A_1001 : i32 to vector<16xi32>
        %add3A_1003 = arith.addi %mul3A_135, %add3A_1002 : vector<16xi32>
        %gather3A_1004 = tpu.vector_load_idx %arg14[%add3A_1003, %and3A_912] : memref<320x128xf32, #tpu.memory_space<vmem>>[vector<16xi32>, vector<16xi32>], vector<16xf32>,
        %mul3A_1005 = arith.mulf %gather3A_913, %gather3A_1004 : vector<16xf32>
        %add3A_1006 = arith.addf %add3A_873, %mul3A_1005 : vector<16xf32>
        %add3A_1007 = arith.constant 15 : i32
        %add3A_1008 = vector.broadcast %add3A_1007 : i32 to vector<16xi32>
        %add3A_1009 = arith.addi %mul3A_135, %add3A_1008 : vector<16xi32>
        %gather3A_1010 = tpu.vector_load_idx %arg14[%add3A_1009, %and3A_912] : memref<320x128xf32, #tpu.memory_space<vmem>>[vector<16xi32>, vector<16xi32>], vector<16xf32>,
        %mul3A_1011 = arith.mulf %gather3A_913, %gather3A_1010 : vector<16xf32>
        %add3A_1012 = arith.addf %add3A_879, %mul3A_1011 : vector<16xf32>
        %add3A_1013 = arith.constant 16 : i32
        %add3A_1014 = vector.broadcast %add3A_1013 : i32 to vector<16xi32>
        %add3A_1015 = arith.addi %mul3A_135, %add3A_1014 : vector<16xi32>
        %gather3A_1016 = tpu.vector_load_idx %arg14[%add3A_1015, %and3A_912] : memref<320x128xf32, #tpu.memory_space<vmem>>[vector<16xi32>, vector<16xi32>], vector<16xf32>,
        %mul3A_1017 = arith.mulf %gather3A_913, %gather3A_1016 : vector<16xf32>
        %add3A_1018 = arith.addf %add3A_885, %mul3A_1017 : vector<16xf32>
        %add3A_1019 = arith.constant 17 : i32
        %add3A_1020 = vector.broadcast %add3A_1019 : i32 to vector<16xi32>
        %add3A_1021 = arith.addi %mul3A_135, %add3A_1020 : vector<16xi32>
        %gather3A_1022 = tpu.vector_load_idx %arg14[%add3A_1021, %and3A_912] : memref<320x128xf32, #tpu.memory_space<vmem>>[vector<16xi32>, vector<16xi32>], vector<16xf32>,
        %mul3A_1023 = arith.mulf %gather3A_913, %gather3A_1022 : vector<16xf32>
        %add3A_1024 = arith.addf %add3A_891, %mul3A_1023 : vector<16xf32>
        %add3A_1025 = arith.constant 18 : i32
        %add3A_1026 = vector.broadcast %add3A_1025 : i32 to vector<16xi32>
        %add3A_1027 = arith.addi %mul3A_135, %add3A_1026 : vector<16xi32>
        %gather3A_1028 = tpu.vector_load_idx %arg14[%add3A_1027, %and3A_912] : memref<320x128xf32, #tpu.memory_space<vmem>>[vector<16xi32>, vector<16xi32>], vector<16xf32>,
        %mul3A_1029 = arith.mulf %gather3A_913, %gather3A_1028 : vector<16xf32>
        %add3A_1030 = arith.addf %add3A_897, %mul3A_1029 : vector<16xf32>
        %add3A_1031 = arith.constant 19 : i32
        %add3A_1032 = vector.broadcast %add3A_1031 : i32 to vector<16xi32>
        %add3A_1033 = arith.addi %mul3A_135, %add3A_1032 : vector<16xi32>
        %gather3A_1034 = tpu.vector_load_idx %arg14[%add3A_1033, %and3A_912] : memref<320x128xf32, #tpu.memory_space<vmem>>[vector<16xi32>, vector<16xi32>], vector<16xf32>,
        %mul3A_1035 = arith.mulf %gather3A_913, %gather3A_1034 : vector<16xf32>
        %add3A_1036 = arith.addf %add3A_903, %mul3A_1035 : vector<16xf32>
        scf.yield %add3A_916, %add3A_922, %add3A_928, %add3A_934, %add3A_940, %add3A_946, %add3A_952, %add3A_958, %add3A_964, %add3A_970, %add3A_976, %add3A_982, %add3A_988, %add3A_994, %add3A_1000, %add3A_1006, %add3A_1012, %add3A_1018, %add3A_1024, %add3A_1030, %add3A_1036 : vector<16xf32>, vector<16xf32>, vector<16xf32>, vector<16xf32>, vector<16xf32>, vector<16xf32>, vector<16xf32>, vector<16xf32>, vector<16xf32>, vector<16xf32>, vector<16xf32>, vector<16xf32>, vector<16xf32>, vector<16xf32>, vector<16xf32>, vector<16xf32>, vector<16xf32>, vector<16xf32>, vector<16xf32>, vector<16xf32>, vector<16xf32>
      }
      %scan3A_142 = arith.constant 16 : i32
      %mul3A_143 = arith.constant 16 : i32
      %mul3A_144 = arith.muli %mul3A_51, %mul3A_143 : i32
      %swap3A = arith.index_cast %mul3A_144 : i32 to index
      %swap3A_145 = tpu.vector_load %arg18[%swap3A] {strides = array<i32>} : memref<512xf32, #tpu.memory_space<vmem>>, vector<16xf32>,
      tpu.vector_store %arg18[%swap3A], %scan3A_141#0 {strides = array<i32>} : memref<512xf32, #tpu.memory_space<vmem>>, vector<16xf32>,
      %mul3A_146 = arith.constant 320 : i32
      %mul3A_147 = arith.muli %mul3A_51, %mul3A_146 : i32
      %add3A_148 = vector.broadcast %mul3A_147 : i32 to vector<16xi32>
      %add3A_149 = arith.addi %add3A_148, %mul3A_135 : vector<16xi32>
      %add3A_150 = arith.constant 0 : i32
      %add3A_151 = vector.broadcast %add3A_150 : i32 to vector<16xi32>
      %add3A_152 = arith.addi %add3A_149, %add3A_151 : vector<16xi32>
      tpu.vector_store_idx %arg19[%add3A_152], %scan3A_141#1 : memref<10240xf32, #tpu.memory_space<vmem>>[vector<16xi32>], vector<16xf32>,
      %mul3A_153 = arith.constant 320 : i32
      %mul3A_154 = arith.muli %mul3A_51, %mul3A_153 : i32
      %add3A_155 = vector.broadcast %mul3A_154 : i32 to vector<16xi32>
      %add3A_156 = arith.addi %add3A_155, %mul3A_135 : vector<16xi32>
      %add3A_157 = arith.constant 1 : i32
      %add3A_158 = vector.broadcast %add3A_157 : i32 to vector<16xi32>
      %add3A_159 = arith.addi %add3A_156, %add3A_158 : vector<16xi32>
      tpu.vector_store_idx %arg19[%add3A_159], %scan3A_141#2 : memref<10240xf32, #tpu.memory_space<vmem>>[vector<16xi32>], vector<16xf32>,
      %mul3A_160 = arith.constant 320 : i32
      %mul3A_161 = arith.muli %mul3A_51, %mul3A_160 : i32
      %add3A_162 = vector.broadcast %mul3A_161 : i32 to vector<16xi32>
      %add3A_163 = arith.addi %add3A_162, %mul3A_135 : vector<16xi32>
      %add3A_164 = arith.constant 2 : i32
      %add3A_165 = vector.broadcast %add3A_164 : i32 to vector<16xi32>
      %add3A_166 = arith.addi %add3A_163, %add3A_165 : vector<16xi32>
      tpu.vector_store_idx %arg19[%add3A_166], %scan3A_141#3 : memref<10240xf32, #tpu.memory_space<vmem>>[vector<16xi32>], vector<16xf32>,
      %mul3A_167 = arith.constant 320 : i32
      %mul3A_168 = arith.muli %mul3A_51, %mul3A_167 : i32
      %add3A_169 = vector.broadcast %mul3A_168 : i32 to vector<16xi32>
      %add3A_170 = arith.addi %add3A_169, %mul3A_135 : vector<16xi32>
      %add3A_171 = arith.constant 3 : i32
      %add3A_172 = vector.broadcast %add3A_171 : i32 to vector<16xi32>
      %add3A_173 = arith.addi %add3A_170, %add3A_172 : vector<16xi32>
      tpu.vector_store_idx %arg19[%add3A_173], %scan3A_141#4 : memref<10240xf32, #tpu.memory_space<vmem>>[vector<16xi32>], vector<16xf32>,
      %mul3A_174 = arith.constant 320 : i32
      %mul3A_175 = arith.muli %mul3A_51, %mul3A_174 : i32
      %add3A_176 = vector.broadcast %mul3A_175 : i32 to vector<16xi32>
      %add3A_177 = arith.addi %add3A_176, %mul3A_135 : vector<16xi32>
      %add3A_178 = arith.constant 4 : i32
      %add3A_179 = vector.broadcast %add3A_178 : i32 to vector<16xi32>
      %add3A_180 = arith.addi %add3A_177, %add3A_179 : vector<16xi32>
      tpu.vector_store_idx %arg19[%add3A_180], %scan3A_141#5 : memref<10240xf32, #tpu.memory_space<vmem>>[vector<16xi32>], vector<16xf32>,
      %mul3A_181 = arith.constant 320 : i32
      %mul3A_182 = arith.muli %mul3A_51, %mul3A_181 : i32
      %add3A_183 = vector.broadcast %mul3A_182 : i32 to vector<16xi32>
      %add3A_184 = arith.addi %add3A_183, %mul3A_135 : vector<16xi32>
      %add3A_185 = arith.constant 5 : i32
      %add3A_186 = vector.broadcast %add3A_185 : i32 to vector<16xi32>
      %add3A_187 = arith.addi %add3A_184, %add3A_186 : vector<16xi32>
      tpu.vector_store_idx %arg19[%add3A_187], %scan3A_141#6 : memref<10240xf32, #tpu.memory_space<vmem>>[vector<16xi32>], vector<16xf32>,
      %mul3A_188 = arith.constant 320 : i32
      %mul3A_189 = arith.muli %mul3A_51, %mul3A_188 : i32
      %add3A_190 = vector.broadcast %mul3A_189 : i32 to vector<16xi32>
      %add3A_191 = arith.addi %add3A_190, %mul3A_135 : vector<16xi32>
      %add3A_192 = arith.constant 6 : i32
      %add3A_193 = vector.broadcast %add3A_192 : i32 to vector<16xi32>
      %add3A_194 = arith.addi %add3A_191, %add3A_193 : vector<16xi32>
      tpu.vector_store_idx %arg19[%add3A_194], %scan3A_141#7 : memref<10240xf32, #tpu.memory_space<vmem>>[vector<16xi32>], vector<16xf32>,
      %mul3A_195 = arith.constant 320 : i32
      %mul3A_196 = arith.muli %mul3A_51, %mul3A_195 : i32
      %add3A_197 = vector.broadcast %mul3A_196 : i32 to vector<16xi32>
      %add3A_198 = arith.addi %add3A_197, %mul3A_135 : vector<16xi32>
      %add3A_199 = arith.constant 7 : i32
      %add3A_200 = vector.broadcast %add3A_199 : i32 to vector<16xi32>
      %add3A_201 = arith.addi %add3A_198, %add3A_200 : vector<16xi32>
      tpu.vector_store_idx %arg19[%add3A_201], %scan3A_141#8 : memref<10240xf32, #tpu.memory_space<vmem>>[vector<16xi32>], vector<16xf32>,
      %mul3A_202 = arith.constant 320 : i32
      %mul3A_203 = arith.muli %mul3A_51, %mul3A_202 : i32
      %add3A_204 = vector.broadcast %mul3A_203 : i32 to vector<16xi32>
      %add3A_205 = arith.addi %add3A_204, %mul3A_135 : vector<16xi32>
      %add3A_206 = arith.constant 8 : i32
      %add3A_207 = vector.broadcast %add3A_206 : i32 to vector<16xi32>
      %add3A_208 = arith.addi %add3A_205, %add3A_207 : vector<16xi32>
      tpu.vector_store_idx %arg19[%add3A_208], %scan3A_141#9 : memref<10240xf32, #tpu.memory_space<vmem>>[vector<16xi32>], vector<16xf32>,
      %mul3A_209 = arith.constant 320 : i32
      %mul3A_210 = arith.muli %mul3A_51, %mul3A_209 : i32
      %add3A_211 = vector.broadcast %mul3A_210 : i32 to vector<16xi32>
      %add3A_212 = arith.addi %add3A_211, %mul3A_135 : vector<16xi32>
      %add3A_213 = arith.constant 9 : i32
      %add3A_214 = vector.broadcast %add3A_213 : i32 to vector<16xi32>
      %add3A_215 = arith.addi %add3A_212, %add3A_214 : vector<16xi32>
      tpu.vector_store_idx %arg19[%add3A_215], %scan3A_141#10 : memref<10240xf32, #tpu.memory_space<vmem>>[vector<16xi32>], vector<16xf32>,
      %mul3A_216 = arith.constant 320 : i32
      %mul3A_217 = arith.muli %mul3A_51, %mul3A_216 : i32
      %add3A_218 = vector.broadcast %mul3A_217 : i32 to vector<16xi32>
      %add3A_219 = arith.addi %add3A_218, %mul3A_135 : vector<16xi32>
      %add3A_220 = arith.constant 10 : i32
      %add3A_221 = vector.broadcast %add3A_220 : i32 to vector<16xi32>
      %add3A_222 = arith.addi %add3A_219, %add3A_221 : vector<16xi32>
      tpu.vector_store_idx %arg19[%add3A_222], %scan3A_141#11 : memref<10240xf32, #tpu.memory_space<vmem>>[vector<16xi32>], vector<16xf32>,
      %mul3A_223 = arith.constant 320 : i32
      %mul3A_224 = arith.muli %mul3A_51, %mul3A_223 : i32
      %add3A_225 = vector.broadcast %mul3A_224 : i32 to vector<16xi32>
      %add3A_226 = arith.addi %add3A_225, %mul3A_135 : vector<16xi32>
      %add3A_227 = arith.constant 11 : i32
      %add3A_228 = vector.broadcast %add3A_227 : i32 to vector<16xi32>
      %add3A_229 = arith.addi %add3A_226, %add3A_228 : vector<16xi32>
      tpu.vector_store_idx %arg19[%add3A_229], %scan3A_141#12 : memref<10240xf32, #tpu.memory_space<vmem>>[vector<16xi32>], vector<16xf32>,
      %mul3A_230 = arith.constant 320 : i32
      %mul3A_231 = arith.muli %mul3A_51, %mul3A_230 : i32
      %add3A_232 = vector.broadcast %mul3A_231 : i32 to vector<16xi32>
      %add3A_233 = arith.addi %add3A_232, %mul3A_135 : vector<16xi32>
      %add3A_234 = arith.constant 12 : i32
      %add3A_235 = vector.broadcast %add3A_234 : i32 to vector<16xi32>
      %add3A_236 = arith.addi %add3A_233, %add3A_235 : vector<16xi32>
      tpu.vector_store_idx %arg19[%add3A_236], %scan3A_141#13 : memref<10240xf32, #tpu.memory_space<vmem>>[vector<16xi32>], vector<16xf32>,
      %mul3A_237 = arith.constant 320 : i32
      %mul3A_238 = arith.muli %mul3A_51, %mul3A_237 : i32
      %add3A_239 = vector.broadcast %mul3A_238 : i32 to vector<16xi32>
      %add3A_240 = arith.addi %add3A_239, %mul3A_135 : vector<16xi32>
      %add3A_241 = arith.constant 13 : i32
      %add3A_242 = vector.broadcast %add3A_241 : i32 to vector<16xi32>
      %add3A_243 = arith.addi %add3A_240, %add3A_242 : vector<16xi32>
      tpu.vector_store_idx %arg19[%add3A_243], %scan3A_141#14 : memref<10240xf32, #tpu.memory_space<vmem>>[vector<16xi32>], vector<16xf32>,
      %mul3A_244 = arith.constant 320 : i32
      %mul3A_245 = arith.muli %mul3A_51, %mul3A_244 : i32
      %add3A_246 = vector.broadcast %mul3A_245 : i32 to vector<16xi32>
      %add3A_247 = arith.addi %add3A_246, %mul3A_135 : vector<16xi32>
      %add3A_248 = arith.constant 14 : i32
      %add3A_249 = vector.broadcast %add3A_248 : i32 to vector<16xi32>
      %add3A_250 = arith.addi %add3A_247, %add3A_249 : vector<16xi32>
      tpu.vector_store_idx %arg19[%add3A_250], %scan3A_141#15 : memref<10240xf32, #tpu.memory_space<vmem>>[vector<16xi32>], vector<16xf32>,
      %mul3A_251 = arith.constant 320 : i32
      %mul3A_252 = arith.muli %mul3A_51, %mul3A_251 : i32
      %add3A_253 = vector.broadcast %mul3A_252 : i32 to vector<16xi32>
      %add3A_254 = arith.addi %add3A_253, %mul3A_135 : vector<16xi32>
      %add3A_255 = arith.constant 15 : i32
      %add3A_256 = vector.broadcast %add3A_255 : i32 to vector<16xi32>
      %add3A_257 = arith.addi %add3A_254, %add3A_256 : vector<16xi32>
      tpu.vector_store_idx %arg19[%add3A_257], %scan3A_141#16 : memref<10240xf32, #tpu.memory_space<vmem>>[vector<16xi32>], vector<16xf32>,
      %mul3A_258 = arith.constant 320 : i32
      %mul3A_259 = arith.muli %mul3A_51, %mul3A_258 : i32
      %add3A_260 = vector.broadcast %mul3A_259 : i32 to vector<16xi32>
      %add3A_261 = arith.addi %add3A_260, %mul3A_135 : vector<16xi32>
      %add3A_262 = arith.constant 16 : i32
      %add3A_263 = vector.broadcast %add3A_262 : i32 to vector<16xi32>
      %add3A_264 = arith.addi %add3A_261, %add3A_263 : vector<16xi32>
      tpu.vector_store_idx %arg19[%add3A_264], %scan3A_141#17 : memref<10240xf32, #tpu.memory_space<vmem>>[vector<16xi32>], vector<16xf32>,
      %mul3A_265 = arith.constant 320 : i32
      %mul3A_266 = arith.muli %mul3A_51, %mul3A_265 : i32
      %add3A_267 = vector.broadcast %mul3A_266 : i32 to vector<16xi32>
      %add3A_268 = arith.addi %add3A_267, %mul3A_135 : vector<16xi32>
      %add3A_269 = arith.constant 17 : i32
      %add3A_270 = vector.broadcast %add3A_269 : i32 to vector<16xi32>
      %add3A_271 = arith.addi %add3A_268, %add3A_270 : vector<16xi32>
      tpu.vector_store_idx %arg19[%add3A_271], %scan3A_141#18 : memref<10240xf32, #tpu.memory_space<vmem>>[vector<16xi32>], vector<16xf32>,
      %mul3A_272 = arith.constant 320 : i32
      %mul3A_273 = arith.muli %mul3A_51, %mul3A_272 : i32
      %add3A_274 = vector.broadcast %mul3A_273 : i32 to vector<16xi32>
      %add3A_275 = arith.addi %add3A_274, %mul3A_135 : vector<16xi32>
      %add3A_276 = arith.constant 18 : i32
      %add3A_277 = vector.broadcast %add3A_276 : i32 to vector<16xi32>
      %add3A_278 = arith.addi %add3A_275, %add3A_277 : vector<16xi32>
      tpu.vector_store_idx %arg19[%add3A_278], %scan3A_141#19 : memref<10240xf32, #tpu.memory_space<vmem>>[vector<16xi32>], vector<16xf32>,
      %mul3A_279 = arith.constant 320 : i32
      %mul3A_280 = arith.muli %mul3A_51, %mul3A_279 : i32
      %add3A_281 = vector.broadcast %mul3A_280 : i32 to vector<16xi32>
      %add3A_282 = arith.addi %add3A_281, %mul3A_135 : vector<16xi32>
      %add3A_283 = arith.constant 19 : i32
      %add3A_284 = vector.broadcast %add3A_283 : i32 to vector<16xi32>
      %add3A_285 = arith.addi %add3A_282, %add3A_284 : vector<16xi32>
      tpu.vector_store_idx %arg19[%add3A_285], %scan3A_141#20 : memref<10240xf32, #tpu.memory_space<vmem>>[vector<16xi32>], vector<16xf32>,
      %add3A_286 = arith.constant 1 : i32
      %add3A_287 = arith.addi %scan3A_49, %add3A_286 : i32
      %lt3A = arith.constant 16 : i32
      %lt3A_288 = arith.cmpi slt, %add3A_287, %lt3A : i32
      %convert_element_type3A = arith.extui %lt3A_288 : i1 to i32
      %cond3A = arith.constant 0 : i32
      %cond3A_289 = arith.cmpi ne, %convert_element_type3A, %cond3A : i32
      scf.if %cond3A_289 {
        %add3A_485 = arith.constant 2 : i32
        %add3A_486 = arith.addi %mul3A_51, %add3A_485 : i32
        %mul3A_487 = arith.constant 16 : i32
        %mul3A_488 = arith.muli %add3A_486, %mul3A_487 : i32
        %dma_start3A_489 = tpu.memref_slice %arg9[%mul3A_488] : memref<512xi32, #tpu.memory_space<vmem>> -> memref<16xi32, #tpu.memory_space<vmem>>
        %dma_start3A_490 = arith.constant 0 : i32
        %dma_start3A_491 = arith.constant 0 : i32
        %dma_start3A_492 = tpu.memref_slice %arg2[%dma_start3A_490, %dma_start3A_491] : memref<1000000x128xf32, #tpu.memory_space<hbm>> -> memref<1000000x128xf32, #tpu.memory_space<hbm>>
        tpu.enqueue_indirect_dma source(%dma_start3A_492 : memref<1000000x128xf32, #tpu.memory_space<hbm>>) target(%arg12 : memref<16x128xf32, #tpu.memory_space<vmem>>) offsets(%dma_start3A_489 : memref<16xi32, #tpu.memory_space<vmem>>) semaphore(%arg20 : memref<!tpu.dma_semaphore, #tpu.memory_space<semaphore_mem>>)
        %mul3A_493 = arith.constant 16 : i32
        %mul3A_494 = arith.muli %add3A_486, %mul3A_493 : i32
        %dma_start3A_495 = tpu.memref_slice %arg10[%mul3A_494] : memref<512xi32, #tpu.memory_space<vmem>> -> memref<16xi32, #tpu.memory_space<vmem>>
        %dma_start3A_496 = arith.constant 0 : i32
        %dma_start3A_497 = arith.constant 0 : i32
        %dma_start3A_498 = tpu.memref_slice %arg3[%dma_start3A_496, %dma_start3A_497] : memref<1000000x128xf32, #tpu.memory_space<hbm>> -> memref<1000000x128xf32, #tpu.memory_space<hbm>>
        tpu.enqueue_indirect_dma source(%dma_start3A_498 : memref<1000000x128xf32, #tpu.memory_space<hbm>>) target(%arg13 : memref<16x128xf32, #tpu.memory_space<vmem>>) offsets(%dma_start3A_495 : memref<16xi32, #tpu.memory_space<vmem>>) semaphore(%arg20 : memref<!tpu.dma_semaphore, #tpu.memory_space<semaphore_mem>>)
        %mul3A_499 = arith.constant 320 : i32
        %mul3A_500 = arith.muli %add3A_486, %mul3A_499 : i32
        %dma_start3A_501 = arith.constant 0 : i32
        %dma_start3A_502 = arith.constant 0 : i32
        %dma_start3A_503 = tpu.memref_slice %arg14[%dma_start3A_501, %dma_start3A_502] : memref<320x128xf32, #tpu.memory_space<vmem>> -> memref<128x128xf32, #tpu.memory_space<vmem>>
        %dma_start3A_504 = tpu.memref_slice %arg11[%mul3A_500] : memref<10240xi32, #tpu.memory_space<vmem>> -> memref<128xi32, #tpu.memory_space<vmem>>
        %dma_start3A_505 = arith.constant 0 : i32
        %dma_start3A_506 = arith.constant 0 : i32
        %dma_start3A_507 = tpu.memref_slice %arg3[%dma_start3A_505, %dma_start3A_506] : memref<1000000x128xf32, #tpu.memory_space<hbm>> -> memref<1000000x128xf32, #tpu.memory_space<hbm>>
        tpu.enqueue_indirect_dma source(%dma_start3A_507 : memref<1000000x128xf32, #tpu.memory_space<hbm>>) target(%dma_start3A_503 : memref<128x128xf32, #tpu.memory_space<vmem>>) offsets(%dma_start3A_504 : memref<128xi32, #tpu.memory_space<vmem>>) semaphore(%arg20 : memref<!tpu.dma_semaphore, #tpu.memory_space<semaphore_mem>>)
        %add3A_508 = arith.constant 128 : i32
        %add3A_509 = arith.addi %mul3A_500, %add3A_508 : i32
        %dma_start3A_510 = arith.constant 128 : i32
        %dma_start3A_511 = arith.constant 0 : i32
        %dma_start3A_512 = tpu.memref_slice %arg14[%dma_start3A_510, %dma_start3A_511] : memref<320x128xf32, #tpu.memory_space<vmem>> -> memref<128x128xf32, #tpu.memory_space<vmem>>
        %dma_start3A_513 = tpu.memref_slice %arg11[%add3A_509] : memref<10240xi32, #tpu.memory_space<vmem>> -> memref<128xi32, #tpu.memory_space<vmem>>
        %dma_start3A_514 = arith.constant 0 : i32
        %dma_start3A_515 = arith.constant 0 : i32
        %dma_start3A_516 = tpu.memref_slice %arg3[%dma_start3A_514, %dma_start3A_515] : memref<1000000x128xf32, #tpu.memory_space<hbm>> -> memref<1000000x128xf32, #tpu.memory_space<hbm>>
        tpu.enqueue_indirect_dma source(%dma_start3A_516 : memref<1000000x128xf32, #tpu.memory_space<hbm>>) target(%dma_start3A_512 : memref<128x128xf32, #tpu.memory_space<vmem>>) offsets(%dma_start3A_513 : memref<128xi32, #tpu.memory_space<vmem>>) semaphore(%arg20 : memref<!tpu.dma_semaphore, #tpu.memory_space<semaphore_mem>>)
        %add3A_517 = arith.constant 256 : i32
        %add3A_518 = arith.addi %mul3A_500, %add3A_517 : i32
        %dma_start3A_519 = arith.constant 256 : i32
        %dma_start3A_520 = arith.constant 0 : i32
        %dma_start3A_521 = tpu.memref_slice %arg14[%dma_start3A_519, %dma_start3A_520] : memref<320x128xf32, #tpu.memory_space<vmem>> -> memref<64x128xf32, #tpu.memory_space<vmem>>
        %dma_start3A_522 = tpu.memref_slice %arg11[%add3A_518] : memref<10240xi32, #tpu.memory_space<vmem>> -> memref<64xi32, #tpu.memory_space<vmem>>
        %dma_start3A_523 = arith.constant 0 : i32
        %dma_start3A_524 = arith.constant 0 : i32
        %dma_start3A_525 = tpu.memref_slice %arg3[%dma_start3A_523, %dma_start3A_524] : memref<1000000x128xf32, #tpu.memory_space<hbm>> -> memref<1000000x128xf32, #tpu.memory_space<hbm>>
        tpu.enqueue_indirect_dma source(%dma_start3A_525 : memref<1000000x128xf32, #tpu.memory_space<hbm>>) target(%dma_start3A_521 : memref<64x128xf32, #tpu.memory_space<vmem>>) offsets(%dma_start3A_522 : memref<64xi32, #tpu.memory_space<vmem>>) semaphore(%arg20 : memref<!tpu.dma_semaphore, #tpu.memory_space<semaphore_mem>>)
      } else {
      }
      %mul3A_290 = arith.constant 16 : i32
      %mul3A_291 = arith.muli %add3A_55, %mul3A_290 : i32
      %dma_wait3A_292 = tpu.memref_slice %arg9[%mul3A_291] : memref<512xi32, #tpu.memory_space<vmem>> -> memref<16xi32, #tpu.memory_space<vmem>>
      %dma_wait3A_293 = arith.constant 0 : i32
      %dma_wait3A_294 = arith.constant 0 : i32
      %dma_wait3A_295 = tpu.memref_slice %arg2[%dma_wait3A_293, %dma_wait3A_294] : memref<1000000x128xf32, #tpu.memory_space<hbm>> -> memref<1000000x128xf32, #tpu.memory_space<hbm>>
      tpu.wait_indirect_dma semaphore(%arg21 : memref<!tpu.dma_semaphore, #tpu.memory_space<semaphore_mem>>) src(%dma_wait3A_295 : memref<1000000x128xf32, #tpu.memory_space<hbm>>) dst(%arg15 : memref<16x128xf32, #tpu.memory_space<vmem>>)
      %mul3A_296 = arith.constant 16 : i32
      %mul3A_297 = arith.muli %add3A_55, %mul3A_296 : i32
      %dma_wait3A_298 = tpu.memref_slice %arg10[%mul3A_297] : memref<512xi32, #tpu.memory_space<vmem>> -> memref<16xi32, #tpu.memory_space<vmem>>
      %dma_wait3A_299 = arith.constant 0 : i32
      %dma_wait3A_300 = arith.constant 0 : i32
      %dma_wait3A_301 = tpu.memref_slice %arg3[%dma_wait3A_299, %dma_wait3A_300] : memref<1000000x128xf32, #tpu.memory_space<hbm>> -> memref<1000000x128xf32, #tpu.memory_space<hbm>>
      tpu.wait_indirect_dma semaphore(%arg21 : memref<!tpu.dma_semaphore, #tpu.memory_space<semaphore_mem>>) src(%dma_wait3A_301 : memref<1000000x128xf32, #tpu.memory_space<hbm>>) dst(%arg16 : memref<16x128xf32, #tpu.memory_space<vmem>>)
      %mul3A_302 = arith.constant 320 : i32
      %mul3A_303 = arith.muli %add3A_55, %mul3A_302 : i32
      %dma_wait3A_304 = arith.constant 0 : i32
      %dma_wait3A_305 = arith.constant 0 : i32
      %dma_wait3A_306 = tpu.memref_slice %arg17[%dma_wait3A_304, %dma_wait3A_305] : memref<320x128xf32, #tpu.memory_space<vmem>> -> memref<128x128xf32, #tpu.memory_space<vmem>>
      %dma_wait3A_307 = tpu.memref_slice %arg11[%mul3A_303] : memref<10240xi32, #tpu.memory_space<vmem>> -> memref<128xi32, #tpu.memory_space<vmem>>
      %dma_wait3A_308 = arith.constant 0 : i32
      %dma_wait3A_309 = arith.constant 0 : i32
      %dma_wait3A_310 = tpu.memref_slice %arg3[%dma_wait3A_308, %dma_wait3A_309] : memref<1000000x128xf32, #tpu.memory_space<hbm>> -> memref<1000000x128xf32, #tpu.memory_space<hbm>>
      tpu.wait_indirect_dma semaphore(%arg21 : memref<!tpu.dma_semaphore, #tpu.memory_space<semaphore_mem>>) src(%dma_wait3A_310 : memref<1000000x128xf32, #tpu.memory_space<hbm>>) dst(%dma_wait3A_306 : memref<128x128xf32, #tpu.memory_space<vmem>>)
      %add3A_311 = arith.constant 128 : i32
      %add3A_312 = arith.addi %mul3A_303, %add3A_311 : i32
      %dma_wait3A_313 = arith.constant 128 : i32
      %dma_wait3A_314 = arith.constant 0 : i32
      %dma_wait3A_315 = tpu.memref_slice %arg17[%dma_wait3A_313, %dma_wait3A_314] : memref<320x128xf32, #tpu.memory_space<vmem>> -> memref<128x128xf32, #tpu.memory_space<vmem>>
      %dma_wait3A_316 = tpu.memref_slice %arg11[%add3A_312] : memref<10240xi32, #tpu.memory_space<vmem>> -> memref<128xi32, #tpu.memory_space<vmem>>
      %dma_wait3A_317 = arith.constant 0 : i32
      %dma_wait3A_318 = arith.constant 0 : i32
      %dma_wait3A_319 = tpu.memref_slice %arg3[%dma_wait3A_317, %dma_wait3A_318] : memref<1000000x128xf32, #tpu.memory_space<hbm>> -> memref<1000000x128xf32, #tpu.memory_space<hbm>>
      tpu.wait_indirect_dma semaphore(%arg21 : memref<!tpu.dma_semaphore, #tpu.memory_space<semaphore_mem>>) src(%dma_wait3A_319 : memref<1000000x128xf32, #tpu.memory_space<hbm>>) dst(%dma_wait3A_315 : memref<128x128xf32, #tpu.memory_space<vmem>>)
      %add3A_320 = arith.constant 256 : i32
      %add3A_321 = arith.addi %mul3A_303, %add3A_320 : i32
      %dma_wait3A_322 = arith.constant 256 : i32
      %dma_wait3A_323 = arith.constant 0 : i32
      %dma_wait3A_324 = tpu.memref_slice %arg17[%dma_wait3A_322, %dma_wait3A_323] : memref<320x128xf32, #tpu.memory_space<vmem>> -> memref<64x128xf32, #tpu.memory_space<vmem>>
      %dma_wait3A_325 = tpu.memref_slice %arg11[%add3A_321] : memref<10240xi32, #tpu.memory_space<vmem>> -> memref<64xi32, #tpu.memory_space<vmem>>
      %dma_wait3A_326 = arith.constant 0 : i32
      %dma_wait3A_327 = arith.constant 0 : i32
      %dma_wait3A_328 = tpu.memref_slice %arg3[%dma_wait3A_326, %dma_wait3A_327] : memref<1000000x128xf32, #tpu.memory_space<hbm>> -> memref<1000000x128xf32, #tpu.memory_space<hbm>>
      tpu.wait_indirect_dma semaphore(%arg21 : memref<!tpu.dma_semaphore, #tpu.memory_space<semaphore_mem>>) src(%dma_wait3A_328 : memref<1000000x128xf32, #tpu.memory_space<hbm>>) dst(%dma_wait3A_324 : memref<64x128xf32, #tpu.memory_space<vmem>>)
      %iota3A_329 = tpu.iota {dimensions = array<i32: 0>} : vector<16xi32>
      %mul3A_330 = arith.constant 20 : i32
      %mul3A_331 = vector.broadcast %mul3A_330 : i32 to vector<16xi32>
      %mul3A_332 = arith.muli %iota3A_329, %mul3A_331 : vector<16xi32>
      %broadcast_in_dim3A_333 = arith.constant 0.000000e+00 : f32
      %broadcast_in_dim3A_334 = vector.broadcast %broadcast_in_dim3A_333 : f32 to vector<16xf32>
      %scan3A_335 = arith.constant 0 : i32
      %scan3A_336 = arith.constant 16 : i32
      %scan3A_337 = arith.addi %scan3A_335, %scan3A_336 : i32
      %scan3A_338 = arith.constant 1 : i32
      %scan3A_339:21 = scf.for %scan3A_485 = %scan3A_335 to %scan3A_337 step %scan3A_338 iter_args(%scan3A_486 = %broadcast_in_dim3A_334, %scan3A_487 = %broadcast_in_dim3A_334, %scan3A_488 = %broadcast_in_dim3A_334, %scan3A_489 = %broadcast_in_dim3A_334, %scan3A_490 = %broadcast_in_dim3A_334, %scan3A_491 = %broadcast_in_dim3A_334, %scan3A_492 = %broadcast_in_dim3A_334, %scan3A_493 = %broadcast_in_dim3A_334, %scan3A_494 = %broadcast_in_dim3A_334, %scan3A_495 = %broadcast_in_dim3A_334, %scan3A_496 = %broadcast_in_dim3A_334, %scan3A_497 = %broadcast_in_dim3A_334, %scan3A_498 = %broadcast_in_dim3A_334, %scan3A_499 = %broadcast_in_dim3A_334, %scan3A_500 = %broadcast_in_dim3A_334, %scan3A_501 = %broadcast_in_dim3A_334, %scan3A_502 = %broadcast_in_dim3A_334, %scan3A_503 = %broadcast_in_dim3A_334, %scan3A_504 = %broadcast_in_dim3A_334, %scan3A_505 = %broadcast_in_dim3A_334, %scan3A_506 = %broadcast_in_dim3A_334) -> (vector<16xf32>, vector<16xf32>, vector<16xf32>, vector<16xf32>, vector<16xf32>, vector<16xf32>, vector<16xf32>, vector<16xf32>, vector<16xf32>, vector<16xf32>, vector<16xf32>, vector<16xf32>, vector<16xf32>, vector<16xf32>, vector<16xf32>, vector<16xf32>, vector<16xf32>, vector<16xf32>, vector<16xf32>, vector<16xf32>, vector<16xf32>)  : i32 {
        %mul3A_507 = arith.constant 4 : i32
        %mul3A_508 = arith.muli %scan3A_485, %mul3A_507 : i32
        %add3A_509 = arith.constant 0 : i32
        %add3A_510 = arith.addi %mul3A_508, %add3A_509 : i32
        %add3A_511 = vector.broadcast %add3A_510 : i32 to vector<16xi32>
        %add3A_512 = arith.addi %add3A_511, %iota3A_329 : vector<16xi32>
        %and3A = arith.constant 63 : i32
        %and3A_513 = vector.broadcast %and3A : i32 to vector<16xi32>
        %and3A_514 = arith.andi %add3A_512, %and3A_513 : vector<16xi32>
        %gather3A = tpu.vector_load_idx %arg15[%iota3A_329, %and3A_514] : memref<16x128xf32, #tpu.memory_space<vmem>>[vector<16xi32>, vector<16xi32>], vector<16xf32>,
        %gather3A_515 = tpu.vector_load_idx %arg16[%iota3A_329, %and3A_514] : memref<16x128xf32, #tpu.memory_space<vmem>>[vector<16xi32>, vector<16xi32>], vector<16xf32>,
        %mul3A_516 = arith.mulf %gather3A, %gather3A_515 : vector<16xf32>
        %add3A_517 = arith.addf %scan3A_486, %mul3A_516 : vector<16xf32>
        %add3A_518 = arith.constant 0 : i32
        %add3A_519 = vector.broadcast %add3A_518 : i32 to vector<16xi32>
        %add3A_520 = arith.addi %mul3A_332, %add3A_519 : vector<16xi32>
        %gather3A_521 = tpu.vector_load_idx %arg17[%add3A_520, %and3A_514] : memref<320x128xf32, #tpu.memory_space<vmem>>[vector<16xi32>, vector<16xi32>], vector<16xf32>,
        %mul3A_522 = arith.mulf %gather3A, %gather3A_521 : vector<16xf32>
        %add3A_523 = arith.addf %scan3A_487, %mul3A_522 : vector<16xf32>
        %add3A_524 = arith.constant 1 : i32
        %add3A_525 = vector.broadcast %add3A_524 : i32 to vector<16xi32>
        %add3A_526 = arith.addi %mul3A_332, %add3A_525 : vector<16xi32>
        %gather3A_527 = tpu.vector_load_idx %arg17[%add3A_526, %and3A_514] : memref<320x128xf32, #tpu.memory_space<vmem>>[vector<16xi32>, vector<16xi32>], vector<16xf32>,
        %mul3A_528 = arith.mulf %gather3A, %gather3A_527 : vector<16xf32>
        %add3A_529 = arith.addf %scan3A_488, %mul3A_528 : vector<16xf32>
        %add3A_530 = arith.constant 2 : i32
        %add3A_531 = vector.broadcast %add3A_530 : i32 to vector<16xi32>
        %add3A_532 = arith.addi %mul3A_332, %add3A_531 : vector<16xi32>
        %gather3A_533 = tpu.vector_load_idx %arg17[%add3A_532, %and3A_514] : memref<320x128xf32, #tpu.memory_space<vmem>>[vector<16xi32>, vector<16xi32>], vector<16xf32>,
        %mul3A_534 = arith.mulf %gather3A, %gather3A_533 : vector<16xf32>
        %add3A_535 = arith.addf %scan3A_489, %mul3A_534 : vector<16xf32>
        %add3A_536 = arith.constant 3 : i32
        %add3A_537 = vector.broadcast %add3A_536 : i32 to vector<16xi32>
        %add3A_538 = arith.addi %mul3A_332, %add3A_537 : vector<16xi32>
        %gather3A_539 = tpu.vector_load_idx %arg17[%add3A_538, %and3A_514] : memref<320x128xf32, #tpu.memory_space<vmem>>[vector<16xi32>, vector<16xi32>], vector<16xf32>,
        %mul3A_540 = arith.mulf %gather3A, %gather3A_539 : vector<16xf32>
        %add3A_541 = arith.addf %scan3A_490, %mul3A_540 : vector<16xf32>
        %add3A_542 = arith.constant 4 : i32
        %add3A_543 = vector.broadcast %add3A_542 : i32 to vector<16xi32>
        %add3A_544 = arith.addi %mul3A_332, %add3A_543 : vector<16xi32>
        %gather3A_545 = tpu.vector_load_idx %arg17[%add3A_544, %and3A_514] : memref<320x128xf32, #tpu.memory_space<vmem>>[vector<16xi32>, vector<16xi32>], vector<16xf32>,
        %mul3A_546 = arith.mulf %gather3A, %gather3A_545 : vector<16xf32>
        %add3A_547 = arith.addf %scan3A_491, %mul3A_546 : vector<16xf32>
        %add3A_548 = arith.constant 5 : i32
        %add3A_549 = vector.broadcast %add3A_548 : i32 to vector<16xi32>
        %add3A_550 = arith.addi %mul3A_332, %add3A_549 : vector<16xi32>
        %gather3A_551 = tpu.vector_load_idx %arg17[%add3A_550, %and3A_514] : memref<320x128xf32, #tpu.memory_space<vmem>>[vector<16xi32>, vector<16xi32>], vector<16xf32>,
        %mul3A_552 = arith.mulf %gather3A, %gather3A_551 : vector<16xf32>
        %add3A_553 = arith.addf %scan3A_492, %mul3A_552 : vector<16xf32>
        %add3A_554 = arith.constant 6 : i32
        %add3A_555 = vector.broadcast %add3A_554 : i32 to vector<16xi32>
        %add3A_556 = arith.addi %mul3A_332, %add3A_555 : vector<16xi32>
        %gather3A_557 = tpu.vector_load_idx %arg17[%add3A_556, %and3A_514] : memref<320x128xf32, #tpu.memory_space<vmem>>[vector<16xi32>, vector<16xi32>], vector<16xf32>,
        %mul3A_558 = arith.mulf %gather3A, %gather3A_557 : vector<16xf32>
        %add3A_559 = arith.addf %scan3A_493, %mul3A_558 : vector<16xf32>
        %add3A_560 = arith.constant 7 : i32
        %add3A_561 = vector.broadcast %add3A_560 : i32 to vector<16xi32>
        %add3A_562 = arith.addi %mul3A_332, %add3A_561 : vector<16xi32>
        %gather3A_563 = tpu.vector_load_idx %arg17[%add3A_562, %and3A_514] : memref<320x128xf32, #tpu.memory_space<vmem>>[vector<16xi32>, vector<16xi32>], vector<16xf32>,
        %mul3A_564 = arith.mulf %gather3A, %gather3A_563 : vector<16xf32>
        %add3A_565 = arith.addf %scan3A_494, %mul3A_564 : vector<16xf32>
        %add3A_566 = arith.constant 8 : i32
        %add3A_567 = vector.broadcast %add3A_566 : i32 to vector<16xi32>
        %add3A_568 = arith.addi %mul3A_332, %add3A_567 : vector<16xi32>
        %gather3A_569 = tpu.vector_load_idx %arg17[%add3A_568, %and3A_514] : memref<320x128xf32, #tpu.memory_space<vmem>>[vector<16xi32>, vector<16xi32>], vector<16xf32>,
        %mul3A_570 = arith.mulf %gather3A, %gather3A_569 : vector<16xf32>
        %add3A_571 = arith.addf %scan3A_495, %mul3A_570 : vector<16xf32>
        %add3A_572 = arith.constant 9 : i32
        %add3A_573 = vector.broadcast %add3A_572 : i32 to vector<16xi32>
        %add3A_574 = arith.addi %mul3A_332, %add3A_573 : vector<16xi32>
        %gather3A_575 = tpu.vector_load_idx %arg17[%add3A_574, %and3A_514] : memref<320x128xf32, #tpu.memory_space<vmem>>[vector<16xi32>, vector<16xi32>], vector<16xf32>,
        %mul3A_576 = arith.mulf %gather3A, %gather3A_575 : vector<16xf32>
        %add3A_577 = arith.addf %scan3A_496, %mul3A_576 : vector<16xf32>
        %add3A_578 = arith.constant 10 : i32
        %add3A_579 = vector.broadcast %add3A_578 : i32 to vector<16xi32>
        %add3A_580 = arith.addi %mul3A_332, %add3A_579 : vector<16xi32>
        %gather3A_581 = tpu.vector_load_idx %arg17[%add3A_580, %and3A_514] : memref<320x128xf32, #tpu.memory_space<vmem>>[vector<16xi32>, vector<16xi32>], vector<16xf32>,
        %mul3A_582 = arith.mulf %gather3A, %gather3A_581 : vector<16xf32>
        %add3A_583 = arith.addf %scan3A_497, %mul3A_582 : vector<16xf32>
        %add3A_584 = arith.constant 11 : i32
        %add3A_585 = vector.broadcast %add3A_584 : i32 to vector<16xi32>
        %add3A_586 = arith.addi %mul3A_332, %add3A_585 : vector<16xi32>
        %gather3A_587 = tpu.vector_load_idx %arg17[%add3A_586, %and3A_514] : memref<320x128xf32, #tpu.memory_space<vmem>>[vector<16xi32>, vector<16xi32>], vector<16xf32>,
        %mul3A_588 = arith.mulf %gather3A, %gather3A_587 : vector<16xf32>
        %add3A_589 = arith.addf %scan3A_498, %mul3A_588 : vector<16xf32>
        %add3A_590 = arith.constant 12 : i32
        %add3A_591 = vector.broadcast %add3A_590 : i32 to vector<16xi32>
        %add3A_592 = arith.addi %mul3A_332, %add3A_591 : vector<16xi32>
        %gather3A_593 = tpu.vector_load_idx %arg17[%add3A_592, %and3A_514] : memref<320x128xf32, #tpu.memory_space<vmem>>[vector<16xi32>, vector<16xi32>], vector<16xf32>,
        %mul3A_594 = arith.mulf %gather3A, %gather3A_593 : vector<16xf32>
        %add3A_595 = arith.addf %scan3A_499, %mul3A_594 : vector<16xf32>
        %add3A_596 = arith.constant 13 : i32
        %add3A_597 = vector.broadcast %add3A_596 : i32 to vector<16xi32>
        %add3A_598 = arith.addi %mul3A_332, %add3A_597 : vector<16xi32>
        %gather3A_599 = tpu.vector_load_idx %arg17[%add3A_598, %and3A_514] : memref<320x128xf32, #tpu.memory_space<vmem>>[vector<16xi32>, vector<16xi32>], vector<16xf32>,
        %mul3A_600 = arith.mulf %gather3A, %gather3A_599 : vector<16xf32>
        %add3A_601 = arith.addf %scan3A_500, %mul3A_600 : vector<16xf32>
        %add3A_602 = arith.constant 14 : i32
        %add3A_603 = vector.broadcast %add3A_602 : i32 to vector<16xi32>
        %add3A_604 = arith.addi %mul3A_332, %add3A_603 : vector<16xi32>
        %gather3A_605 = tpu.vector_load_idx %arg17[%add3A_604, %and3A_514] : memref<320x128xf32, #tpu.memory_space<vmem>>[vector<16xi32>, vector<16xi32>], vector<16xf32>,
        %mul3A_606 = arith.mulf %gather3A, %gather3A_605 : vector<16xf32>
        %add3A_607 = arith.addf %scan3A_501, %mul3A_606 : vector<16xf32>
        %add3A_608 = arith.constant 15 : i32
        %add3A_609 = vector.broadcast %add3A_608 : i32 to vector<16xi32>
        %add3A_610 = arith.addi %mul3A_332, %add3A_609 : vector<16xi32>
        %gather3A_611 = tpu.vector_load_idx %arg17[%add3A_610, %and3A_514] : memref<320x128xf32, #tpu.memory_space<vmem>>[vector<16xi32>, vector<16xi32>], vector<16xf32>,
        %mul3A_612 = arith.mulf %gather3A, %gather3A_611 : vector<16xf32>
        %add3A_613 = arith.addf %scan3A_502, %mul3A_612 : vector<16xf32>
        %add3A_614 = arith.constant 16 : i32
        %add3A_615 = vector.broadcast %add3A_614 : i32 to vector<16xi32>
        %add3A_616 = arith.addi %mul3A_332, %add3A_615 : vector<16xi32>
        %gather3A_617 = tpu.vector_load_idx %arg17[%add3A_616, %and3A_514] : memref<320x128xf32, #tpu.memory_space<vmem>>[vector<16xi32>, vector<16xi32>], vector<16xf32>,
        %mul3A_618 = arith.mulf %gather3A, %gather3A_617 : vector<16xf32>
        %add3A_619 = arith.addf %scan3A_503, %mul3A_618 : vector<16xf32>
        %add3A_620 = arith.constant 17 : i32
        %add3A_621 = vector.broadcast %add3A_620 : i32 to vector<16xi32>
        %add3A_622 = arith.addi %mul3A_332, %add3A_621 : vector<16xi32>
        %gather3A_623 = tpu.vector_load_idx %arg17[%add3A_622, %and3A_514] : memref<320x128xf32, #tpu.memory_space<vmem>>[vector<16xi32>, vector<16xi32>], vector<16xf32>,
        %mul3A_624 = arith.mulf %gather3A, %gather3A_623 : vector<16xf32>
        %add3A_625 = arith.addf %scan3A_504, %mul3A_624 : vector<16xf32>
        %add3A_626 = arith.constant 18 : i32
        %add3A_627 = vector.broadcast %add3A_626 : i32 to vector<16xi32>
        %add3A_628 = arith.addi %mul3A_332, %add3A_627 : vector<16xi32>
        %gather3A_629 = tpu.vector_load_idx %arg17[%add3A_628, %and3A_514] : memref<320x128xf32, #tpu.memory_space<vmem>>[vector<16xi32>, vector<16xi32>], vector<16xf32>,
        %mul3A_630 = arith.mulf %gather3A, %gather3A_629 : vector<16xf32>
        %add3A_631 = arith.addf %scan3A_505, %mul3A_630 : vector<16xf32>
        %add3A_632 = arith.constant 19 : i32
        %add3A_633 = vector.broadcast %add3A_632 : i32 to vector<16xi32>
        %add3A_634 = arith.addi %mul3A_332, %add3A_633 : vector<16xi32>
        %gather3A_635 = tpu.vector_load_idx %arg17[%add3A_634, %and3A_514] : memref<320x128xf32, #tpu.memory_space<vmem>>[vector<16xi32>, vector<16xi32>], vector<16xf32>,
        %mul3A_636 = arith.mulf %gather3A, %gather3A_635 : vector<16xf32>
        %add3A_637 = arith.addf %scan3A_506, %mul3A_636 : vector<16xf32>
        %mul3A_638 = arith.constant 4 : i32
        %mul3A_639 = arith.muli %scan3A_485, %mul3A_638 : i32
        %add3A_640 = arith.constant 1 : i32
        %add3A_641 = arith.addi %mul3A_639, %add3A_640 : i32
        %add3A_642 = vector.broadcast %add3A_641 : i32 to vector<16xi32>
        %add3A_643 = arith.addi %add3A_642, %iota3A_329 : vector<16xi32>
        %and3A_644 = arith.constant 63 : i32
        %and3A_645 = vector.broadcast %and3A_644 : i32 to vector<16xi32>
        %and3A_646 = arith.andi %add3A_643, %and3A_645 : vector<16xi32>
        %gather3A_647 = tpu.vector_load_idx %arg15[%iota3A_329, %and3A_646] : memref<16x128xf32, #tpu.memory_space<vmem>>[vector<16xi32>, vector<16xi32>], vector<16xf32>,
        %gather3A_648 = tpu.vector_load_idx %arg16[%iota3A_329, %and3A_646] : memref<16x128xf32, #tpu.memory_space<vmem>>[vector<16xi32>, vector<16xi32>], vector<16xf32>,
        %mul3A_649 = arith.mulf %gather3A_647, %gather3A_648 : vector<16xf32>
        %add3A_650 = arith.addf %add3A_517, %mul3A_649 : vector<16xf32>
        %add3A_651 = arith.constant 0 : i32
        %add3A_652 = vector.broadcast %add3A_651 : i32 to vector<16xi32>
        %add3A_653 = arith.addi %mul3A_332, %add3A_652 : vector<16xi32>
        %gather3A_654 = tpu.vector_load_idx %arg17[%add3A_653, %and3A_646] : memref<320x128xf32, #tpu.memory_space<vmem>>[vector<16xi32>, vector<16xi32>], vector<16xf32>,
        %mul3A_655 = arith.mulf %gather3A_647, %gather3A_654 : vector<16xf32>
        %add3A_656 = arith.addf %add3A_523, %mul3A_655 : vector<16xf32>
        %add3A_657 = arith.constant 1 : i32
        %add3A_658 = vector.broadcast %add3A_657 : i32 to vector<16xi32>
        %add3A_659 = arith.addi %mul3A_332, %add3A_658 : vector<16xi32>
        %gather3A_660 = tpu.vector_load_idx %arg17[%add3A_659, %and3A_646] : memref<320x128xf32, #tpu.memory_space<vmem>>[vector<16xi32>, vector<16xi32>], vector<16xf32>,
        %mul3A_661 = arith.mulf %gather3A_647, %gather3A_660 : vector<16xf32>
        %add3A_662 = arith.addf %add3A_529, %mul3A_661 : vector<16xf32>
        %add3A_663 = arith.constant 2 : i32
        %add3A_664 = vector.broadcast %add3A_663 : i32 to vector<16xi32>
        %add3A_665 = arith.addi %mul3A_332, %add3A_664 : vector<16xi32>
        %gather3A_666 = tpu.vector_load_idx %arg17[%add3A_665, %and3A_646] : memref<320x128xf32, #tpu.memory_space<vmem>>[vector<16xi32>, vector<16xi32>], vector<16xf32>,
        %mul3A_667 = arith.mulf %gather3A_647, %gather3A_666 : vector<16xf32>
        %add3A_668 = arith.addf %add3A_535, %mul3A_667 : vector<16xf32>
        %add3A_669 = arith.constant 3 : i32
        %add3A_670 = vector.broadcast %add3A_669 : i32 to vector<16xi32>
        %add3A_671 = arith.addi %mul3A_332, %add3A_670 : vector<16xi32>
        %gather3A_672 = tpu.vector_load_idx %arg17[%add3A_671, %and3A_646] : memref<320x128xf32, #tpu.memory_space<vmem>>[vector<16xi32>, vector<16xi32>], vector<16xf32>,
        %mul3A_673 = arith.mulf %gather3A_647, %gather3A_672 : vector<16xf32>
        %add3A_674 = arith.addf %add3A_541, %mul3A_673 : vector<16xf32>
        %add3A_675 = arith.constant 4 : i32
        %add3A_676 = vector.broadcast %add3A_675 : i32 to vector<16xi32>
        %add3A_677 = arith.addi %mul3A_332, %add3A_676 : vector<16xi32>
        %gather3A_678 = tpu.vector_load_idx %arg17[%add3A_677, %and3A_646] : memref<320x128xf32, #tpu.memory_space<vmem>>[vector<16xi32>, vector<16xi32>], vector<16xf32>,
        %mul3A_679 = arith.mulf %gather3A_647, %gather3A_678 : vector<16xf32>
        %add3A_680 = arith.addf %add3A_547, %mul3A_679 : vector<16xf32>
        %add3A_681 = arith.constant 5 : i32
        %add3A_682 = vector.broadcast %add3A_681 : i32 to vector<16xi32>
        %add3A_683 = arith.addi %mul3A_332, %add3A_682 : vector<16xi32>
        %gather3A_684 = tpu.vector_load_idx %arg17[%add3A_683, %and3A_646] : memref<320x128xf32, #tpu.memory_space<vmem>>[vector<16xi32>, vector<16xi32>], vector<16xf32>,
        %mul3A_685 = arith.mulf %gather3A_647, %gather3A_684 : vector<16xf32>
        %add3A_686 = arith.addf %add3A_553, %mul3A_685 : vector<16xf32>
        %add3A_687 = arith.constant 6 : i32
        %add3A_688 = vector.broadcast %add3A_687 : i32 to vector<16xi32>
        %add3A_689 = arith.addi %mul3A_332, %add3A_688 : vector<16xi32>
        %gather3A_690 = tpu.vector_load_idx %arg17[%add3A_689, %and3A_646] : memref<320x128xf32, #tpu.memory_space<vmem>>[vector<16xi32>, vector<16xi32>], vector<16xf32>,
        %mul3A_691 = arith.mulf %gather3A_647, %gather3A_690 : vector<16xf32>
        %add3A_692 = arith.addf %add3A_559, %mul3A_691 : vector<16xf32>
        %add3A_693 = arith.constant 7 : i32
        %add3A_694 = vector.broadcast %add3A_693 : i32 to vector<16xi32>
        %add3A_695 = arith.addi %mul3A_332, %add3A_694 : vector<16xi32>
        %gather3A_696 = tpu.vector_load_idx %arg17[%add3A_695, %and3A_646] : memref<320x128xf32, #tpu.memory_space<vmem>>[vector<16xi32>, vector<16xi32>], vector<16xf32>,
        %mul3A_697 = arith.mulf %gather3A_647, %gather3A_696 : vector<16xf32>
        %add3A_698 = arith.addf %add3A_565, %mul3A_697 : vector<16xf32>
        %add3A_699 = arith.constant 8 : i32
        %add3A_700 = vector.broadcast %add3A_699 : i32 to vector<16xi32>
        %add3A_701 = arith.addi %mul3A_332, %add3A_700 : vector<16xi32>
        %gather3A_702 = tpu.vector_load_idx %arg17[%add3A_701, %and3A_646] : memref<320x128xf32, #tpu.memory_space<vmem>>[vector<16xi32>, vector<16xi32>], vector<16xf32>,
        %mul3A_703 = arith.mulf %gather3A_647, %gather3A_702 : vector<16xf32>
        %add3A_704 = arith.addf %add3A_571, %mul3A_703 : vector<16xf32>
        %add3A_705 = arith.constant 9 : i32
        %add3A_706 = vector.broadcast %add3A_705 : i32 to vector<16xi32>
        %add3A_707 = arith.addi %mul3A_332, %add3A_706 : vector<16xi32>
        %gather3A_708 = tpu.vector_load_idx %arg17[%add3A_707, %and3A_646] : memref<320x128xf32, #tpu.memory_space<vmem>>[vector<16xi32>, vector<16xi32>], vector<16xf32>,
        %mul3A_709 = arith.mulf %gather3A_647, %gather3A_708 : vector<16xf32>
        %add3A_710 = arith.addf %add3A_577, %mul3A_709 : vector<16xf32>
        %add3A_711 = arith.constant 10 : i32
        %add3A_712 = vector.broadcast %add3A_711 : i32 to vector<16xi32>
        %add3A_713 = arith.addi %mul3A_332, %add3A_712 : vector<16xi32>
        %gather3A_714 = tpu.vector_load_idx %arg17[%add3A_713, %and3A_646] : memref<320x128xf32, #tpu.memory_space<vmem>>[vector<16xi32>, vector<16xi32>], vector<16xf32>,
        %mul3A_715 = arith.mulf %gather3A_647, %gather3A_714 : vector<16xf32>
        %add3A_716 = arith.addf %add3A_583, %mul3A_715 : vector<16xf32>
        %add3A_717 = arith.constant 11 : i32
        %add3A_718 = vector.broadcast %add3A_717 : i32 to vector<16xi32>
        %add3A_719 = arith.addi %mul3A_332, %add3A_718 : vector<16xi32>
        %gather3A_720 = tpu.vector_load_idx %arg17[%add3A_719, %and3A_646] : memref<320x128xf32, #tpu.memory_space<vmem>>[vector<16xi32>, vector<16xi32>], vector<16xf32>,
        %mul3A_721 = arith.mulf %gather3A_647, %gather3A_720 : vector<16xf32>
        %add3A_722 = arith.addf %add3A_589, %mul3A_721 : vector<16xf32>
        %add3A_723 = arith.constant 12 : i32
        %add3A_724 = vector.broadcast %add3A_723 : i32 to vector<16xi32>
        %add3A_725 = arith.addi %mul3A_332, %add3A_724 : vector<16xi32>
        %gather3A_726 = tpu.vector_load_idx %arg17[%add3A_725, %and3A_646] : memref<320x128xf32, #tpu.memory_space<vmem>>[vector<16xi32>, vector<16xi32>], vector<16xf32>,
        %mul3A_727 = arith.mulf %gather3A_647, %gather3A_726 : vector<16xf32>
        %add3A_728 = arith.addf %add3A_595, %mul3A_727 : vector<16xf32>
        %add3A_729 = arith.constant 13 : i32
        %add3A_730 = vector.broadcast %add3A_729 : i32 to vector<16xi32>
        %add3A_731 = arith.addi %mul3A_332, %add3A_730 : vector<16xi32>
        %gather3A_732 = tpu.vector_load_idx %arg17[%add3A_731, %and3A_646] : memref<320x128xf32, #tpu.memory_space<vmem>>[vector<16xi32>, vector<16xi32>], vector<16xf32>,
        %mul3A_733 = arith.mulf %gather3A_647, %gather3A_732 : vector<16xf32>
        %add3A_734 = arith.addf %add3A_601, %mul3A_733 : vector<16xf32>
        %add3A_735 = arith.constant 14 : i32
        %add3A_736 = vector.broadcast %add3A_735 : i32 to vector<16xi32>
        %add3A_737 = arith.addi %mul3A_332, %add3A_736 : vector<16xi32>
        %gather3A_738 = tpu.vector_load_idx %arg17[%add3A_737, %and3A_646] : memref<320x128xf32, #tpu.memory_space<vmem>>[vector<16xi32>, vector<16xi32>], vector<16xf32>,
        %mul3A_739 = arith.mulf %gather3A_647, %gather3A_738 : vector<16xf32>
        %add3A_740 = arith.addf %add3A_607, %mul3A_739 : vector<16xf32>
        %add3A_741 = arith.constant 15 : i32
        %add3A_742 = vector.broadcast %add3A_741 : i32 to vector<16xi32>
        %add3A_743 = arith.addi %mul3A_332, %add3A_742 : vector<16xi32>
        %gather3A_744 = tpu.vector_load_idx %arg17[%add3A_743, %and3A_646] : memref<320x128xf32, #tpu.memory_space<vmem>>[vector<16xi32>, vector<16xi32>], vector<16xf32>,
        %mul3A_745 = arith.mulf %gather3A_647, %gather3A_744 : vector<16xf32>
        %add3A_746 = arith.addf %add3A_613, %mul3A_745 : vector<16xf32>
        %add3A_747 = arith.constant 16 : i32
        %add3A_748 = vector.broadcast %add3A_747 : i32 to vector<16xi32>
        %add3A_749 = arith.addi %mul3A_332, %add3A_748 : vector<16xi32>
        %gather3A_750 = tpu.vector_load_idx %arg17[%add3A_749, %and3A_646] : memref<320x128xf32, #tpu.memory_space<vmem>>[vector<16xi32>, vector<16xi32>], vector<16xf32>,
        %mul3A_751 = arith.mulf %gather3A_647, %gather3A_750 : vector<16xf32>
        %add3A_752 = arith.addf %add3A_619, %mul3A_751 : vector<16xf32>
        %add3A_753 = arith.constant 17 : i32
        %add3A_754 = vector.broadcast %add3A_753 : i32 to vector<16xi32>
        %add3A_755 = arith.addi %mul3A_332, %add3A_754 : vector<16xi32>
        %gather3A_756 = tpu.vector_load_idx %arg17[%add3A_755, %and3A_646] : memref<320x128xf32, #tpu.memory_space<vmem>>[vector<16xi32>, vector<16xi32>], vector<16xf32>,
        %mul3A_757 = arith.mulf %gather3A_647, %gather3A_756 : vector<16xf32>
        %add3A_758 = arith.addf %add3A_625, %mul3A_757 : vector<16xf32>
        %add3A_759 = arith.constant 18 : i32
        %add3A_760 = vector.broadcast %add3A_759 : i32 to vector<16xi32>
        %add3A_761 = arith.addi %mul3A_332, %add3A_760 : vector<16xi32>
        %gather3A_762 = tpu.vector_load_idx %arg17[%add3A_761, %and3A_646] : memref<320x128xf32, #tpu.memory_space<vmem>>[vector<16xi32>, vector<16xi32>], vector<16xf32>,
        %mul3A_763 = arith.mulf %gather3A_647, %gather3A_762 : vector<16xf32>
        %add3A_764 = arith.addf %add3A_631, %mul3A_763 : vector<16xf32>
        %add3A_765 = arith.constant 19 : i32
        %add3A_766 = vector.broadcast %add3A_765 : i32 to vector<16xi32>
        %add3A_767 = arith.addi %mul3A_332, %add3A_766 : vector<16xi32>
        %gather3A_768 = tpu.vector_load_idx %arg17[%add3A_767, %and3A_646] : memref<320x128xf32, #tpu.memory_space<vmem>>[vector<16xi32>, vector<16xi32>], vector<16xf32>,
        %mul3A_769 = arith.mulf %gather3A_647, %gather3A_768 : vector<16xf32>
        %add3A_770 = arith.addf %add3A_637, %mul3A_769 : vector<16xf32>
        %mul3A_771 = arith.constant 4 : i32
        %mul3A_772 = arith.muli %scan3A_485, %mul3A_771 : i32
        %add3A_773 = arith.constant 2 : i32
        %add3A_774 = arith.addi %mul3A_772, %add3A_773 : i32
        %add3A_775 = vector.broadcast %add3A_774 : i32 to vector<16xi32>
        %add3A_776 = arith.addi %add3A_775, %iota3A_329 : vector<16xi32>
        %and3A_777 = arith.constant 63 : i32
        %and3A_778 = vector.broadcast %and3A_777 : i32 to vector<16xi32>
        %and3A_779 = arith.andi %add3A_776, %and3A_778 : vector<16xi32>
        %gather3A_780 = tpu.vector_load_idx %arg15[%iota3A_329, %and3A_779] : memref<16x128xf32, #tpu.memory_space<vmem>>[vector<16xi32>, vector<16xi32>], vector<16xf32>,
        %gather3A_781 = tpu.vector_load_idx %arg16[%iota3A_329, %and3A_779] : memref<16x128xf32, #tpu.memory_space<vmem>>[vector<16xi32>, vector<16xi32>], vector<16xf32>,
        %mul3A_782 = arith.mulf %gather3A_780, %gather3A_781 : vector<16xf32>
        %add3A_783 = arith.addf %add3A_650, %mul3A_782 : vector<16xf32>
        %add3A_784 = arith.constant 0 : i32
        %add3A_785 = vector.broadcast %add3A_784 : i32 to vector<16xi32>
        %add3A_786 = arith.addi %mul3A_332, %add3A_785 : vector<16xi32>
        %gather3A_787 = tpu.vector_load_idx %arg17[%add3A_786, %and3A_779] : memref<320x128xf32, #tpu.memory_space<vmem>>[vector<16xi32>, vector<16xi32>], vector<16xf32>,
        %mul3A_788 = arith.mulf %gather3A_780, %gather3A_787 : vector<16xf32>
        %add3A_789 = arith.addf %add3A_656, %mul3A_788 : vector<16xf32>
        %add3A_790 = arith.constant 1 : i32
        %add3A_791 = vector.broadcast %add3A_790 : i32 to vector<16xi32>
        %add3A_792 = arith.addi %mul3A_332, %add3A_791 : vector<16xi32>
        %gather3A_793 = tpu.vector_load_idx %arg17[%add3A_792, %and3A_779] : memref<320x128xf32, #tpu.memory_space<vmem>>[vector<16xi32>, vector<16xi32>], vector<16xf32>,
        %mul3A_794 = arith.mulf %gather3A_780, %gather3A_793 : vector<16xf32>
        %add3A_795 = arith.addf %add3A_662, %mul3A_794 : vector<16xf32>
        %add3A_796 = arith.constant 2 : i32
        %add3A_797 = vector.broadcast %add3A_796 : i32 to vector<16xi32>
        %add3A_798 = arith.addi %mul3A_332, %add3A_797 : vector<16xi32>
        %gather3A_799 = tpu.vector_load_idx %arg17[%add3A_798, %and3A_779] : memref<320x128xf32, #tpu.memory_space<vmem>>[vector<16xi32>, vector<16xi32>], vector<16xf32>,
        %mul3A_800 = arith.mulf %gather3A_780, %gather3A_799 : vector<16xf32>
        %add3A_801 = arith.addf %add3A_668, %mul3A_800 : vector<16xf32>
        %add3A_802 = arith.constant 3 : i32
        %add3A_803 = vector.broadcast %add3A_802 : i32 to vector<16xi32>
        %add3A_804 = arith.addi %mul3A_332, %add3A_803 : vector<16xi32>
        %gather3A_805 = tpu.vector_load_idx %arg17[%add3A_804, %and3A_779] : memref<320x128xf32, #tpu.memory_space<vmem>>[vector<16xi32>, vector<16xi32>], vector<16xf32>,
        %mul3A_806 = arith.mulf %gather3A_780, %gather3A_805 : vector<16xf32>
        %add3A_807 = arith.addf %add3A_674, %mul3A_806 : vector<16xf32>
        %add3A_808 = arith.constant 4 : i32
        %add3A_809 = vector.broadcast %add3A_808 : i32 to vector<16xi32>
        %add3A_810 = arith.addi %mul3A_332, %add3A_809 : vector<16xi32>
        %gather3A_811 = tpu.vector_load_idx %arg17[%add3A_810, %and3A_779] : memref<320x128xf32, #tpu.memory_space<vmem>>[vector<16xi32>, vector<16xi32>], vector<16xf32>,
        %mul3A_812 = arith.mulf %gather3A_780, %gather3A_811 : vector<16xf32>
        %add3A_813 = arith.addf %add3A_680, %mul3A_812 : vector<16xf32>
        %add3A_814 = arith.constant 5 : i32
        %add3A_815 = vector.broadcast %add3A_814 : i32 to vector<16xi32>
        %add3A_816 = arith.addi %mul3A_332, %add3A_815 : vector<16xi32>
        %gather3A_817 = tpu.vector_load_idx %arg17[%add3A_816, %and3A_779] : memref<320x128xf32, #tpu.memory_space<vmem>>[vector<16xi32>, vector<16xi32>], vector<16xf32>,
        %mul3A_818 = arith.mulf %gather3A_780, %gather3A_817 : vector<16xf32>
        %add3A_819 = arith.addf %add3A_686, %mul3A_818 : vector<16xf32>
        %add3A_820 = arith.constant 6 : i32
        %add3A_821 = vector.broadcast %add3A_820 : i32 to vector<16xi32>
        %add3A_822 = arith.addi %mul3A_332, %add3A_821 : vector<16xi32>
        %gather3A_823 = tpu.vector_load_idx %arg17[%add3A_822, %and3A_779] : memref<320x128xf32, #tpu.memory_space<vmem>>[vector<16xi32>, vector<16xi32>], vector<16xf32>,
        %mul3A_824 = arith.mulf %gather3A_780, %gather3A_823 : vector<16xf32>
        %add3A_825 = arith.addf %add3A_692, %mul3A_824 : vector<16xf32>
        %add3A_826 = arith.constant 7 : i32
        %add3A_827 = vector.broadcast %add3A_826 : i32 to vector<16xi32>
        %add3A_828 = arith.addi %mul3A_332, %add3A_827 : vector<16xi32>
        %gather3A_829 = tpu.vector_load_idx %arg17[%add3A_828, %and3A_779] : memref<320x128xf32, #tpu.memory_space<vmem>>[vector<16xi32>, vector<16xi32>], vector<16xf32>,
        %mul3A_830 = arith.mulf %gather3A_780, %gather3A_829 : vector<16xf32>
        %add3A_831 = arith.addf %add3A_698, %mul3A_830 : vector<16xf32>
        %add3A_832 = arith.constant 8 : i32
        %add3A_833 = vector.broadcast %add3A_832 : i32 to vector<16xi32>
        %add3A_834 = arith.addi %mul3A_332, %add3A_833 : vector<16xi32>
        %gather3A_835 = tpu.vector_load_idx %arg17[%add3A_834, %and3A_779] : memref<320x128xf32, #tpu.memory_space<vmem>>[vector<16xi32>, vector<16xi32>], vector<16xf32>,
        %mul3A_836 = arith.mulf %gather3A_780, %gather3A_835 : vector<16xf32>
        %add3A_837 = arith.addf %add3A_704, %mul3A_836 : vector<16xf32>
        %add3A_838 = arith.constant 9 : i32
        %add3A_839 = vector.broadcast %add3A_838 : i32 to vector<16xi32>
        %add3A_840 = arith.addi %mul3A_332, %add3A_839 : vector<16xi32>
        %gather3A_841 = tpu.vector_load_idx %arg17[%add3A_840, %and3A_779] : memref<320x128xf32, #tpu.memory_space<vmem>>[vector<16xi32>, vector<16xi32>], vector<16xf32>,
        %mul3A_842 = arith.mulf %gather3A_780, %gather3A_841 : vector<16xf32>
        %add3A_843 = arith.addf %add3A_710, %mul3A_842 : vector<16xf32>
        %add3A_844 = arith.constant 10 : i32
        %add3A_845 = vector.broadcast %add3A_844 : i32 to vector<16xi32>
        %add3A_846 = arith.addi %mul3A_332, %add3A_845 : vector<16xi32>
        %gather3A_847 = tpu.vector_load_idx %arg17[%add3A_846, %and3A_779] : memref<320x128xf32, #tpu.memory_space<vmem>>[vector<16xi32>, vector<16xi32>], vector<16xf32>,
        %mul3A_848 = arith.mulf %gather3A_780, %gather3A_847 : vector<16xf32>
        %add3A_849 = arith.addf %add3A_716, %mul3A_848 : vector<16xf32>
        %add3A_850 = arith.constant 11 : i32
        %add3A_851 = vector.broadcast %add3A_850 : i32 to vector<16xi32>
        %add3A_852 = arith.addi %mul3A_332, %add3A_851 : vector<16xi32>
        %gather3A_853 = tpu.vector_load_idx %arg17[%add3A_852, %and3A_779] : memref<320x128xf32, #tpu.memory_space<vmem>>[vector<16xi32>, vector<16xi32>], vector<16xf32>,
        %mul3A_854 = arith.mulf %gather3A_780, %gather3A_853 : vector<16xf32>
        %add3A_855 = arith.addf %add3A_722, %mul3A_854 : vector<16xf32>
        %add3A_856 = arith.constant 12 : i32
        %add3A_857 = vector.broadcast %add3A_856 : i32 to vector<16xi32>
        %add3A_858 = arith.addi %mul3A_332, %add3A_857 : vector<16xi32>
        %gather3A_859 = tpu.vector_load_idx %arg17[%add3A_858, %and3A_779] : memref<320x128xf32, #tpu.memory_space<vmem>>[vector<16xi32>, vector<16xi32>], vector<16xf32>,
        %mul3A_860 = arith.mulf %gather3A_780, %gather3A_859 : vector<16xf32>
        %add3A_861 = arith.addf %add3A_728, %mul3A_860 : vector<16xf32>
        %add3A_862 = arith.constant 13 : i32
        %add3A_863 = vector.broadcast %add3A_862 : i32 to vector<16xi32>
        %add3A_864 = arith.addi %mul3A_332, %add3A_863 : vector<16xi32>
        %gather3A_865 = tpu.vector_load_idx %arg17[%add3A_864, %and3A_779] : memref<320x128xf32, #tpu.memory_space<vmem>>[vector<16xi32>, vector<16xi32>], vector<16xf32>,
        %mul3A_866 = arith.mulf %gather3A_780, %gather3A_865 : vector<16xf32>
        %add3A_867 = arith.addf %add3A_734, %mul3A_866 : vector<16xf32>
        %add3A_868 = arith.constant 14 : i32
        %add3A_869 = vector.broadcast %add3A_868 : i32 to vector<16xi32>
        %add3A_870 = arith.addi %mul3A_332, %add3A_869 : vector<16xi32>
        %gather3A_871 = tpu.vector_load_idx %arg17[%add3A_870, %and3A_779] : memref<320x128xf32, #tpu.memory_space<vmem>>[vector<16xi32>, vector<16xi32>], vector<16xf32>,
        %mul3A_872 = arith.mulf %gather3A_780, %gather3A_871 : vector<16xf32>
        %add3A_873 = arith.addf %add3A_740, %mul3A_872 : vector<16xf32>
        %add3A_874 = arith.constant 15 : i32
        %add3A_875 = vector.broadcast %add3A_874 : i32 to vector<16xi32>
        %add3A_876 = arith.addi %mul3A_332, %add3A_875 : vector<16xi32>
        %gather3A_877 = tpu.vector_load_idx %arg17[%add3A_876, %and3A_779] : memref<320x128xf32, #tpu.memory_space<vmem>>[vector<16xi32>, vector<16xi32>], vector<16xf32>,
        %mul3A_878 = arith.mulf %gather3A_780, %gather3A_877 : vector<16xf32>
        %add3A_879 = arith.addf %add3A_746, %mul3A_878 : vector<16xf32>
        %add3A_880 = arith.constant 16 : i32
        %add3A_881 = vector.broadcast %add3A_880 : i32 to vector<16xi32>
        %add3A_882 = arith.addi %mul3A_332, %add3A_881 : vector<16xi32>
        %gather3A_883 = tpu.vector_load_idx %arg17[%add3A_882, %and3A_779] : memref<320x128xf32, #tpu.memory_space<vmem>>[vector<16xi32>, vector<16xi32>], vector<16xf32>,
        %mul3A_884 = arith.mulf %gather3A_780, %gather3A_883 : vector<16xf32>
        %add3A_885 = arith.addf %add3A_752, %mul3A_884 : vector<16xf32>
        %add3A_886 = arith.constant 17 : i32
        %add3A_887 = vector.broadcast %add3A_886 : i32 to vector<16xi32>
        %add3A_888 = arith.addi %mul3A_332, %add3A_887 : vector<16xi32>
        %gather3A_889 = tpu.vector_load_idx %arg17[%add3A_888, %and3A_779] : memref<320x128xf32, #tpu.memory_space<vmem>>[vector<16xi32>, vector<16xi32>], vector<16xf32>,
        %mul3A_890 = arith.mulf %gather3A_780, %gather3A_889 : vector<16xf32>
        %add3A_891 = arith.addf %add3A_758, %mul3A_890 : vector<16xf32>
        %add3A_892 = arith.constant 18 : i32
        %add3A_893 = vector.broadcast %add3A_892 : i32 to vector<16xi32>
        %add3A_894 = arith.addi %mul3A_332, %add3A_893 : vector<16xi32>
        %gather3A_895 = tpu.vector_load_idx %arg17[%add3A_894, %and3A_779] : memref<320x128xf32, #tpu.memory_space<vmem>>[vector<16xi32>, vector<16xi32>], vector<16xf32>,
        %mul3A_896 = arith.mulf %gather3A_780, %gather3A_895 : vector<16xf32>
        %add3A_897 = arith.addf %add3A_764, %mul3A_896 : vector<16xf32>
        %add3A_898 = arith.constant 19 : i32
        %add3A_899 = vector.broadcast %add3A_898 : i32 to vector<16xi32>
        %add3A_900 = arith.addi %mul3A_332, %add3A_899 : vector<16xi32>
        %gather3A_901 = tpu.vector_load_idx %arg17[%add3A_900, %and3A_779] : memref<320x128xf32, #tpu.memory_space<vmem>>[vector<16xi32>, vector<16xi32>], vector<16xf32>,
        %mul3A_902 = arith.mulf %gather3A_780, %gather3A_901 : vector<16xf32>
        %add3A_903 = arith.addf %add3A_770, %mul3A_902 : vector<16xf32>
        %mul3A_904 = arith.constant 4 : i32
        %mul3A_905 = arith.muli %scan3A_485, %mul3A_904 : i32
        %add3A_906 = arith.constant 3 : i32
        %add3A_907 = arith.addi %mul3A_905, %add3A_906 : i32
        %add3A_908 = vector.broadcast %add3A_907 : i32 to vector<16xi32>
        %add3A_909 = arith.addi %add3A_908, %iota3A_329 : vector<16xi32>
        %and3A_910 = arith.constant 63 : i32
        %and3A_911 = vector.broadcast %and3A_910 : i32 to vector<16xi32>
        %and3A_912 = arith.andi %add3A_909, %and3A_911 : vector<16xi32>
        %gather3A_913 = tpu.vector_load_idx %arg15[%iota3A_329, %and3A_912] : memref<16x128xf32, #tpu.memory_space<vmem>>[vector<16xi32>, vector<16xi32>], vector<16xf32>,
        %gather3A_914 = tpu.vector_load_idx %arg16[%iota3A_329, %and3A_912] : memref<16x128xf32, #tpu.memory_space<vmem>>[vector<16xi32>, vector<16xi32>], vector<16xf32>,
        %mul3A_915 = arith.mulf %gather3A_913, %gather3A_914 : vector<16xf32>
        %add3A_916 = arith.addf %add3A_783, %mul3A_915 : vector<16xf32>
        %add3A_917 = arith.constant 0 : i32
        %add3A_918 = vector.broadcast %add3A_917 : i32 to vector<16xi32>
        %add3A_919 = arith.addi %mul3A_332, %add3A_918 : vector<16xi32>
        %gather3A_920 = tpu.vector_load_idx %arg17[%add3A_919, %and3A_912] : memref<320x128xf32, #tpu.memory_space<vmem>>[vector<16xi32>, vector<16xi32>], vector<16xf32>,
        %mul3A_921 = arith.mulf %gather3A_913, %gather3A_920 : vector<16xf32>
        %add3A_922 = arith.addf %add3A_789, %mul3A_921 : vector<16xf32>
        %add3A_923 = arith.constant 1 : i32
        %add3A_924 = vector.broadcast %add3A_923 : i32 to vector<16xi32>
        %add3A_925 = arith.addi %mul3A_332, %add3A_924 : vector<16xi32>
        %gather3A_926 = tpu.vector_load_idx %arg17[%add3A_925, %and3A_912] : memref<320x128xf32, #tpu.memory_space<vmem>>[vector<16xi32>, vector<16xi32>], vector<16xf32>,
        %mul3A_927 = arith.mulf %gather3A_913, %gather3A_926 : vector<16xf32>
        %add3A_928 = arith.addf %add3A_795, %mul3A_927 : vector<16xf32>
        %add3A_929 = arith.constant 2 : i32
        %add3A_930 = vector.broadcast %add3A_929 : i32 to vector<16xi32>
        %add3A_931 = arith.addi %mul3A_332, %add3A_930 : vector<16xi32>
        %gather3A_932 = tpu.vector_load_idx %arg17[%add3A_931, %and3A_912] : memref<320x128xf32, #tpu.memory_space<vmem>>[vector<16xi32>, vector<16xi32>], vector<16xf32>,
        %mul3A_933 = arith.mulf %gather3A_913, %gather3A_932 : vector<16xf32>
        %add3A_934 = arith.addf %add3A_801, %mul3A_933 : vector<16xf32>
        %add3A_935 = arith.constant 3 : i32
        %add3A_936 = vector.broadcast %add3A_935 : i32 to vector<16xi32>
        %add3A_937 = arith.addi %mul3A_332, %add3A_936 : vector<16xi32>
        %gather3A_938 = tpu.vector_load_idx %arg17[%add3A_937, %and3A_912] : memref<320x128xf32, #tpu.memory_space<vmem>>[vector<16xi32>, vector<16xi32>], vector<16xf32>,
        %mul3A_939 = arith.mulf %gather3A_913, %gather3A_938 : vector<16xf32>
        %add3A_940 = arith.addf %add3A_807, %mul3A_939 : vector<16xf32>
        %add3A_941 = arith.constant 4 : i32
        %add3A_942 = vector.broadcast %add3A_941 : i32 to vector<16xi32>
        %add3A_943 = arith.addi %mul3A_332, %add3A_942 : vector<16xi32>
        %gather3A_944 = tpu.vector_load_idx %arg17[%add3A_943, %and3A_912] : memref<320x128xf32, #tpu.memory_space<vmem>>[vector<16xi32>, vector<16xi32>], vector<16xf32>,
        %mul3A_945 = arith.mulf %gather3A_913, %gather3A_944 : vector<16xf32>
        %add3A_946 = arith.addf %add3A_813, %mul3A_945 : vector<16xf32>
        %add3A_947 = arith.constant 5 : i32
        %add3A_948 = vector.broadcast %add3A_947 : i32 to vector<16xi32>
        %add3A_949 = arith.addi %mul3A_332, %add3A_948 : vector<16xi32>
        %gather3A_950 = tpu.vector_load_idx %arg17[%add3A_949, %and3A_912] : memref<320x128xf32, #tpu.memory_space<vmem>>[vector<16xi32>, vector<16xi32>], vector<16xf32>,
        %mul3A_951 = arith.mulf %gather3A_913, %gather3A_950 : vector<16xf32>
        %add3A_952 = arith.addf %add3A_819, %mul3A_951 : vector<16xf32>
        %add3A_953 = arith.constant 6 : i32
        %add3A_954 = vector.broadcast %add3A_953 : i32 to vector<16xi32>
        %add3A_955 = arith.addi %mul3A_332, %add3A_954 : vector<16xi32>
        %gather3A_956 = tpu.vector_load_idx %arg17[%add3A_955, %and3A_912] : memref<320x128xf32, #tpu.memory_space<vmem>>[vector<16xi32>, vector<16xi32>], vector<16xf32>,
        %mul3A_957 = arith.mulf %gather3A_913, %gather3A_956 : vector<16xf32>
        %add3A_958 = arith.addf %add3A_825, %mul3A_957 : vector<16xf32>
        %add3A_959 = arith.constant 7 : i32
        %add3A_960 = vector.broadcast %add3A_959 : i32 to vector<16xi32>
        %add3A_961 = arith.addi %mul3A_332, %add3A_960 : vector<16xi32>
        %gather3A_962 = tpu.vector_load_idx %arg17[%add3A_961, %and3A_912] : memref<320x128xf32, #tpu.memory_space<vmem>>[vector<16xi32>, vector<16xi32>], vector<16xf32>,
        %mul3A_963 = arith.mulf %gather3A_913, %gather3A_962 : vector<16xf32>
        %add3A_964 = arith.addf %add3A_831, %mul3A_963 : vector<16xf32>
        %add3A_965 = arith.constant 8 : i32
        %add3A_966 = vector.broadcast %add3A_965 : i32 to vector<16xi32>
        %add3A_967 = arith.addi %mul3A_332, %add3A_966 : vector<16xi32>
        %gather3A_968 = tpu.vector_load_idx %arg17[%add3A_967, %and3A_912] : memref<320x128xf32, #tpu.memory_space<vmem>>[vector<16xi32>, vector<16xi32>], vector<16xf32>,
        %mul3A_969 = arith.mulf %gather3A_913, %gather3A_968 : vector<16xf32>
        %add3A_970 = arith.addf %add3A_837, %mul3A_969 : vector<16xf32>
        %add3A_971 = arith.constant 9 : i32
        %add3A_972 = vector.broadcast %add3A_971 : i32 to vector<16xi32>
        %add3A_973 = arith.addi %mul3A_332, %add3A_972 : vector<16xi32>
        %gather3A_974 = tpu.vector_load_idx %arg17[%add3A_973, %and3A_912] : memref<320x128xf32, #tpu.memory_space<vmem>>[vector<16xi32>, vector<16xi32>], vector<16xf32>,
        %mul3A_975 = arith.mulf %gather3A_913, %gather3A_974 : vector<16xf32>
        %add3A_976 = arith.addf %add3A_843, %mul3A_975 : vector<16xf32>
        %add3A_977 = arith.constant 10 : i32
        %add3A_978 = vector.broadcast %add3A_977 : i32 to vector<16xi32>
        %add3A_979 = arith.addi %mul3A_332, %add3A_978 : vector<16xi32>
        %gather3A_980 = tpu.vector_load_idx %arg17[%add3A_979, %and3A_912] : memref<320x128xf32, #tpu.memory_space<vmem>>[vector<16xi32>, vector<16xi32>], vector<16xf32>,
        %mul3A_981 = arith.mulf %gather3A_913, %gather3A_980 : vector<16xf32>
        %add3A_982 = arith.addf %add3A_849, %mul3A_981 : vector<16xf32>
        %add3A_983 = arith.constant 11 : i32
        %add3A_984 = vector.broadcast %add3A_983 : i32 to vector<16xi32>
        %add3A_985 = arith.addi %mul3A_332, %add3A_984 : vector<16xi32>
        %gather3A_986 = tpu.vector_load_idx %arg17[%add3A_985, %and3A_912] : memref<320x128xf32, #tpu.memory_space<vmem>>[vector<16xi32>, vector<16xi32>], vector<16xf32>,
        %mul3A_987 = arith.mulf %gather3A_913, %gather3A_986 : vector<16xf32>
        %add3A_988 = arith.addf %add3A_855, %mul3A_987 : vector<16xf32>
        %add3A_989 = arith.constant 12 : i32
        %add3A_990 = vector.broadcast %add3A_989 : i32 to vector<16xi32>
        %add3A_991 = arith.addi %mul3A_332, %add3A_990 : vector<16xi32>
        %gather3A_992 = tpu.vector_load_idx %arg17[%add3A_991, %and3A_912] : memref<320x128xf32, #tpu.memory_space<vmem>>[vector<16xi32>, vector<16xi32>], vector<16xf32>,
        %mul3A_993 = arith.mulf %gather3A_913, %gather3A_992 : vector<16xf32>
        %add3A_994 = arith.addf %add3A_861, %mul3A_993 : vector<16xf32>
        %add3A_995 = arith.constant 13 : i32
        %add3A_996 = vector.broadcast %add3A_995 : i32 to vector<16xi32>
        %add3A_997 = arith.addi %mul3A_332, %add3A_996 : vector<16xi32>
        %gather3A_998 = tpu.vector_load_idx %arg17[%add3A_997, %and3A_912] : memref<320x128xf32, #tpu.memory_space<vmem>>[vector<16xi32>, vector<16xi32>], vector<16xf32>,
        %mul3A_999 = arith.mulf %gather3A_913, %gather3A_998 : vector<16xf32>
        %add3A_1000 = arith.addf %add3A_867, %mul3A_999 : vector<16xf32>
        %add3A_1001 = arith.constant 14 : i32
        %add3A_1002 = vector.broadcast %add3A_1001 : i32 to vector<16xi32>
        %add3A_1003 = arith.addi %mul3A_332, %add3A_1002 : vector<16xi32>
        %gather3A_1004 = tpu.vector_load_idx %arg17[%add3A_1003, %and3A_912] : memref<320x128xf32, #tpu.memory_space<vmem>>[vector<16xi32>, vector<16xi32>], vector<16xf32>,
        %mul3A_1005 = arith.mulf %gather3A_913, %gather3A_1004 : vector<16xf32>
        %add3A_1006 = arith.addf %add3A_873, %mul3A_1005 : vector<16xf32>
        %add3A_1007 = arith.constant 15 : i32
        %add3A_1008 = vector.broadcast %add3A_1007 : i32 to vector<16xi32>
        %add3A_1009 = arith.addi %mul3A_332, %add3A_1008 : vector<16xi32>
        %gather3A_1010 = tpu.vector_load_idx %arg17[%add3A_1009, %and3A_912] : memref<320x128xf32, #tpu.memory_space<vmem>>[vector<16xi32>, vector<16xi32>], vector<16xf32>,
        %mul3A_1011 = arith.mulf %gather3A_913, %gather3A_1010 : vector<16xf32>
        %add3A_1012 = arith.addf %add3A_879, %mul3A_1011 : vector<16xf32>
        %add3A_1013 = arith.constant 16 : i32
        %add3A_1014 = vector.broadcast %add3A_1013 : i32 to vector<16xi32>
        %add3A_1015 = arith.addi %mul3A_332, %add3A_1014 : vector<16xi32>
        %gather3A_1016 = tpu.vector_load_idx %arg17[%add3A_1015, %and3A_912] : memref<320x128xf32, #tpu.memory_space<vmem>>[vector<16xi32>, vector<16xi32>], vector<16xf32>,
        %mul3A_1017 = arith.mulf %gather3A_913, %gather3A_1016 : vector<16xf32>
        %add3A_1018 = arith.addf %add3A_885, %mul3A_1017 : vector<16xf32>
        %add3A_1019 = arith.constant 17 : i32
        %add3A_1020 = vector.broadcast %add3A_1019 : i32 to vector<16xi32>
        %add3A_1021 = arith.addi %mul3A_332, %add3A_1020 : vector<16xi32>
        %gather3A_1022 = tpu.vector_load_idx %arg17[%add3A_1021, %and3A_912] : memref<320x128xf32, #tpu.memory_space<vmem>>[vector<16xi32>, vector<16xi32>], vector<16xf32>,
        %mul3A_1023 = arith.mulf %gather3A_913, %gather3A_1022 : vector<16xf32>
        %add3A_1024 = arith.addf %add3A_891, %mul3A_1023 : vector<16xf32>
        %add3A_1025 = arith.constant 18 : i32
        %add3A_1026 = vector.broadcast %add3A_1025 : i32 to vector<16xi32>
        %add3A_1027 = arith.addi %mul3A_332, %add3A_1026 : vector<16xi32>
        %gather3A_1028 = tpu.vector_load_idx %arg17[%add3A_1027, %and3A_912] : memref<320x128xf32, #tpu.memory_space<vmem>>[vector<16xi32>, vector<16xi32>], vector<16xf32>,
        %mul3A_1029 = arith.mulf %gather3A_913, %gather3A_1028 : vector<16xf32>
        %add3A_1030 = arith.addf %add3A_897, %mul3A_1029 : vector<16xf32>
        %add3A_1031 = arith.constant 19 : i32
        %add3A_1032 = vector.broadcast %add3A_1031 : i32 to vector<16xi32>
        %add3A_1033 = arith.addi %mul3A_332, %add3A_1032 : vector<16xi32>
        %gather3A_1034 = tpu.vector_load_idx %arg17[%add3A_1033, %and3A_912] : memref<320x128xf32, #tpu.memory_space<vmem>>[vector<16xi32>, vector<16xi32>], vector<16xf32>,
        %mul3A_1035 = arith.mulf %gather3A_913, %gather3A_1034 : vector<16xf32>
        %add3A_1036 = arith.addf %add3A_903, %mul3A_1035 : vector<16xf32>
        scf.yield %add3A_916, %add3A_922, %add3A_928, %add3A_934, %add3A_940, %add3A_946, %add3A_952, %add3A_958, %add3A_964, %add3A_970, %add3A_976, %add3A_982, %add3A_988, %add3A_994, %add3A_1000, %add3A_1006, %add3A_1012, %add3A_1018, %add3A_1024, %add3A_1030, %add3A_1036 : vector<16xf32>, vector<16xf32>, vector<16xf32>, vector<16xf32>, vector<16xf32>, vector<16xf32>, vector<16xf32>, vector<16xf32>, vector<16xf32>, vector<16xf32>, vector<16xf32>, vector<16xf32>, vector<16xf32>, vector<16xf32>, vector<16xf32>, vector<16xf32>, vector<16xf32>, vector<16xf32>, vector<16xf32>, vector<16xf32>, vector<16xf32>
      }
      %scan3A_340 = arith.constant 16 : i32
      %mul3A_341 = arith.constant 16 : i32
      %mul3A_342 = arith.muli %add3A_55, %mul3A_341 : i32
      %swap3A_343 = arith.index_cast %mul3A_342 : i32 to index
      %swap3A_344 = tpu.vector_load %arg18[%swap3A_343] {strides = array<i32>} : memref<512xf32, #tpu.memory_space<vmem>>, vector<16xf32>,
      tpu.vector_store %arg18[%swap3A_343], %scan3A_339#0 {strides = array<i32>} : memref<512xf32, #tpu.memory_space<vmem>>, vector<16xf32>,
      %mul3A_345 = arith.constant 320 : i32
      %mul3A_346 = arith.muli %add3A_55, %mul3A_345 : i32
      %add3A_347 = vector.broadcast %mul3A_346 : i32 to vector<16xi32>
      %add3A_348 = arith.addi %add3A_347, %mul3A_332 : vector<16xi32>
      %add3A_349 = arith.constant 0 : i32
      %add3A_350 = vector.broadcast %add3A_349 : i32 to vector<16xi32>
      %add3A_351 = arith.addi %add3A_348, %add3A_350 : vector<16xi32>
      tpu.vector_store_idx %arg19[%add3A_351], %scan3A_339#1 : memref<10240xf32, #tpu.memory_space<vmem>>[vector<16xi32>], vector<16xf32>,
      %mul3A_352 = arith.constant 320 : i32
      %mul3A_353 = arith.muli %add3A_55, %mul3A_352 : i32
      %add3A_354 = vector.broadcast %mul3A_353 : i32 to vector<16xi32>
      %add3A_355 = arith.addi %add3A_354, %mul3A_332 : vector<16xi32>
      %add3A_356 = arith.constant 1 : i32
      %add3A_357 = vector.broadcast %add3A_356 : i32 to vector<16xi32>
      %add3A_358 = arith.addi %add3A_355, %add3A_357 : vector<16xi32>
      tpu.vector_store_idx %arg19[%add3A_358], %scan3A_339#2 : memref<10240xf32, #tpu.memory_space<vmem>>[vector<16xi32>], vector<16xf32>,
      %mul3A_359 = arith.constant 320 : i32
      %mul3A_360 = arith.muli %add3A_55, %mul3A_359 : i32
      %add3A_361 = vector.broadcast %mul3A_360 : i32 to vector<16xi32>
      %add3A_362 = arith.addi %add3A_361, %mul3A_332 : vector<16xi32>
      %add3A_363 = arith.constant 2 : i32
      %add3A_364 = vector.broadcast %add3A_363 : i32 to vector<16xi32>
      %add3A_365 = arith.addi %add3A_362, %add3A_364 : vector<16xi32>
      tpu.vector_store_idx %arg19[%add3A_365], %scan3A_339#3 : memref<10240xf32, #tpu.memory_space<vmem>>[vector<16xi32>], vector<16xf32>,
      %mul3A_366 = arith.constant 320 : i32
      %mul3A_367 = arith.muli %add3A_55, %mul3A_366 : i32
      %add3A_368 = vector.broadcast %mul3A_367 : i32 to vector<16xi32>
      %add3A_369 = arith.addi %add3A_368, %mul3A_332 : vector<16xi32>
      %add3A_370 = arith.constant 3 : i32
      %add3A_371 = vector.broadcast %add3A_370 : i32 to vector<16xi32>
      %add3A_372 = arith.addi %add3A_369, %add3A_371 : vector<16xi32>
      tpu.vector_store_idx %arg19[%add3A_372], %scan3A_339#4 : memref<10240xf32, #tpu.memory_space<vmem>>[vector<16xi32>], vector<16xf32>,
      %mul3A_373 = arith.constant 320 : i32
      %mul3A_374 = arith.muli %add3A_55, %mul3A_373 : i32
      %add3A_375 = vector.broadcast %mul3A_374 : i32 to vector<16xi32>
      %add3A_376 = arith.addi %add3A_375, %mul3A_332 : vector<16xi32>
      %add3A_377 = arith.constant 4 : i32
      %add3A_378 = vector.broadcast %add3A_377 : i32 to vector<16xi32>
      %add3A_379 = arith.addi %add3A_376, %add3A_378 : vector<16xi32>
      tpu.vector_store_idx %arg19[%add3A_379], %scan3A_339#5 : memref<10240xf32, #tpu.memory_space<vmem>>[vector<16xi32>], vector<16xf32>,
      %mul3A_380 = arith.constant 320 : i32
      %mul3A_381 = arith.muli %add3A_55, %mul3A_380 : i32
      %add3A_382 = vector.broadcast %mul3A_381 : i32 to vector<16xi32>
      %add3A_383 = arith.addi %add3A_382, %mul3A_332 : vector<16xi32>
      %add3A_384 = arith.constant 5 : i32
      %add3A_385 = vector.broadcast %add3A_384 : i32 to vector<16xi32>
      %add3A_386 = arith.addi %add3A_383, %add3A_385 : vector<16xi32>
      tpu.vector_store_idx %arg19[%add3A_386], %scan3A_339#6 : memref<10240xf32, #tpu.memory_space<vmem>>[vector<16xi32>], vector<16xf32>,
      %mul3A_387 = arith.constant 320 : i32
      %mul3A_388 = arith.muli %add3A_55, %mul3A_387 : i32
      %add3A_389 = vector.broadcast %mul3A_388 : i32 to vector<16xi32>
      %add3A_390 = arith.addi %add3A_389, %mul3A_332 : vector<16xi32>
      %add3A_391 = arith.constant 6 : i32
      %add3A_392 = vector.broadcast %add3A_391 : i32 to vector<16xi32>
      %add3A_393 = arith.addi %add3A_390, %add3A_392 : vector<16xi32>
      tpu.vector_store_idx %arg19[%add3A_393], %scan3A_339#7 : memref<10240xf32, #tpu.memory_space<vmem>>[vector<16xi32>], vector<16xf32>,
      %mul3A_394 = arith.constant 320 : i32
      %mul3A_395 = arith.muli %add3A_55, %mul3A_394 : i32
      %add3A_396 = vector.broadcast %mul3A_395 : i32 to vector<16xi32>
      %add3A_397 = arith.addi %add3A_396, %mul3A_332 : vector<16xi32>
      %add3A_398 = arith.constant 7 : i32
      %add3A_399 = vector.broadcast %add3A_398 : i32 to vector<16xi32>
      %add3A_400 = arith.addi %add3A_397, %add3A_399 : vector<16xi32>
      tpu.vector_store_idx %arg19[%add3A_400], %scan3A_339#8 : memref<10240xf32, #tpu.memory_space<vmem>>[vector<16xi32>], vector<16xf32>,
      %mul3A_401 = arith.constant 320 : i32
      %mul3A_402 = arith.muli %add3A_55, %mul3A_401 : i32
      %add3A_403 = vector.broadcast %mul3A_402 : i32 to vector<16xi32>
      %add3A_404 = arith.addi %add3A_403, %mul3A_332 : vector<16xi32>
      %add3A_405 = arith.constant 8 : i32
      %add3A_406 = vector.broadcast %add3A_405 : i32 to vector<16xi32>
      %add3A_407 = arith.addi %add3A_404, %add3A_406 : vector<16xi32>
      tpu.vector_store_idx %arg19[%add3A_407], %scan3A_339#9 : memref<10240xf32, #tpu.memory_space<vmem>>[vector<16xi32>], vector<16xf32>,
      %mul3A_408 = arith.constant 320 : i32
      %mul3A_409 = arith.muli %add3A_55, %mul3A_408 : i32
      %add3A_410 = vector.broadcast %mul3A_409 : i32 to vector<16xi32>
      %add3A_411 = arith.addi %add3A_410, %mul3A_332 : vector<16xi32>
      %add3A_412 = arith.constant 9 : i32
      %add3A_413 = vector.broadcast %add3A_412 : i32 to vector<16xi32>
      %add3A_414 = arith.addi %add3A_411, %add3A_413 : vector<16xi32>
      tpu.vector_store_idx %arg19[%add3A_414], %scan3A_339#10 : memref<10240xf32, #tpu.memory_space<vmem>>[vector<16xi32>], vector<16xf32>,
      %mul3A_415 = arith.constant 320 : i32
      %mul3A_416 = arith.muli %add3A_55, %mul3A_415 : i32
      %add3A_417 = vector.broadcast %mul3A_416 : i32 to vector<16xi32>
      %add3A_418 = arith.addi %add3A_417, %mul3A_332 : vector<16xi32>
      %add3A_419 = arith.constant 10 : i32
      %add3A_420 = vector.broadcast %add3A_419 : i32 to vector<16xi32>
      %add3A_421 = arith.addi %add3A_418, %add3A_420 : vector<16xi32>
      tpu.vector_store_idx %arg19[%add3A_421], %scan3A_339#11 : memref<10240xf32, #tpu.memory_space<vmem>>[vector<16xi32>], vector<16xf32>,
      %mul3A_422 = arith.constant 320 : i32
      %mul3A_423 = arith.muli %add3A_55, %mul3A_422 : i32
      %add3A_424 = vector.broadcast %mul3A_423 : i32 to vector<16xi32>
      %add3A_425 = arith.addi %add3A_424, %mul3A_332 : vector<16xi32>
      %add3A_426 = arith.constant 11 : i32
      %add3A_427 = vector.broadcast %add3A_426 : i32 to vector<16xi32>
      %add3A_428 = arith.addi %add3A_425, %add3A_427 : vector<16xi32>
      tpu.vector_store_idx %arg19[%add3A_428], %scan3A_339#12 : memref<10240xf32, #tpu.memory_space<vmem>>[vector<16xi32>], vector<16xf32>,
      %mul3A_429 = arith.constant 320 : i32
      %mul3A_430 = arith.muli %add3A_55, %mul3A_429 : i32
      %add3A_431 = vector.broadcast %mul3A_430 : i32 to vector<16xi32>
      %add3A_432 = arith.addi %add3A_431, %mul3A_332 : vector<16xi32>
      %add3A_433 = arith.constant 12 : i32
      %add3A_434 = vector.broadcast %add3A_433 : i32 to vector<16xi32>
      %add3A_435 = arith.addi %add3A_432, %add3A_434 : vector<16xi32>
      tpu.vector_store_idx %arg19[%add3A_435], %scan3A_339#13 : memref<10240xf32, #tpu.memory_space<vmem>>[vector<16xi32>], vector<16xf32>,
      %mul3A_436 = arith.constant 320 : i32
      %mul3A_437 = arith.muli %add3A_55, %mul3A_436 : i32
      %add3A_438 = vector.broadcast %mul3A_437 : i32 to vector<16xi32>
      %add3A_439 = arith.addi %add3A_438, %mul3A_332 : vector<16xi32>
      %add3A_440 = arith.constant 13 : i32
      %add3A_441 = vector.broadcast %add3A_440 : i32 to vector<16xi32>
      %add3A_442 = arith.addi %add3A_439, %add3A_441 : vector<16xi32>
      tpu.vector_store_idx %arg19[%add3A_442], %scan3A_339#14 : memref<10240xf32, #tpu.memory_space<vmem>>[vector<16xi32>], vector<16xf32>,
      %mul3A_443 = arith.constant 320 : i32
      %mul3A_444 = arith.muli %add3A_55, %mul3A_443 : i32
      %add3A_445 = vector.broadcast %mul3A_444 : i32 to vector<16xi32>
      %add3A_446 = arith.addi %add3A_445, %mul3A_332 : vector<16xi32>
      %add3A_447 = arith.constant 14 : i32
      %add3A_448 = vector.broadcast %add3A_447 : i32 to vector<16xi32>
      %add3A_449 = arith.addi %add3A_446, %add3A_448 : vector<16xi32>
      tpu.vector_store_idx %arg19[%add3A_449], %scan3A_339#15 : memref<10240xf32, #tpu.memory_space<vmem>>[vector<16xi32>], vector<16xf32>,
      %mul3A_450 = arith.constant 320 : i32
      %mul3A_451 = arith.muli %add3A_55, %mul3A_450 : i32
      %add3A_452 = vector.broadcast %mul3A_451 : i32 to vector<16xi32>
      %add3A_453 = arith.addi %add3A_452, %mul3A_332 : vector<16xi32>
      %add3A_454 = arith.constant 15 : i32
      %add3A_455 = vector.broadcast %add3A_454 : i32 to vector<16xi32>
      %add3A_456 = arith.addi %add3A_453, %add3A_455 : vector<16xi32>
      tpu.vector_store_idx %arg19[%add3A_456], %scan3A_339#16 : memref<10240xf32, #tpu.memory_space<vmem>>[vector<16xi32>], vector<16xf32>,
      %mul3A_457 = arith.constant 320 : i32
      %mul3A_458 = arith.muli %add3A_55, %mul3A_457 : i32
      %add3A_459 = vector.broadcast %mul3A_458 : i32 to vector<16xi32>
      %add3A_460 = arith.addi %add3A_459, %mul3A_332 : vector<16xi32>
      %add3A_461 = arith.constant 16 : i32
      %add3A_462 = vector.broadcast %add3A_461 : i32 to vector<16xi32>
      %add3A_463 = arith.addi %add3A_460, %add3A_462 : vector<16xi32>
      tpu.vector_store_idx %arg19[%add3A_463], %scan3A_339#17 : memref<10240xf32, #tpu.memory_space<vmem>>[vector<16xi32>], vector<16xf32>,
      %mul3A_464 = arith.constant 320 : i32
      %mul3A_465 = arith.muli %add3A_55, %mul3A_464 : i32
      %add3A_466 = vector.broadcast %mul3A_465 : i32 to vector<16xi32>
      %add3A_467 = arith.addi %add3A_466, %mul3A_332 : vector<16xi32>
      %add3A_468 = arith.constant 17 : i32
      %add3A_469 = vector.broadcast %add3A_468 : i32 to vector<16xi32>
      %add3A_470 = arith.addi %add3A_467, %add3A_469 : vector<16xi32>
      tpu.vector_store_idx %arg19[%add3A_470], %scan3A_339#18 : memref<10240xf32, #tpu.memory_space<vmem>>[vector<16xi32>], vector<16xf32>,
      %mul3A_471 = arith.constant 320 : i32
      %mul3A_472 = arith.muli %add3A_55, %mul3A_471 : i32
      %add3A_473 = vector.broadcast %mul3A_472 : i32 to vector<16xi32>
      %add3A_474 = arith.addi %add3A_473, %mul3A_332 : vector<16xi32>
      %add3A_475 = arith.constant 18 : i32
      %add3A_476 = vector.broadcast %add3A_475 : i32 to vector<16xi32>
      %add3A_477 = arith.addi %add3A_474, %add3A_476 : vector<16xi32>
      tpu.vector_store_idx %arg19[%add3A_477], %scan3A_339#19 : memref<10240xf32, #tpu.memory_space<vmem>>[vector<16xi32>], vector<16xf32>,
      %mul3A_478 = arith.constant 320 : i32
      %mul3A_479 = arith.muli %add3A_55, %mul3A_478 : i32
      %add3A_480 = vector.broadcast %mul3A_479 : i32 to vector<16xi32>
      %add3A_481 = arith.addi %add3A_480, %mul3A_332 : vector<16xi32>
      %add3A_482 = arith.constant 19 : i32
      %add3A_483 = vector.broadcast %add3A_482 : i32 to vector<16xi32>
      %add3A_484 = arith.addi %add3A_481, %add3A_483 : vector<16xi32>
      tpu.vector_store_idx %arg19[%add3A_484], %scan3A_339#20 : memref<10240xf32, #tpu.memory_space<vmem>>[vector<16xi32>], vector<16xf32>,
    }
    %scan3A_44 = arith.constant 16 : i32
    %mul3A_45 = arith.constant 512 : i32
    %mul3A_46 = arith.muli %add3A, %mul3A_45 : i32
    "tpu.region"() ({
      %run_scoped3A = tpu.sem_alloc : memref<!tpu.dma_semaphore, #tpu.memory_space<semaphore_mem>>
      %dma_start3A_49 = tpu.memref_slice %arg7[%mul3A_46] : memref<16384xf32, #tpu.memory_space<hbm>> -> memref<512xf32, #tpu.memory_space<hbm>>
      %dma_start3A_50 = tpu.memref_slice %arg7[%mul3A_46] : memref<16384xf32, #tpu.memory_space<hbm>> -> memref<512xf32, #tpu.memory_space<hbm>>
      tpu.enqueue_dma source(%arg18 : memref<512xf32, #tpu.memory_space<vmem>>) target(%dma_start3A_50 : memref<512xf32, #tpu.memory_space<hbm>>) target_semaphore(%run_scoped3A : memref<!tpu.dma_semaphore, #tpu.memory_space<semaphore_mem>>)
      %dma_wait3A = tpu.memref_slice %arg7[%mul3A_46] : memref<16384xf32, #tpu.memory_space<hbm>> -> memref<512xf32, #tpu.memory_space<hbm>>
      %dma_wait3A_51 = tpu.memref_slice %arg7[%mul3A_46] : memref<16384xf32, #tpu.memory_space<hbm>> -> memref<512xf32, #tpu.memory_space<hbm>>
      tpu.wait_dma2 semaphore(%run_scoped3A : memref<!tpu.dma_semaphore, #tpu.memory_space<semaphore_mem>>) src(%arg18 : memref<512xf32, #tpu.memory_space<vmem>>) dst(%dma_wait3A_51 : memref<512xf32, #tpu.memory_space<hbm>>)
      tpu.yield
    }) : () -> ()
    %mul3A_47 = arith.constant 10240 : i32
    %mul3A_48 = arith.muli %add3A, %mul3A_47 : i32
    "tpu.region"() ({
      %run_scoped3A = tpu.sem_alloc : memref<!tpu.dma_semaphore, #tpu.memory_space<semaphore_mem>>
      %dma_start3A_49 = tpu.memref_slice %arg8[%mul3A_48] : memref<327680xf32, #tpu.memory_space<hbm>> -> memref<10240xf32, #tpu.memory_space<hbm>>
      %dma_start3A_50 = tpu.memref_slice %arg8[%mul3A_48] : memref<327680xf32, #tpu.memory_space<hbm>> -> memref<10240xf32, #tpu.memory_space<hbm>>
      tpu.enqueue_dma source(%arg19 : memref<10240xf32, #tpu.memory_space<vmem>>) target(%dma_start3A_50 : memref<10240xf32, #tpu.memory_space<hbm>>) target_semaphore(%run_scoped3A : memref<!tpu.dma_semaphore, #tpu.memory_space<semaphore_mem>>)
      %dma_wait3A = tpu.memref_slice %arg8[%mul3A_48] : memref<327680xf32, #tpu.memory_space<hbm>> -> memref<10240xf32, #tpu.memory_space<hbm>>
      %dma_wait3A_51 = tpu.memref_slice %arg8[%mul3A_48] : memref<327680xf32, #tpu.memory_space<hbm>> -> memref<10240xf32, #tpu.memory_space<hbm>>
      tpu.wait_dma2 semaphore(%run_scoped3A : memref<!tpu.dma_semaphore, #tpu.memory_space<semaphore_mem>>) src(%arg19 : memref<10240xf32, #tpu.memory_space<vmem>>) dst(%dma_wait3A_51 : memref<10240xf32, #tpu.memory_space<hbm>>)
      tpu.yield
    }) : () -> ()
    return
  }
}

</mosaic_0001>

<sc_bundles>
// kernel: _sc_scores.3.cloned.1.call-start
scs
__scs_entry_jumppad:
0x0: {  	(pc) =	sbr.rel $0x88, $3  }
0x1: {  	(tag) =	ssettag $0x0;
	lr =	simm.s32 $0x1  }
0x2: {  	[smem:$0x3F9C] =	sst lr;
	_ =	strace $0xD0000000  }
0x3: {  	_ = 	snop  }
0x4: {  	_ = 	snop  }
0x5: {  	_ = 	snop  }
0x6: {  	_ = 	snop  }
0x7: {  	_ = 	snop  }
__scs_overlays_trampoline_lowered:
0x8: {  	[smem:$0x3FAB] =	sst s0  }
0x9: {  	[smem:$0x3FAC] =	sst s1  }
0xa: {  	[smem:$0x3FAD] =	sst s2  }
0xb: {  	[smem:$0x3FAE] =	sst s3  }
0xc: {  	[smem:$0x3FAF] =	sst s4  }
0xd: {  	[smem:$0x3FB0] =	sst s5  }
0xe: {  	[smem:$0x3FB1] =	sst s6  }
0xf: {  	[smem:$0x3FB2] =	sst s7  }
0x10: {  	[smem:$0x3FB3] =	sst s8  }
0x11: {  	[smem:$0x3FB4] =	sst s9;
	s0 =	simm.s32 @!p0 $0x0  }
0x12: {  	s1 =	sld [smem:$0x3F9A];
	s0 =	simm.s32 @p0 $0x1  }
0x13: {  	[smem:$0x3FB5] =	sst s0;
	s0 =	simm.s32 @!p1 $0x0  }
0x14: {  	s2 =	sld [smem:$0x3F99];
	s0 =	simm.s32 @p1 $0x1  }
0x15: {  	[smem:$0x3FB6] =	sst s0;
	s0 =	simm.s32 @!p2 $0x0  }
0x16: {  	s3 =	sld [smem:$0x3FDB];
	s0 =	simm.s32 @p2 $0x1  }
0x17: {  	s4 =	simm.s32 $0x1BF5;
	[smem:$0x3FB8] =	sst s0  }
0x18: {  	s0 =	sld [smem:$0x3F9B];
	_ =	swait.ge [sflag:s4], $0x0  }
0x19: {  	s7 =	sld [smem:$0x3F9C]  }
0x1a: {  	s8 =	sadd.s32 $0xFFFFE003, lr  }
0x1b: {  	s9 =	sadd.s32 $0xFFFFFEF7, lr;
	s5 =	simm.s32 $0xFFFFFFFF;
	p2 =	slt.u32 s8, $0xFFFFF086  }
0x1c: {  	p1 =	slt.u32 s9, $0xF7A;
	s5 =	simm.s32 @!p2 $0x0  }
0x1d: {  	s5 =	simm.s32 @p1 $0x1;
	p0 =	seq.s32 s7, s2  }
0x1e: {  	s7 =	smul.u32 @!p0 $0xF7A, s2;
	p2 =	seq.s32 @!p0 s5, $0x0  }
0x1f: {  	s9 =	smul.u32 $0xF7A, s1;
	s8 =	simm.s32 @!p0 $0x1BF5;
	p2 =	por !p2, p0  }
0x20: {  	[sflag:s8] =	ssyncset.s32 @!p0 $0xFFFFF086;
	s6 =	sadd.s32 @!p0 s3, s7;
	s7 =	simm.s32 @!p0 $0x108  }
0x21: {  	s3 =	sadd.s32 s3, s9;
	s6 =	sadd.s32 @!p0 $0x88, s6;
	s7 =	simm.s32 @p2 $0x1082  }
0x22: {  	[simem:s7], [sflag:s8] =	dma.local @!p0 [hbm:s6], $0xF7A  }
0x23: {  	s9 =	sor.u32 $0xD0000000, s2;
	s6 =	simm.s32 $0x108;
	_ =	swait.ge @!p0 [sflag:s8], $0x0  }
0x24: {  	s3 =	sadd.s32 $0x88, s3;
	s6 =	simm.s32 @!p1 $0x1082;
	[sflag:s4] =	ssyncset.s32 $0xFFFFF086  }
0x25: {  	[simem:s6], [sflag:s4] =	dma.local [hbm:s3], $0xF7A  }
0x26: {  	[smem:$0x3F9C] =	sst s1;
	(tag) =	ssettag s2;
	_ =	strace s9  }
0x27: {  	s1 =	sld [smem:$0x3FAC]  }
0x28: {  	s2 =	sld [smem:$0x3FAD]  }
0x29: {  	s4 =	sld [smem:$0x3FAF]  }
0x2a: {  	p0 =	seq.s32 s5, $0x0;
	s5 =	sld [smem:$0x3FB0]  }
0x2b: {  	s6 =	sld [smem:$0x3FB1]  }
0x2c: {  	s7 =	sld [smem:$0x3FB2]  }
0x2d: {  	s3 =	simm.s32 $0x108;
	s8 =	sld [smem:$0x3FB3]  }
0x2e: {  	s3 =	simm.s32 @!p0 $0x1082;
	s9 =	sld [smem:$0x3FB4]  }
0x2f: {  	lr =	sadd.s32 s0, s3;
	s0 =	sld [smem:$0x3FAB]  }
0x30: {  	s3 =	sld [smem:$0x3FAE]  }
0x31: {  	[smem:$0x3FB7] =	sst s10  }
0x32: {  	s10 =	sld [smem:$0x3FB5];
	_ =	sdelay $0x3  }
0x33: {  	p0 =	seq.s32 s10, $0x1;
	s10 =	sld [smem:$0x3FB7];
	_ =	sdelay $0x3  }
0x34: {  	[smem:$0x3FB7] =	sst s10  }
0x35: {  	s10 =	sld [smem:$0x3FB6];
	_ =	sdelay $0x3  }
0x36: {  	p1 =	seq.s32 s10, $0x1;
	s10 =	sld [smem:$0x3FB7];
	_ =	sdelay $0x3  }
0x37: {  	[smem:$0x3FB7] =	sst s10  }
0x38: {  	s10 =	sld [smem:$0x3FB8]  }
0x39: {  	_ = 	snop;
	(pc) =	sbr.ind lr, $3  }
0x3a: {  	_ = 	snop  }
0x3b: {  	_ = 	snop  }
0x3c: {  	p2 =	seq.s32 s10, $0x1;
	s10 =	sld [smem:$0x3FB7]  }
0x3d: {  	_ =	shalt  }
0x3e: {  	_ =	shalt  }
0x3f: {  	_ =	shalt  }
0x40: {  	_ =	shalt  }
0x41: {  	_ =	shalt  }
0x42: {  	_ =	shalt  }
0x43: {  	_ =	shalt  }
0x44: {  	_ =	shalt  }
0x45: {  	_ =	shalt  }
0x46: {  	_ =	shalt  }
0x47: {  	_ =	shalt  }
0x48: {  	_ =	shalt  }
0x49: {  	_ =	shalt  }
0x4a: {  	_ =	shalt  }
0x4b: {  	_ =	shalt  }
0x4c: {  	_ =	shalt  }
0x4d: {  	_ =	shalt  }
0x4e: {  	_ =	shalt  }
0x4f: {  	_ =	shalt  }
0x50: {  	_ =	shalt  }
0x51: {  	_ =	shalt  }
0x52: {  	_ =	shalt  }
0x53: {  	_ =	shalt  }
0x54: {  	_ =	shalt  }
0x55: {  	_ =	shalt  }
0x56: {  	_ =	shalt  }
0x57: {  	_ =	shalt  }
0x58: {  	_ =	shalt  }
0x59: {  	_ =	shalt  }
0x5a: {  	_ =	shalt  }
0x5b: {  	_ =	shalt  }
0x5c: {  	_ =	shalt  }
0x5d: {  	_ =	shalt  }
0x5e: {  	_ =	shalt  }
0x5f: {  	_ =	shalt  }
0x60: {  	_ =	shalt  }
0x61: {  	_ =	shalt  }
0x62: {  	_ =	shalt  }
0x63: {  	_ =	shalt  }
0x64: {  	_ =	shalt  }
0x65: {  	_ =	shalt  }
0x66: {  	_ =	shalt  }
0x67: {  	_ =	shalt  }
0x68: {  	_ =	shalt  }
0x69: {  	_ =	shalt  }
0x6a: {  	_ =	shalt  }
0x6b: {  	_ =	shalt  }
0x6c: {  	_ =	shalt  }
0x6d: {  	_ =	shalt  }
0x6e: {  	_ =	shalt  }
0x6f: {  	_ =	shalt  }
0x70: {  	_ =	shalt  }
0x71: {  	_ =	shalt  }
0x72: {  	_ =	shalt  }
0x73: {  	_ =	shalt  }
0x74: {  	_ =	shalt  }
0x75: {  	_ =	shalt  }
0x76: {  	_ =	shalt  }
0x77: {  	_ =	shalt  }
0x78: {  	_ =	shalt  }
0x79: {  	_ =	shalt  }
0x7a: {  	_ =	shalt  }
0x7b: {  	_ =	shalt  }
0x7c: {  	_ =	shalt  }
0x7d: {  	_ =	shalt  }
0x7e: {  	_ =	shalt  }
0x7f: {  	_ =	shalt  }
0x80: {  	_ =	shalt  }
0x81: {  	_ =	shalt  }
0x82: {  	_ =	shalt  }
0x83: {  	_ =	shalt  }
0x84: {  	_ =	shalt  }
0x85: {  	_ =	shalt  }
0x86: {  	_ =	shalt  }
0x87: {  	_ =	shalt  }
.Lfunc_end0:
.L_simem_size_0:
called_computation_lowered:
.L_overlay_start_0:
0x88: {  	s2 =	sld [smem:$0x3FD9]  }
0x89: {  	s3 =	sld [smem:$0x3FFE];
	_ =	sdelay $0x1  }
0x8a: {  	s1 =	srdreg.scid  }
0x8b: {  	s0 =	sand.u32 $0x1, s1  }
0x8c: {  	s15 =	sshll.u32 s0, $0xA;
	s2 =	sadd.s32 s3, s2  }
0x8d: {  	s2 =	sadd.s32 s2, s15  }
0x8e: {  	[smem:$0x3FC3] =	sst s2  }
0x8f: {  	_ = 	snop  }
0x90: {  	s2 =	sld [smem:$0x3FC9]  }
0x91: {  	s16 =	sld [smem:$0x3FC8]  }
0x92: {  	s4 =	sld [smem:$0x3FD0]  }
0x93: {  	s5 =	sld [smem:$0x3FC7]  }
0x94: {  	s6 =	sld [smem:$0x3FC6]  }
0x95: {  	s8 =	simm.s32 $0xA;
	s9 =	simm.s32 $0x10;
	s7 =	sld [smem:$0x3FC5]  }
0x96: {  	[smem:s9], [sflag:s8] =	dma.local [hbm:s4], $0x1  }
0x97: {  	_ =	swait.eq [sflag:s8], $0x1  }
0x98: {  	[sflag:s8] =	ssyncset.done $0x0  }
0x99: {  	s17 =	sld [smem:$0x10];
	[sflag:s8] =	ssyncadd.s32 $0xFFFFFFFF  }
0x9a: {  	s18 =	sld [smem:$0x11];
	(tm) =	ssettm $0x1  }
0x9b: {  	s19 =	sld [smem:$0x3FFB];
	_ =	sdelay $0x3  }
0x9c: {  	_ =	strace s19  }
0x9d: {  	s9 =	sld [smem:$0x3FFC];
	_ =	sdelay $0x3  }
0x9e: {  	_ =	strace s9  }
0x9f: {  	s9 =	sld [smem:$0x3FFD];
	_ =	sdelay $0x3  }
0xa0: {  	_ =	strace s9  }
0xa1: {  	_ =	strace $0x8FFFFFFF  }
0xa2: {  	s20 =	sld [smem:$0x3FDB];
	_ =	sdelay $0x1  }
0xa3: {  	s10 =	simm.s32 $_scs_section_size  }
0xa4: {  	s11 =	simm.s32 $_size__tile_overlayer_lowered;
	s12 =	simm.s32 $_tile_overlayer_lowered  }
0xa5: {  	s23 =	simm.s32 $0x1BFF;
	s22 =	sshll.u32 s12, $0x1;
	s9 =	sadd.s32 s10, s20  }
0xa6: {  	s13 =	simm.s32 $0x0;
	s21 =	sshll.u32 s11, $0x1;
	s11 =	sadd.s32 s22, s9  }
0xa7: {  	[timem:s13], [sflag:s23] =	dma.local [hbm:s11], s21  }
0xa8: {  	_ =	swait.ge [sflag:s23], s21  }
0xa9: {  	s10 =	ssub.s32 $0x0, s21;
	[sflag:s23] =	ssyncset.done $0x0  }
0xaa: {  	[sflag:s23] =	ssyncadd.s32 s10;
	_ =	sdelay $0x1  }
0xab: {  	s24 =	simm.s32 $0x1B8B  }
0xac: {  	_ =	swait.ge [sflag:s24], $0x1  }
0xad: {  	[sflag:s24] =	ssyncset.done $0x0  }
0xae: {  	s25 =	simm.s32 $0x1B8E;
	[sflag:s24] =	ssyncadd.s32 $0xFFFFFFFF  }
0xaf: {  	s26 =	simm.s32 $execute0_lowered;
	[smem:$0x3FD2] =	sst s25  }
0xb0: {  	s10 =	sshll.u32 s26, $0x1;
	_ =	strace $0x80000046;
	[dreg:$0x1] =	wrdreg $0xFFFFFFFF  }
0xb1: {  	s28 =	simm.s32 $_size_execute0_lowered;
	s9 =	sadd.s32 s9, s10;
	[dreg:$0x0] =	wrdreg $0x0  }
0xb2: {  	s10 =	sshll.u32 s28, $0x1;
	[dreg:$0x2] =	wrdreg s9  }
0xb3: {  	[dreg:$0x3] =	wrdreg s10  }
0xb4: {  	[dreg:$0x4] =	wrdreg $0xC0  }
0xb5: {  	_ =	task [dreg:s13], $0x5FFFF  }
0xb6: {  	[dreg:$0x1] =	wrdreg $0xFFFFFFFF  }
0xb7: {  	[dreg:$0x0] =	wrdreg $0x60  }
0xb8: {  	[dreg:$0x2] =	wrdreg s2  }
0xb9: {  	[dreg:$0x3] =	wrdreg s16  }
0xba: {  	[dreg:$0x4] =	wrdreg s5  }
0xbb: {  	[dreg:$0x5] =	wrdreg s6  }
0xbc: {  	[dreg:$0x6] =	wrdreg s7  }
0xbd: {  	[dreg:$0x7] =	wrdreg s17  }
0xbe: {  	[dreg:$0x8] =	wrdreg s18  }
0xbf: {  	[dreg:$0x9] =	wrdreg $0x9  }
0xc0: {  	_ =	task.clear_ibuf [dreg:s13], $0xAFFFF;
	_ =	strace $0x90000046  }
0xc1: {  	s29 =	simm.s32 $0x9;
	_ =	strace $0x80000048  }
0xc2: {  	_ =	swait.ge [sflag:s29], $0x1  }
0xc3: {  	[sflag:s29] =	ssyncadd.s32 $0xFFFFFFFF  }
0xc4: {  	_ =	strace $0x90000048  }
0xc5: {  	_ =	sfence  }
0xc6: {  	s30 =	sld [smem:$0x0];
	_ =	sdelay $0x2  }
0xc7: {  	s31 =	sshll.u32 s1, $0xD;
	s1 =	sshrl.u32 s1, $0x2  }
0xc8: {  	s3 =	sand.u32 $0x4000, s31;
	s1 =	sadd.s32 s1, s30  }
0xc9: {  	s0 =	sor.u32 s3, s0;
	s1 =	sshll.u32 s1, $0x11  }
0xca: {  	s0 =	sor.u32 s1, s0  }
0xcb: {  	s0 =	sadd.s32 $0x8F2B, s0  }
0xcc: {  	[sflag:s0] =	ssyncadd.remote.s32 $0x1  }
0xcd: {  	_ =	sfence.sel $0xFFFF  }
0xce: {  	[dreg:$0x0] =	wrdreg $0xFFFFFFFF;
	(pc) =	sbr.abs _section_cstart, $3  }
0xcf: {  	[dreg:$0x1] =	wrdreg $0xFFFFFFFF  }
0xd0: {  	_ =	task.clear_ibuf [dreg:s13], $0x2FFFF;
	_ =	strace $0x9FFFFFFF  }
0xd1: {  	(tm) =	ssettm $0x7FFFFFFF  }
tec
execute0_lowered:
.L_overlay_start_1:
0x0: {  	(tag) =	ssettag $0x1  }
0x1: {  	v0 =	vimm.s32 $0x5C483420;
	v1 =	vimm.s32 $0x2C180470;
	v2 =	vimm.s32 $0xC786450  }
0x2: {  	v3 =	vimm.s32 $0x3C281400;
	v4 =	vimm.s32 $0x5D493521;
	v5 =	vimm.s32 $0x2D190571  }
0x3: {  	vm0 =	vcmask $0x1F10;
	v52 =	vimm.s32 $0xD796551;
	v54 =	vimm.s32 $0x3D291501  }
0x4: {  	v57 =	vimm.s32 $0x5E4A3622;
	v58 =	vimm.s32 $0x2E1A0672;
	v6 =	vimm.s32 $0xE7A6652  }
0x5: {  	v7 =	vimm.s32 $0x3E2A1602;
	v59 =	vimm.s32 $0x5F4B3723;
	v60 =	vimm.s32 $0x2F1B0773  }
0x6: {  	v63 =	vimm.s32 $0xF7B6753;
	v12 =	vimm.s32 $0x3F2B1703;
	v14 =	vimm.s32 $0x604C3824  }
0x7: {  	v32 =	vimm.s32 $0x301C0874;
	v9 =	vimm.s32 $0x107C6854;
	v10 =	vimm.s32 $0x614D3925  }
0x8: {  	v11 =	vimm.s32 $0x311D0975;
	v43 =	vimm.s32 $0x412D1905;
	v45 =	vimm.s32 $0x117D6955  }
0x9: {  	v46 =	vimm.s32 $0x624E3A26;
	v15 =	vimm.s32 $0x14006C58;
	v0 =	vunpack.c.0.s8.s32 v0  }
0xa: {  	v1 =	vunpack.c.0.s8.s32 v1;
	v2 =	vunpack.c.0.s8.s32 v2;
	v3 =	vunpack.c.0.s8.s32 v3  }
0xb: {  	v4 =	vunpack.c.0.s8.s32 v4;
	v5 =	vunpack.c.0.s8.s32 v5;
	v6 =	vunpack.c.0.s8.s32 v6  }
0xc: {  	v13 =	vunpack.c.0.s8.s32 v63;
	v9 =	vunpack.c.0.s8.s32 v9;
	v10 =	vunpack.c.0.s8.s32 v10  }
0xd: {  	v11 =	vunpack.c.0.s8.s32 v11;
	v15 =	vunpack.c.0.s8.s32 v15;
	v0 =	vsel vm0, v1, v0  }
0xe: {  	v50 =	vsel vm0, v2, v3;
	v51 =	vsel vm0, v5, v4;
	v1 =	vunpack.c.0.s8.s32 v52  }
0xf: {  	v2 =	vunpack.c.0.s8.s32 v54;
	v4 =	vunpack.c.0.s8.s32 v57;
	v5 =	vunpack.c.0.s8.s32 v58  }
0x10: {  	v39 =	vsel vm0, v11, v10;
	v10 =	vimm.s32 $0x127E6A56;
	v11 =	vimm.s32 $0x137F6B57  }
0x11: {  	v58 =	vimm.s32 $0x66523E2A;
	v0 =	vcombine.low v50, v0;
	v11 =	vunpack.c.0.s8.s32 v11  }
0x12: {  	v8 =	vsel vm0, v1, v2;
	v1 =	vunpack.c.0.s8.s32 v7;
	v4 =	vsel vm0, v5, v4  }
0x13: {  	v5 =	vunpack.c.0.s8.s32 v59;
	v7 =	vunpack.c.0.s8.s32 v60;
	v59 =	vimm.s32 $0x36220E7A  }
0x14: {  	[tilespmem:$0x1FD40] =	vst v0;
	v0 =	vcombine.low v8, v51;
	v8 =	vimm.s32 $0x402C1804;
	v6 =	vsel vm0, v6, v1  }
0x15: {  	v62 =	vsel vm0, v7, v5;
	v5 =	vunpack.c.0.s8.s32 v14;
	v7 =	vunpack.c.0.s8.s32 v32  }
0x16: {  	v8 =	vunpack.c.0.s8.s32 v8;
	v14 =	vimm.s32 $0x44301C08;
	v61 =	vcombine.low v6, v4  }
0x17: {  	[tilespmem:$0x1FD50] =	vst v0;
	v0 =	vunpack.c.0.s8.s32 v12;
	v12 =	vimm.s32 $0x64503C28;
	v14 =	vunpack.c.0.s8.s32 v14  }
0x18: {  	v33 =	vsel vm0, v7, v5;
	v36 =	vsel vm0, v9, v8;
	v5 =	vunpack.c.0.s8.s32 v43  }
0x19: {  	v7 =	vunpack.c.0.s8.s32 v46;
	v8 =	vimm.s32 $0x321E0A76;
	v9 =	vimm.s32 $0x422E1A06  }
0x1a: {  	v12 =	vunpack.c.0.s8.s32 v12;
	v46 =	vimm.s32 $0x6854402C;
	v6 =	vsel vm0, v13, v0  }
0x1b: {  	v8 =	vunpack.c.0.s8.s32 v8;
	v48 =	vunpack.c.0.s8.s32 v9;
	v9 =	vunpack.c.0.s8.s32 v10  }
0x1c: {  	v10 =	vimm.s32 $0x331F0B77;
	v13 =	vimm.s32 $0x34200C78;
	v4 =	vcombine.low v6, v62  }
0x1d: {  	v57 =	vsel vm0, v15, v14;
	v6 =	vunpack.c.0.s8.s32 v45;
	v13 =	vunpack.c.0.s8.s32 v13  }
0x1e: {  	v7 =	vsel vm0, v8, v7;
	v8 =	vimm.s32 $0x634F3B27;
	[tilespmem:$0x1FD70] =	vst v4;
	v4 =	vcombine.low v36, v33  }
0x1f: {  	v5 =	vsel vm0, v6, v5;
	v6 =	vsel vm0, v9, v48;
	v8 =	vunpack.c.0.s8.s32 v8  }
0x20: {  	v9 =	vunpack.c.0.s8.s32 v10;
	v10 =	vimm.s32 $0x432F1B07;
	v54 =	vsel vm0, v13, v12  }
0x21: {  	v12 =	vunpack.c.0.s8.s32 v58;
	v13 =	vunpack.c.0.s8.s32 v59;
	v33 =	vimm.s32 $0x46321E0A  }
0x22: {  	v36 =	vimm.s32 $0x17036F5B;
	v48 =	vimm.s32 $0x3824107C;
	v58 =	vimm.s32 $0x6A56422E  }
0x23: {  	[tilespmem:$0x1FD60] =	vst v61;
	v10 =	vunpack.c.0.s8.s32 v10;
	v50 =	vcombine.low v6, v7;
	v61 =	vcombine.low v57, v54  }
0x24: {  	v7 =	vunpack.c.0.s8.s32 v33;
	v54 =	vimm.s32 $0x1804705C;
	[tilespmem:$0x1FD80] =	vst v4;
	v4 =	vcombine.low v5, v39  }
0x25: {  	v51 =	vsel vm0, v9, v8;
	v8 =	vimm.s32 $0x65513D29;
	v9 =	vimm.s32 $0x35210D79  }
0x26: {  	v32 =	vsel vm0, v13, v12;
	v52 =	vsel vm0, v11, v10;
	v10 =	vimm.s32 $0x45311D09  }
0x27: {  	v8 =	vunpack.c.0.s8.s32 v8;
	v9 =	vunpack.c.0.s8.s32 v9;
	v11 =	vimm.s32 $0x15016D59  }
0x28: {  	[tilespmem:$0x1FDA0] =	vst v50;
	v50 =	vunpack.c.0.s8.s32 v46;
	v10 =	vunpack.c.0.s8.s32 v10;
	v11 =	vunpack.c.0.s8.s32 v11  }
0x29: {  	[tilespmem:$0x1FD90] =	vst v4;
	v4 =	vcombine.low v52, v51;
	v51 =	vunpack.c.0.s8.s32 v48;
	v52 =	vimm.s32 $0x4834200C  }
0x2a: {  	v62 =	vsel vm0, v9, v8;
	v8 =	vimm.s32 $0x16026E5A;
	v9 =	vimm.s32 $0x67533F2B  }
0x2b: {  	v6 =	vunpack.c.0.s8.s32 v52;
	v63 =	vsel vm0, v11, v10;
	v8 =	vunpack.c.0.s8.s32 v8  }
0x2c: {  	v9 =	vunpack.c.0.s8.s32 v9;
	v10 =	vimm.s32 $0x37230F7B;
	v11 =	vimm.s32 $0x47331F0B  }
0x2d: {  	[tilespmem:$0x1FDB0] =	vst v4;
	v10 =	vunpack.c.0.s8.s32 v10;
	v4 =	vcombine.low v63, v62;
	v7 =	vsel vm0, v8, v7  }
0x2e: {  	v8 =	vunpack.c.0.s8.s32 v11;
	v11 =	vunpack.c.0.s8.s32 v36;
	v39 =	vcombine.low v7, v32  }
0x2f: {  	v43 =	vsel vm0, v10, v9;
	v7 =	vunpack.c.0.s8.s32 v54;
	v9 =	vimm.s32 $0x3925117D  }
0x30: {  	v10 =	vimm.s32 $0x4935210D;
	v45 =	vsel vm0, v11, v8;
	v8 =	vimm.s32 $0x6955412D  }
0x31: {  	v11 =	vimm.s32 $0x1905715D;
	v9 =	vunpack.c.0.s8.s32 v9;
	v10 =	vunpack.c.0.s8.s32 v10  }
0x32: {  	[tilespmem:$0x1FDD0] =	vst v4;
	v4 =	vcombine.low v45, v43;
	v8 =	vunpack.c.0.s8.s32 v8;
	v11 =	vunpack.c.0.s8.s32 v11  }
0x33: {  	v57 =	vsel vm0, v7, v6;
	v6 =	vunpack.c.0.s8.s32 v58  }
0x34: {  	[tilespmem:$0x1FDF0] =	vst v4;
	v4 =	vsel vm0, v51, v50;
	v59 =	vsel vm0, v9, v8;
	v8 =	vsel vm0, v11, v10  }
0x35: {  	s0 =	rddreg [dreg:$0x0];
	v9 =	vimm.s32 $0x3A26127E;
	v10 =	vimm.s32 $0x4A36220E;
	v11 =	vimm.s32 $0x1A06725E  }
0x36: {  	s1 =	rddreg [dreg:$0x1];
	v9 =	vunpack.c.0.s8.s32 v9;
	v10 =	vunpack.c.0.s8.s32 v10;
	v11 =	vunpack.c.0.s8.s32 v11  }
0x37: {  	v22 =	vlaneseq.u32;
	s2 =	rddreg [dreg:$0x2];
	[tilespmem:$0x1FDC0] =	vst v61;
	v4 =	vcombine.low v57, v4  }
0x38: {  	s3 =	rddreg [dreg:$0x3];
	[tilespmem:$0x1FDE0] =	vst v39;
	v61 =	vcombine.low v8, v59;
	v63 =	vsel vm0, v9, v6;
	v32 =	vsel vm0, v11, v10  }
0x39: {  	s7 =	rddreg [dreg:$0x4];
	v39 =	vmul.u32 $0x14, v22;
	[tilespmem:$0x1FE00] =	vst v4;
	v5 =	vcombine.low v32, v63  }
0x3a: {  	s8 =	rddreg [dreg:$0x5];
	s4 =	simm.s32 $0x0;
	[tilespmem:$0x1FE10] =	vst v61  }
0x3b: {  	[smem:$0x7FF] =	sst s4;
	v61 =	vor.u32 $0x1, v39;
	[tilespmem:$0x1FE20] =	vst v5  }
0x3c: {  	s9 =	rddreg [dreg:$0x6];
	v56 =	vmul.u32 $0xA00, v22;
	_ =	strace $0x80000047;
	[tilespmem:$0x1FE60] =	vst v61  }
0x3d: {  	v63 =	vor.u32 $0x2, v39;
	[tilespmem:$0x1FE70] =	vst v39  }
0x3e: {  	v16 =	vor.u32 $0x80, v56;
	[tilespmem:$0x1FE80] =	vst v63  }
0x3f: {  	v24 =	vor.u32 $0x100, v56;
	[tilespmem:$0x1FEB0] =	vst v16  }
0x40: {  	v18 =	vor.u32 $0x180, v56;
	v10 =	vimm.s32 $0x6C584430;
	[tilespmem:$0x1FEC0] =	vst v24  }
0x41: {  	v42 =	vmul.u32 $0x80, v22;
	v55 =	vadd.s32 $0x200, v56;
	v10 =	vunpack.c.0.s8.s32 v10;
	[tilespmem:$0x1FED0] =	vst v18  }
0x42: {  	v34 =	vadd.s32 $0x280, v56;
	v21 =	vadd.s32 $0x300, v56;
	v44 =	vadd.s32 $0x380, v56;
	[tilespmem:$0x1FEE0] =	vst v55  }
0x43: {  	v30 =	vadd.s32 $0x400, v56;
	v3 =	vsel vm0, v3, v10;
	v10 =	vadd.s32 $0x900, v56;
	[tilespmem:$0x1FEF0] =	vst v34  }
0x44: {  	v53 =	vadd.s32 $0x480, v56;
	v37 =	vadd.s32 $0x500, v56;
	v38 =	vadd.s32 $0x580, v56;
	[tilespmem:$0x1FF00] =	vst v10  }
0x45: {  	v47 =	vadd.s32 $0x600, v56;
	v40 =	vadd.s32 $0x680, v56;
	v41 =	vadd.s32 $0x700, v56;
	[tilespmem:$0x1FF10] =	vst v21  }
0x46: {  	v49 =	vadd.s32 $0x780, v56;
	v33 =	vimm.s32 $0x3B27137F;
	v46 =	vimm.s32 $0x6D594531;
	[tilespmem:$0x1FF20] =	vst v44  }
0x47: {  	v35 =	vadd.s32 $0x800, v56;
	v48 =	vimm.s32 $0x6E5A4632;
	v36 =	vimm.s32 $0x1C087460;
	[tilespmem:$0x1FF30] =	vst v30  }
0x48: {  	v62 =	vimm.s32 $0x6B57432F;
	v12 =	vunpack.c.0.s8.s32 v36;
	v58 =	vimm.s32 $0x4F3B2713;
	[tilespmem:$0x1FF40] =	vst v35  }
0x49: {  	v7 =	vunpack.c.0.s8.s32 v33;
	v8 =	vimm.s32 $0x4B37230F;
	v57 =	vimm.s32 $0x6F5B4733;
	[tilespmem:$0x1FF50] =	vst v53  }
0x4a: {  	v59 =	vimm.s32 $0x1F0B7763;
	v4 =	vunpack.c.0.s8.s32 v62;
	v9 =	vimm.s32 $0x1B07735F;
	[tilespmem:$0x1FF60] =	vst v37  }
0x4b: {  	v8 =	vunpack.c.0.s8.s32 v8;
	v11 =	vimm.s32 $0x4C382410;
	v9 =	vunpack.c.0.s8.s32 v9;
	[tilespmem:$0x1FF70] =	vst v38  }
0x4c: {  	v6 =	vunpack.c.0.s8.s32 v59;
	v11 =	vunpack.c.0.s8.s32 v11;
	v4 =	vsel vm0, v7, v4;
	[tilespmem:$0x1FF80] =	vst v47  }
0x4d: {  	v43 =	vsel vm0, v9, v8;
	v8 =	vimm.s32 $0x4D392511;
	v9 =	vimm.s32 $0x1D097561;
	[tilespmem:$0x1FF90] =	vst v40  }
0x4e: {  	s5 =	srdreg.scid;
	s6 =	stileid.u32;
	s13 =	simm.s32 $0x3;
	v7 =	vunpack.c.0.s8.s32 v46;
	v8 =	vunpack.c.0.s8.s32 v8;
	v9 =	vunpack.c.0.s8.s32 v9;
	[tilespmem:$0x1FFA0] =	vst v41  }
0x4f: {  	s14 =	simm.s32 $0x2C00;
	s15 =	simm.s32 $0x3400;
	s16 =	simm.s32 $0x3C00;
	v45 =	vsel vm0, v12, v11;
	v5 =	vunpack.c.0.s8.s32 v58;
	v4 =	vcombine.low v43, v4;
	[tilespmem:$0x1FFB0] =	vst v49  }
0x50: {  	s19 =	simm.s32 $0x10;
	s20 =	simm.s32 $0x80;
	s24 =	simm.s32 $0xDC00;
	v3 =	vcombine.low v45, v3;
	v2 =	vsel vm0, v2, v7;
	[tilespmem:$0x1FFC0] =	vst v42;
	v50 =	vsel vm0, v9, v8  }
0x51: {  	s21 =	simm.s32 $0x40;
	s25 =	simm.s32 $0xE400;
	s26 =	simm.s32 $0xEC00;
	v52 =	vimm.s32 $0x1E0A7662;
	[tilespmem:$0x1FE30] =	vst v4;
	v4 =	vunpack.c.0.s8.s32 v57;
	v2 =	vcombine.low v50, v2  }
0x52: {  	s28 =	simm.s32 $0x12C00;
	s29 =	simm.s32 $0x16C00;
	s30 =	simm.s32 $0x1;
	v54 =	vunpack.c.0.s8.s32 v52;
	v51 =	vimm.s32 $0x4E3A2612;
	v62 =	vsel vm0, v6, v5;
	[tilespmem:$0x1FE40] =	vst v3  }
0x53: {  	s31 =	simm.s32 $0x18E00;
	s5 =	sand.u32 $0x1, s5;
	s6 =	sshll.u32 s6, $0x1;
	v3 =	vunpack.c.0.s8.s32 v48;
	v0 =	vsel vm0, v0, v4;
	[tilespmem:$0x1FE50] =	vst v2;
	v2 =	vunpack.c.0.s8.s32 v51  }
0x54: {  	s17 =	simm.s32 $0x0;
	s6 =	sor.u32 s5, s6;
	s5 =	ssub.s32 $0x2, s5;
	v60 =	vadd.s32 $0x880, v56;
	[tilespmem:$0x1FFD0] =	vst v56;
	v0 =	vcombine.low v62, v0  }
0x55: {  	s10 =	smul.u32 $0x500, s6;
	s11 =	sshrl.u32 s5, $0x1;
	s12 =	sshll.u32 s6, $0x6;
	[tilespmem:$0x1FFE0] =	vst v60;
	v1 =	vsel vm0, v1, v3;
	v2 =	vsel vm0, v54, v2  }
0x56: {  	s11 =	ssub.s32 s5, s11;
	s2 =	sadd.s32 s2, s12;
	s6 =	sadd.s32 s3, s12;
	v54 =	vadd.s32 $0x980, v56;
	[tilespmem:$0x1FEA0] =	vst v0;
	v1 =	vcombine.low v2, v1  }
0x57: {  	s8 =	sadd.s32 s8, s12;
	s7 =	sadd.s32 s7, s10;
	s9 =	sadd.s32 s9, s10;
	[tilespmem:$0x1FFF0] =	vst v54  }
0x58: {  	s10 =	smax.u32 s11, $0x1;
	[dreg:$0x8] =	wrdreg s2;
	s2 =	simm.s32 $0x2;
	[tilespmem:$0x1FE90] =	vst v1  }
.LBB2_1:
0x59: {  	s3 =	rddreg [dreg:$0x8]  }
0x5a: {  	[tilespmem:s4], [sflag:$0x3] =	stream.linear.gather [hbm4b:s3+s4], $0x200, $0x38;
	[tilespmem:$0x1B600] =	vst v63  }
0x5b: {  	_ =	swait.ge [sflag:s13], $0x200  }
0x5c: {  	[sflag:s13] =	ssyncset.done $0x0  }
0x5d: {  	s11 =	simm.s32 $0x200;
	[sflag:s13] =	ssyncadd.s32 $0xFFFFFE00  }
0x5e: {  	[tilespmem:s11], [sflag:$0x3] =	stream.linear.gather [hbm4b:s6+s4], $0x200, $0x38;
	[tilespmem:$0x1B600] =	vst v63  }
0x5f: {  	_ =	swait.ge [sflag:s13], $0x200  }
0x60: {  	[sflag:s13] =	ssyncset.done $0x0  }
0x61: {  	s5 =	simm.s32 $0x400;
	[sflag:s13] =	ssyncadd.s32 $0xFFFFFE00  }
0x62: {  	[tilespmem:s5], [sflag:$0x3] =	stream.linear.gather [hbm4b:s7+s4], $0x2800, $0x38;
	[tilespmem:$0x1B600] =	vst v63  }
0x63: {  	_ =	swait.ge [sflag:s13], $0x2800  }
0x64: {  	[sflag:s13] =	ssyncset.done $0x0  }
0x65: {  	[sflag:s13] =	ssyncadd.s32 $0xFFFFD800  }
0x66: {  	[tilespmem:s14], [sflag:$0x1] =	stream.indirect.gather [hbm4b:s0+s19], $0x80, s4, s19, $0xb8;
	[tilespmem:$0x1B600] =	vst v63  }
0x67: {  	_ = 	snop  }
0x68: {  	[tilespmem:s15], [sflag:$0x1] =	stream.indirect.gather [hbm4b:s1+s19], $0x80, s11, s19, $0xb8;
	[tilespmem:$0x1B600] =	vst v63  }
0x69: {  	_ = 	snop  }
0x6a: {  	[tilespmem:s16], [sflag:$0x1] =	stream.indirect.gather [hbm4b:s1+s20], $0x80, s5, s20, $0xb8;
	[tilespmem:$0x1B600] =	vst v63  }
0x6b: {  	s12 =	simm.s32 $0x480;
	s18 =	simm.s32 $0x7C00  }
0x6c: {  	[tilespmem:s18], [sflag:$0x1] =	stream.indirect.gather [hbm4b:s1+s20], $0x80, s12, s20, $0xb8;
	[tilespmem:$0x1B600] =	vst v63  }
0x6d: {  	s22 =	simm.s32 $0x500;
	s23 =	simm.s32 $0xBC00  }
0x6e: {  	[tilespmem:s23], [sflag:$0x1] =	stream.indirect.gather [hbm4b:s1+s21], $0x80, s22, s21, $0xb8;
	[tilespmem:$0x1B600] =	vst v63  }
0x6f: {  	s23 =	simm.s32 $0x0  }
.LBB2_2:
0x70: {  	s3 =	sshllo.u32 s23, $0x1  }
0x71: {  	s22 =	sshll.u32 s3, $0x4  }
0x72: {  	[tilespmem:s24], [sflag:$0x2] =	stream.indirect.gather [hbm4b:s0+s19], $0x80, s22, s19, $0xb8;
	[tilespmem:$0x1B600] =	vst v63  }
0x73: {  	s18 =	smul.u32 $0x140, s3;
	s11 =	sadd.s32 $0x200, s22  }
0x74: {  	[tilespmem:s25], [sflag:$0x2] =	stream.indirect.gather [hbm4b:s1+s19], $0x80, s11, s19, $0xb8;
	[tilespmem:$0x1B600] =	vst v63  }
0x75: {  	s3 =	sadd.s32 $0x400, s18  }
0x76: {  	[tilespmem:s26], [sflag:$0x2] =	stream.indirect.gather [hbm4b:s1+s20], $0x80, s3, s20, $0xb8;
	[tilespmem:$0x1B600] =	vst v63  }
0x77: {  	s5 =	sadd.s32 $0x480, s18  }
0x78: {  	[tilespmem:s28], [sflag:$0x2] =	stream.indirect.gather [hbm4b:s1+s20], $0x80, s5, s20, $0xb8;
	[tilespmem:$0x1B600] =	vst v63  }
0x79: {  	s11 =	sadd.s32 $0x500, s18  }
0x7a: {  	[tilespmem:s29], [sflag:$0x2] =	stream.indirect.gather [hbm4b:s1+s21], $0x80, s11, s21, $0xb8;
	[tilespmem:$0x1B600] =	vst v63  }
0x7b: {  	_ =	swait.ge [sflag:s30], $0x800  }
0x7c: {  	[sflag:s30] =	ssyncset.done $0x0  }
0x7d: {  	[sflag:s30] =	ssyncadd.s32 $0xFFFFF800  }
0x7e: {  	_ =	swait.ge [sflag:s30], $0x800  }
0x7f: {  	[sflag:s30] =	ssyncset.done $0x0  }
0x80: {  	[sflag:s30] =	ssyncadd.s32 $0xFFFFF800  }
0x81: {  	_ =	swait.ge [sflag:s30], $0x4000  }
0x82: {  	s12 =	simm.s32 $0x0;
	v27 =	vlaneseq.u32;
	[sflag:s30] =	ssyncset.done $0x0  }
0x83: {  	v0 =	vadd.s32 s12, v27;
	[sflag:s30] =	ssyncadd.s32 $0xFFFFC000  }
0x84: {  	v0 =	vand.u32 $0x3F, v0;
	_ =	swait.ge [sflag:s30], $0x4000  }
0x85: {  	v1 =	vor.u32 v42, v0;
	[sflag:s30] =	ssyncset.done $0x0  }
0x86: {  	[sflag:s30] =	ssyncadd.s32 $0xFFFFC000  }
0x87: {  	v2 =	vor.u32 v56, v0;
	_ =	swait.ge [sflag:s30], $0x2000  }
0x88: {  	v4 =	vor.u32 v24, v0;
	[sflag:s30] =	ssyncset.done $0x0  }
0x89: {  	v3 =	vor.u32 v16, v0;
	[sflag:s30] =	ssyncadd.s32 $0xFFFFE000  }
0x8a: {  	v5 =	vor.u32 v18, v0;
	v6 =	vld.idx.msk [tilespmem:v1+s14+$0x0], $0xffff  }
0x8b: {  	v7 =	vld.idx.msk [tilespmem:v1+s15+$0x0], $0xffff;
	v1 =	vor.u32 v55, v0  }
0x8c: {  	v8 =	vld.idx.msk [tilespmem:v2+s16+$0x0], $0xffff;
	v2 =	vor.u32 v34, v0  }
0x8d: {  	v11 =	vld.idx.msk [tilespmem:v4+s16+$0x0], $0xffff;
	v4 =	vor.u32 v44, v0  }
0x8e: {  	v9 =	vld.idx.msk [tilespmem:v3+s16+$0x0], $0xffff;
	v3 =	vor.u32 v21, v0  }
0x8f: {  	v12 =	vld.idx.msk [tilespmem:v5+s16+$0x0], $0xffff;
	v5 =	vor.u32 v30, v0  }
0x90: {  	v43 =	vld.idx.msk [tilespmem:v1+s16+$0x0], $0xffff;
	v1 =	vor.u32 v53, v0  }
0x91: {  	v61 =	vld.idx.msk [tilespmem:v2+s16+$0x0], $0xffff;
	v2 =	vor.u32 v37, v0  }
0x92: {  	v17 =	vld.idx.msk [tilespmem:v4+s16+$0x0], $0xffff;
	v4 =	vor.u32 v47, v0  }
0x93: {  	v19 =	vld.idx.msk [tilespmem:v3+s16+$0x0], $0xffff;
	v3 =	vor.u32 v38, v0  }
0x94: {  	v39 =	vld.idx.msk [tilespmem:v5+s16+$0x0], $0xffff  }
0x95: {  	v5 =	vor.u32 v40, v0;
	v15 =	vld.idx.msk [tilespmem:v1+s16+$0x0], $0xffff  }
0x96: {  	v1 =	vor.u32 v41, v0;
	v46 =	vld.idx.msk [tilespmem:v2+s16+$0x0], $0xffff  }
0x97: {  	v22 =	vor.u32 v10, v0;
	v50 =	vld.idx.msk [tilespmem:v4+s16+$0x0], $0xffff;
	v4 =	vor.u32 v60, v0  }
0x98: {  	v2 =	vor.u32 v49, v0;
	v20 =	vld.idx.msk [tilespmem:v3+s16+$0x0], $0xffff;
	v3 =	vor.u32 v35, v0;
	v0 =	vor.u32 v54, v0;
	_ =	sdelay $0x1  }
0x99: {  	s12 =	simm.s32 $0x2;
	s5 =	simm.s32 $0x3;
	v23 =	vld.idx.msk [tilespmem:v5+s16+$0x0], $0xffff  }
0x9a: {  	v58 =	vmovc v10;
	v10 =	vadd.s32 s5, v27;
	v25 =	vld.idx.msk [tilespmem:v1+s16+$0x0], $0xffff;
	v1 =	vadd.s32 s12, v27;
	v15 =	vmul.f32 v15, v6  }
0x9b: {  	v59 =	vmov v24;
	v14 =	vmov v35;
	s11 =	simm.s32 $0x1;
	v24 =	vand.u32 $0x3F, v10;
	v35 =	vld.idx.msk [tilespmem:v4+s16+$0x0], $0xffff  }
0x9c: {  	v5 =	vadd.s32 s11, v27;
	v4 =	vor.u32 v44, v24;
	v0 =	vld.idx.msk [tilespmem:v0+s16+$0x0], $0xffff;
	[tilespmem:$0x1FD20] =	vst v15;
	v15 =	vmul.f32 v20, v6  }
0x9d: {  	v10 =	vand.u32 $0x3F, v5;
	v5 =	vand.u32 $0x3F, v1;
	[tilespmem:$0x1FB80] =	vst v4;
	v1 =	vmov v30  }
0x9e: {  	v4 =	vor.u32 v1, v24;
	[tilespmem:$0x1FD30] =	vst v15  }
0x9f: {  	v15 =	vmul.f32 v50, v6;
	[tilespmem:$0x1FB90] =	vst v4;
	v4 =	vor.u32 v53, v24  }
0xa0: {  	[tilespmem:$0x1FBA0] =	vst v4  }
0xa1: {  	v0 =	vmul.f32 v0, v6;
	v4 =	vor.u32 v37, v24;
	[tilespmem:$0x1FB20] =	vst v15  }
0xa2: {  	[tilespmem:$0x1FBB0] =	vst v4  }
0xa3: {  	v15 =	vmul.f32 v23, v6;
	v4 =	vor.u32 v38, v24;
	[tilespmem:$0x1FB70] =	vst v0  }
0xa4: {  	v26 =	vor.u32 v42, v24;
	[tilespmem:$0x1FBE0] =	vst v4  }
0xa5: {  	v4 =	vor.u32 v47, v24;
	[tilespmem:$0x1FB30] =	vst v15  }
0xa6: {  	v57 =	vmov v16;
	v28 =	vor.u32 v56, v24;
	[tilespmem:$0x1FC70] =	vst v4;
	v4 =	vor.u32 v40, v24  }
0xa7: {  	v29 =	vor.u32 v57, v24;
	v32 =	vor.u32 v18, v24;
	[tilespmem:$0x1FCB0] =	vst v4;
	v4 =	vor.u32 v41, v24  }
0xa8: {  	v33 =	vor.u32 v55, v24;
	v45 =	vor.u32 v34, v24;
	v0 =	vld [tilespmem:$0x1FB80];
	[tilespmem:$0x1FCE0] =	vst v4;
	v4 =	vor.u32 v49, v24  }
0xa9: {  	v62 =	vld.idx.msk [tilespmem:v26+s14+$0x0], $0xffff;
	v36 =	vor.u32 v42, v10;
	[tilespmem:$0x1FCF0] =	vst v4;
	v4 =	vor.u32 v14, v24  }
0xaa: {  	v27 =	vld.idx.msk [tilespmem:v2+s16+$0x0], $0xffff;
	v48 =	vor.u32 v56, v5;
	[tilespmem:$0x1FD00] =	vst v4;
	v4 =	vor.u32 v60, v24  }
0xab: {  	v31 =	vld.idx.msk [tilespmem:v3+s16+$0x0], $0xffff;
	v3 =	vor.u32 v21, v24;
	[tilespmem:$0x1FD10] =	vst v4;
	v4 =	vor.u32 v58, v24  }
0xac: {  	v13 =	vmov v47;
	v30 =	vor.u32 v59, v24;
	v47 =	vld.idx.msk [tilespmem:v26+s15+$0x0], $0xffff;
	v15 =	vmul.f32 v25, v6;
	[tilespmem:$0x1FB00] =	vst v4  }
0xad: {  	v4 =	vor.u32 v54, v24;
	v24 =	vld.idx.msk [tilespmem:v29+s16+$0x0], $0xffff;
	v29 =	vor.u32 v57, v5;
	v57 =	vor.u32 v57, v10  }
0xae: {  	v26 =	vld.idx.msk [tilespmem:v36+s14+$0x0], $0xffff  }
0xaf: {  	[tilespmem:$0x1FB40] =	vst v15;
	v15 =	vmul.f32 v27, v6;
	v27 =	vld.idx.msk [tilespmem:v48+s16+$0x0], $0xffff  }
0xb0: {  	v17 =	vmul.f32 v17, v6;
	v48 =	vld.idx.msk [tilespmem:v0+s16+$0x0], $0xffff  }
0xb1: {  	v0 =	vld [tilespmem:$0x1FB90]  }
0xb2: {  	[tilespmem:$0x1FCC0] =	vst v17;
	v17 =	vld.idx.msk [tilespmem:v57+s16+$0x0], $0xffff  }
0xb3: {  	v56 =	vor.u32 v56, v10;
	_ =	sdelay $0x1  }
0xb4: {  	v9 =	vmul.f32 v9, v6  }
0xb5: {  	v16 =	vimm.f32 $0.0e+00;
	v19 =	vmul.f32 v19, v6  }
0xb6: {  	v9 =	vadd.f32 v9, v16;
	v50 =	vmul.f32 v17, v26  }
0xb7: {  	[tilespmem:$0x1FCA0] =	vst v19;
	v19 =	vld.idx.msk [tilespmem:v56+s16+$0x0], $0xffff  }
0xb8: {  	v9 =	vadd.f32 v50, v9;
	v50 =	vld.idx.msk [tilespmem:v0+s16+$0x0], $0xffff  }
0xb9: {  	v0 =	vld [tilespmem:$0x1FBA0]  }
0xba: {  	v2 =	vmov v37;
	v37 =	vor.u32 v42, v5;
	v42 =	vor.u32 v59, v5  }
0xbb: {  	v8 =	vmul.f32 v8, v6;
	_ =	sdelay $0x1  }
0xbc: {  	v8 =	vadd.f32 v8, v16;
	v19 =	vmul.f32 v19, v26;
	_ =	sdelay $0x1  }
0xbd: {  	v8 =	vadd.f32 v19, v8;
	v19 =	vld.idx.msk [tilespmem:v42+s16+$0x0], $0xffff  }
0xbe: {  	[tilespmem:$0x1FB10] =	vst v4;
	v4 =	vld.idx.msk [tilespmem:v30+s16+$0x0], $0xffff  }
0xbf: {  	v42 =	vld.idx.msk [tilespmem:v0+s16+$0x0], $0xffff  }
0xc0: {  	v30 =	vor.u32 v44, v5;
	v0 =	vld [tilespmem:$0x1FBB0]  }
0xc1: {  	[tilespmem:$0x1FCD0] =	vst v30;
	v30 =	vld.idx.msk [tilespmem:v37+s14+$0x0], $0xffff  }
0xc2: {  	v63 =	vmov v18;
	v22 =	vld.idx.msk [tilespmem:v22+s16+$0x0], $0xffff;
	v7 =	vmul.f32 v7, v6  }
0xc3: {  	v11 =	vmul.f32 v11, v6;
	v12 =	vmul.f32 v12, v6;
	v51 =	vor.u32 v18, v5;
	[tilespmem:$0x1FB50] =	vst v15  }
0xc4: {  	v52 =	vmovc v60;
	v18 =	vmov v54;
	v60 =	vor.u32 v59, v10;
	[tilespmem:$0x1FC10] =	vst v4;
	v4 =	vor.u32 v55, v5  }
0xc5: {  	v15 =	vmul.f32 v35, v6;
	v59 =	vmul.f32 v39, v6;
	[tilespmem:$0x1FC50] =	vst v4;
	v4 =	vor.u32 v34, v5  }
0xc6: {  	v54 =	vmul.f32 v61, v6;
	v27 =	vmul.f32 v27, v30;
	[tilespmem:$0x1FC80] =	vst v4;
	v4 =	vor.u32 v21, v5  }
0xc7: {  	v61 =	vmul.f32 v22, v6;
	[tilespmem:$0x1FC90] =	vst v4;
	v4 =	vmul.f32 v43, v6;
	v43 =	vld.idx.msk [tilespmem:v37+s15+$0x0], $0xffff  }
0xc8: {  	v37 =	vmul.f32 v46, v6;
	v8 =	vadd.f32 v27, v8;
	v27 =	vld.idx.msk [tilespmem:v0+s16+$0x0], $0xffff;
	v0 =	vor.u32 v41, v5  }
0xc9: {  	v46 =	vmul.f32 v31, v6;
	v6 =	vld.idx.msk [tilespmem:v60+s16+$0x0], $0xffff;
	[tilespmem:$0x1FBC0] =	vst v0;
	v0 =	vor.u32 v49, v5  }
0xca: {  	[tilespmem:$0x1FBD0] =	vst v0;
	v0 =	vld [tilespmem:$0x1FBE0];
	_ =	sdelay $0x1  }
0xcb: {  	v63 =	vor.u32 v63, v10;
	_ =	sdelay $0x1  }
0xcc: {  	v11 =	vadd.f32 v11, v16;
	v6 =	vmul.f32 v6, v26  }
0xcd: {  	v28 =	vld.idx.msk [tilespmem:v28+s16+$0x0], $0xffff  }
0xce: {  	v29 =	vld.idx.msk [tilespmem:v29+s16+$0x0], $0xffff;
	v19 =	vmul.f32 v19, v30;
	v6 =	vadd.f32 v6, v11  }
0xcf: {  	v31 =	vmul.f32 v43, v30;
	v43 =	vld.idx.msk [tilespmem:v63+s16+$0x0], $0xffff  }
0xd0: {  	v6 =	vadd.f32 v19, v6;
	v19 =	vld.idx.msk [tilespmem:v0+s16+$0x0], $0xffff;
	v0 =	vor.u32 v14, v5  }
0xd1: {  	[tilespmem:$0x1FBF0] =	vst v0;
	v0 =	vor.u32 v52, v5  }
0xd2: {  	[tilespmem:$0x1FC00] =	vst v0;
	v0 =	vld [tilespmem:$0x1FC10]  }
0xd3: {  	v29 =	vmul.f32 v29, v30  }
0xd4: {  	v28 =	vmul.f32 v28, v62;
	v12 =	vadd.f32 v12, v16;
	v23 =	vld.idx.msk [tilespmem:v45+s16+$0x0], $0xffff;
	v56 =	vmul.f32 v43, v26  }
0xd5: {  	v45 =	vor.u32 v55, v10;
	v24 =	vmul.f32 v24, v62;
	v55 =	vld.idx.msk [tilespmem:v51+s16+$0x0], $0xffff;
	v9 =	vadd.f32 v29, v9  }
0xd6: {  	v36 =	vld.idx.msk [tilespmem:v36+s15+$0x0], $0xffff;
	v12 =	vadd.f32 v56, v12  }
0xd7: {  	v56 =	vadd.f32 v28, v8;
	v8 =	vmul.f32 v0, v62;
	v0 =	vadd.f32 v24, v9;
	_ =	sdelay $0x1  }
0xd8: {  	[tilespmem:$0x1FC20] =	vst v0;
	v0 =	vor.u32 v58, v5  }
0xd9: {  	v29 =	vmul.f32 v55, v30;
	v11 =	vor.u32 v34, v10;
	[tilespmem:$0x1FC30] =	vst v0;
	v0 =	vor.u32 v18, v5  }
0xda: {  	v20 =	vmul.f32 v36, v26;
	[tilespmem:$0x1FC40] =	vst v0;
	v0 =	vld [tilespmem:$0x1FC50]  }
0xdb: {  	v36 =	vor.u32 v1, v5;
	v12 =	vadd.f32 v29, v12;
	v29 =	vor.u32 v1, v10;
	v1 =	vld [tilespmem:$0x1FC90];
	_ =	sdelay $0x2  }
0xdc: {  	v11 =	vld.idx.msk [tilespmem:v11+s16+$0x0], $0xffff;
	_ =	sdelay $0x3  }
0xdd: {  	v24 =	vld.idx.msk [tilespmem:v0+s16+$0x0], $0xffff  }
0xde: {  	v0 =	vadd.f32 v8, v6;
	v8 =	vmul.f32 v11, v26;
	v11 =	vld.idx.msk [tilespmem:v1+s16+$0x0], $0xffff  }
0xdf: {  	v1 =	vld [tilespmem:$0x1FCA0];
	_ =	sdelay $0x2  }
0xe0: {  	v39 =	vmul.f32 v47, v62;
	v47 =	vor.u32 v21, v10;
	_ =	sdelay $0x1  }
0xe1: {  	[tilespmem:$0x1FB60] =	vst v15;
	v15 =	vadd.f32 v1, v16;
	v1 =	vld [tilespmem:$0x1FCB0]  }
0xe2: {  	v32 =	vld.idx.msk [tilespmem:v32+s16+$0x0], $0xffff  }
0xe3: {  	v7 =	vadd.f32 v7, v16  }
0xe4: {  	v28 =	vld.idx.msk [tilespmem:v47+s16+$0x0], $0xffff  }
0xe5: {  	v7 =	vadd.f32 v20, v7;
	v20 =	vor.u32 v53, v5  }
0xe6: {  	v22 =	vor.u32 v2, v5;
	v57 =	vor.u32 v13, v5;
	v17 =	vor.u32 v40, v5  }
0xe7: {  	v51 =	vld.idx.msk [tilespmem:v45+s16+$0x0], $0xffff;
	v7 =	vadd.f32 v31, v7;
	v31 =	vor.u32 v38, v5;
	v5 =	vmul.f32 v32, v62  }
0xe8: {  	[tilespmem:$0x1FC60] =	vst v0;
	v0 =	vld [tilespmem:$0x1FC70]  }
0xe9: {  	v45 =	vadd.f32 v5, v12;
	v12 =	vmul.f32 v28, v26;
	v28 =	vld.idx.msk [tilespmem:v1+s16+$0x0], $0xffff  }
0xea: {  	v1 =	vld [tilespmem:$0x1FCC0];
	_ =	sdelay $0x4  }
0xeb: {  	v6 =	vadd.f32 v4, v16;
	v4 =	vadd.f32 v1, v16;
	v1 =	vld [tilespmem:$0x1FCD0];
	_ =	sdelay $0x1  }
0xec: {  	v60 =	vor.u32 v44, v10  }
0xed: {  	v34 =	vld.idx.msk [tilespmem:v0+s16+$0x0], $0xffff  }
0xee: {  	v0 =	vld [tilespmem:$0x1FC80];
	_ =	sdelay $0x1  }
0xef: {  	v35 =	vmul.f32 v51, v26  }
0xf0: {  	v9 =	vld.idx.msk [tilespmem:v60+s16+$0x0], $0xffff  }
0xf1: {  	v6 =	vadd.f32 v35, v6;
	v35 =	vor.u32 v2, v10;
	v2 =	vld.idx.msk [tilespmem:v1+s16+$0x0], $0xffff  }
0xf2: {  	v1 =	vld [tilespmem:$0x1FCE0]  }
0xf3: {  	v33 =	vld.idx.msk [tilespmem:v33+s16+$0x0], $0xffff  }
0xf4: {  	v20 =	vld.idx.msk [tilespmem:v20+s16+$0x0], $0xffff  }
0xf5: {  	v5 =	vld.idx.msk [tilespmem:v0+s16+$0x0], $0xffff;
	v0 =	vadd.f32 v54, v16  }
0xf6: {  	v21 =	vld.idx.msk [tilespmem:v36+s16+$0x0], $0xffff;
	v9 =	vmul.f32 v9, v26  }
0xf7: {  	v63 =	vadd.f32 v39, v7;
	v7 =	vld.idx.msk [tilespmem:v3+s16+$0x0], $0xffff;
	v0 =	vadd.f32 v8, v0;
	v8 =	vmul.f32 v24, v30  }
0xf8: {  	v32 =	vor.u32 v53, v10;
	v24 =	vadd.f32 v9, v4;
	v4 =	vld [tilespmem:$0x1FD00]  }
0xf9: {  	v6 =	vadd.f32 v8, v6;
	v8 =	vld [tilespmem:$0x1FD10]  }
0xfa: {  	v16 =	vor.u32 v38, v10;
	v3 =	vld.idx.msk [tilespmem:v1+s16+$0x0], $0xffff  }
0xfb: {  	v1 =	vld [tilespmem:$0x1FCF0]  }
0xfc: {  	v23 =	vmul.f32 v23, v62;
	v44 =	vmul.f32 v33, v62  }
0xfd: {  	v20 =	vmul.f32 v20, v30;
	v33 =	vmul.f32 v50, v62;
	v43 =	vor.u32 v13, v10;
	v13 =	vld.idx.msk [tilespmem:v32+s16+$0x0], $0xffff  }
0xfe: {  	v47 =	vor.u32 v40, v10;
	v40 =	vmul.f32 v48, v62;
	v9 =	vmul.f32 v27, v62;
	v27 =	vld.idx.msk [tilespmem:v29+s16+$0x0], $0xffff  }
0xff: {  	v7 =	vmul.f32 v7, v62;
	v55 =	vmul.f32 v42, v62;
	v16 =	vld.idx.msk [tilespmem:v16+s16+$0x0], $0xffff  }
0x100: {  	v51 =	vmul.f32 v19, v62;
	v19 =	vmul.f32 v21, v30;
	v25 =	vld.idx.msk [tilespmem:v4+s16+$0x0], $0xffff  }
0x101: {  	v60 =	vor.u32 v14, v10;
	v32 =	vimm.f32 $0.0e+00;
	v15 =	vadd.f32 v12, v15;
	v53 =	vld.idx.msk [tilespmem:v8+s16+$0x0], $0xffff  }
0x102: {  	v36 =	vmul.f32 v34, v62;
	v34 =	vadd.f32 v44, v6;
	v4 =	vmul.f32 v11, v30  }
0x103: {  	v6 =	vor.u32 v58, v10;
	v27 =	vmul.f32 v27, v26;
	v39 =	vld.idx.msk [tilespmem:v1+s16+$0x0], $0xffff;
	v1 =	vmul.f32 v5, v30  }
0x104: {  	v11 =	vimm.f32 $0.0e+00;
	v44 =	vmul.f32 v16, v26;
	v15 =	vadd.f32 v4, v15;
	v4 =	vld [tilespmem:$0x1FD20]  }
0x105: {  	v8 =	vor.u32 v49, v10;
	v54 =	vadd.f32 v1, v0;
	v0 =	vmul.f32 v2, v30  }
0x106: {  	v49 =	vmul.f32 v25, v62;
	v25 =	vimm.f32 $0.0e+00;
	v58 =	vmul.f32 v53, v62;
	v53 =	vld.idx.msk [tilespmem:v22+s16+$0x0], $0xffff  }
0x107: {  	v21 =	vld.idx.msk [tilespmem:v31+s16+$0x0], $0xffff;
	v48 =	vmul.f32 v3, v62;
	v5 =	vor.u32 v41, v10;
	v29 =	vadd.f32 v0, v24  }
0x108: {  	v41 =	vadd.f32 v37, v11;
	v1 =	vmul.f32 v28, v62;
	v28 =	vld.idx.msk [tilespmem:v35+s16+$0x0], $0xffff;
	v35 =	vadd.f32 v7, v15  }
0x109: {  	v15 =	vmul.f32 v13, v26;
	v31 =	vadd.f32 v40, v29;
	v29 =	vadd.f32 v4, v11;
	v4 =	vld [tilespmem:$0x1FD30]  }
0x10a: {  	v14 =	vld.idx.msk [tilespmem:v57+s16+$0x0], $0xffff;
	v2 =	vadd.f32 v59, v11;
	v0 =	vor.u32 v52, v10;
	v10 =	vor.u32 v18, v10  }
0x10b: {  	v16 =	vld.idx.msk [tilespmem:v43+s16+$0x0], $0xffff;
	v38 =	vadd.f32 v23, v54;
	v18 =	vmul.f32 v53, v30;
	v23 =	vimm.f32 $0.0e+00  }
0x10c: {  	v13 =	vld.idx.msk [tilespmem:v17+s16+$0x0], $0xffff;
	v24 =	vimm.f32 $0.0e+00;
	v3 =	vmul.f32 v39, v62;
	v40 =	vadd.f32 v27, v2  }
0x10d: {  	v17 =	vld.idx.msk [tilespmem:v47+s16+$0x0], $0xffff;
	v27 =	vimm.f32 $0.0e+00;
	v39 =	vmul.f32 v28, v26;
	v28 =	vimm.f32 $0.0e+00  }
0x10e: {  	s3 =	sshll.u32 s23, $0x1;
	s11 =	simm.s32 $0x4;
	v43 =	vadd.f32 v15, v29;
	v15 =	vld.idx.msk [tilespmem:v5+s16+$0x0], $0xffff;
	v29 =	vimm.f32 $0.0e+00;
	v42 =	vadd.f32 v4, v11  }
.LBB2_3:
0x10f: {  	v2 =	vld [tilespmem:$0x1FBC0];
	_ =	sdelay $0x7  }
0x110: {  	[tilespmem:$0x1F860] =	vst v63;
	v63 =	vld.idx.msk [tilespmem:v2+s16+$0x0], $0xffff  }
0x111: {  	v2 =	vld [tilespmem:$0x1FBD0];
	_ =	sdelay $0x7  }
0x112: {  	[tilespmem:$0x1F930] =	vst v34;
	v34 =	vld.idx.msk [tilespmem:v2+s16+$0x0], $0xffff  }
0x113: {  	v2 =	vld [tilespmem:$0x1FBF0];
	_ =	sdelay $0x5  }
0x114: {  	v19 =	vadd.f32 v19, v40;
	_ =	sdelay $0x1  }
0x115: {  	[tilespmem:$0x1F950] =	vst v38;
	v20 =	vadd.f32 v20, v43;
	v38 =	vld.idx.msk [tilespmem:v2+s16+$0x0], $0xffff;
	v2 =	vadd.f32 v33, v19;
	_ =	sdelay $0x1  }
0x116: {  	[tilespmem:$0x1FA40] =	vst v2;
	v2 =	vadd.f32 v55, v20;
	_ =	sdelay $0x1  }
0x117: {  	[tilespmem:$0x1FA60] =	vst v2;
	v2 =	vld [tilespmem:$0x1FC00];
	_ =	sdelay $0x3  }
0x118: {  	v39 =	vadd.f32 v39, v41;
	_ =	sdelay $0x1  }
0x119: {  	v21 =	vmul.f32 v21, v30;
	v59 =	vadd.f32 v44, v42;
	v18 =	vadd.f32 v18, v39  }
0x11a: {  	v12 =	vld.idx.msk [tilespmem:v8+s16+$0x0], $0xffff  }
0x11b: {  	v21 =	vadd.f32 v21, v59;
	v8 =	vld.idx.msk [tilespmem:v2+s16+$0x0], $0xffff;
	v2 =	vadd.f32 v9, v18;
	_ =	sdelay $0x1  }
0x11c: {  	[tilespmem:$0x1FA90] =	vst v2;
	v2 =	vadd.f32 v51, v21;
	_ =	sdelay $0x1  }
0x11d: {  	[tilespmem:$0x1FAB0] =	vst v2;
	v2 =	vld [tilespmem:$0x1FB20];
	_ =	sdelay $0x2  }
0x11e: {  	v5 =	vld.idx.msk [tilespmem:v0+s16+$0x0], $0xffff  }
0x11f: {  	v0 =	vld [tilespmem:$0x1FC30]  }
0x120: {  	v9 =	vadd.f32 v2, v11;
	v2 =	vld [tilespmem:$0x1FB30];
	_ =	sdelay $0x2  }
0x121: {  	v16 =	vmul.f32 v16, v26;
	_ =	sdelay $0x1  }
0x122: {  	v14 =	vmul.f32 v14, v30;
	v9 =	vadd.f32 v16, v9;
	v11 =	vadd.f32 v2, v32;
	v2 =	vld [tilespmem:$0x1FB40];
	_ =	sdelay $0x1  }
0x123: {  	v9 =	vadd.f32 v14, v9;
	v14 =	vld.idx.msk [tilespmem:v0+s16+$0x0], $0xffff  }
0x124: {  	v0 =	vld [tilespmem:$0x1FC40];
	_ =	sdelay $0x1  }
0x125: {  	v7 =	vmul.f32 v17, v26;
	v17 =	vadd.f32 v2, v23;
	v2 =	vld [tilespmem:$0x1FB50];
	_ =	sdelay $0x1  }
0x126: {  	v15 =	vmul.f32 v15, v26  }
0x127: {  	v13 =	vmul.f32 v13, v30;
	v7 =	vadd.f32 v7, v11  }
0x128: {  	v11 =	vmul.f32 v63, v30;
	v15 =	vadd.f32 v15, v17  }
0x129: {  	v4 =	vld.idx.msk [tilespmem:v60+s16+$0x0], $0xffff;
	v12 =	vmul.f32 v12, v26;
	v7 =	vadd.f32 v13, v7;
	v18 =	vadd.f32 v2, v24  }
0x12a: {  	v11 =	vadd.f32 v11, v15;
	v15 =	vld.idx.msk [tilespmem:v0+s16+$0x0], $0xffff;
	v0 =	vadd.f32 v36, v9  }
0x12b: {  	v6 =	vld.idx.msk [tilespmem:v6+s16+$0x0], $0xffff;
	v16 =	vmul.f32 v34, v30;
	v12 =	vadd.f32 v12, v18  }
0x12c: {  	v10 =	vld.idx.msk [tilespmem:v10+s16+$0x0], $0xffff;
	[tilespmem:$0x1F870] =	vst v0;
	v0 =	vadd.f32 v1, v7  }
0x12d: {  	v1 =	vmul.f32 v5, v26;
	v2 =	vadd.f32 v48, v11;
	v5 =	vld [tilespmem:$0x1FB60];
	v12 =	vadd.f32 v16, v12  }
0x12e: {  	v9 =	vld [tilespmem:$0x1FB70];
	[tilespmem:$0x1F8B0] =	vst v0  }
0x12f: {  	v0 =	vld [tilespmem:$0x1FB00];
	[tilespmem:$0x1FAF0] =	vst v2;
	v2 =	vadd.f32 v3, v12;
	_ =	sdelay $0x1  }
0x130: {  	v4 =	vmul.f32 v4, v26;
	v6 =	vmul.f32 v6, v26;
	[tilespmem:$0x1FAD0] =	vst v2;
	v2 =	vld [tilespmem:$0x1FB10]  }
0x131: {  	v10 =	vmul.f32 v10, v26;
	v3 =	vadd.f32 v46, v25;
	v5 =	vadd.f32 v5, v29  }
0x132: {  	v13 =	vmul.f32 v38, v30;
	v7 =	vadd.f32 v61, v27;
	v9 =	vadd.f32 v9, v28  }
0x133: {  	v18 =	vld [tilespmem:$0x1FED0];
	v3 =	vadd.f32 v4, v3;
	v1 =	vadd.f32 v1, v5;
	v4 =	vmul.f32 v14, v30  }
0x134: {  	v5 =	vadd.f32 v6, v7;
	v6 =	vadd.f32 v10, v9;
	v7 =	vmul.f32 v15, v30  }
0x135: {  	v20 =	vlaneseq.u32;
	v3 =	vadd.f32 v13, v3  }
0x136: {  	v4 =	vadd.f32 v4, v5;
	v5 =	vadd.f32 v7, v6;
	v6 =	vadd.s32 s11, v20;
	v0 =	vld.idx.msk [tilespmem:v0+s16+$0x0], $0xffff  }
0x137: {  	v9 =	vand.u32 $0x3F, v6  }
0x138: {  	v8 =	vmul.f32 v8, v30;
	v3 =	vadd.f32 v49, v3;
	v6 =	vor.u32 v18, v9;
	v2 =	vld.idx.msk [tilespmem:v2+s16+$0x0], $0xffff  }
0x139: {  	v37 =	vld [tilespmem:$0x1FFC0]  }
0x13a: {  	v1 =	vadd.f32 v8, v1;
	[tilespmem:$0x1F9B0] =	vst v3;
	v3 =	vld [tilespmem:$0x1FEC0]  }
0x13b: {  	v0 =	vmul.f32 v0, v62  }
0x13c: {  	v17 =	vld [tilespmem:$0x1FEB0];
	v1 =	vadd.f32 v58, v1  }
0x13d: {  	v6 =	vld.idx.msk [tilespmem:v6+s16+$0x0], $0xffff;
	v0 =	vadd.f32 v0, v4;
	v2 =	vmul.f32 v2, v62  }
0x13e: {  	v63 =	vld [tilespmem:$0x1FFD0];
	[tilespmem:$0x1F880] =	vst v1;
	v1 =	vor.u32 v37, v9  }
0x13f: {  	[tilespmem:$0x1F9D0] =	vst v0;
	v0 =	vadd.f32 v2, v5;
	v5 =	vor.u32 v3, v9;
	_ =	sdelay $0x2  }
0x140: {  	v4 =	vor.u32 v17, v9;
	[tilespmem:$0x1F7D0] =	vst v6;
	v6 =	vld [tilespmem:$0x1FF30]  }
0x141: {  	v2 =	vor.u32 v63, v9;
	[tilespmem:$0x1FA10] =	vst v0;
	v0 =	vld.idx.msk [tilespmem:v1+s14+$0x0], $0xffff  }
0x142: {  	v5 =	vld.idx.msk [tilespmem:v5+s16+$0x0], $0xffff  }
0x143: {  	v1 =	vld.idx.msk [tilespmem:v1+s15+$0x0], $0xffff;
	_ =	sdelay $0x1  }
0x144: {  	v4 =	vld.idx.msk [tilespmem:v4+s16+$0x0], $0xffff  }
0x145: {  	v12 =	vor.u32 v6, v9;
	v42 =	vld.idx.msk [tilespmem:v2+s16+$0x0], $0xffff  }
0x146: {  	[tilespmem:$0x1F7C0] =	vst v5;
	v5 =	vld [tilespmem:$0x1FF20]  }
0x147: {  	[tilespmem:$0x1F7A0] =	vst v1;
	v1 =	vld [tilespmem:$0x1FEE0]  }
0x148: {  	v2 =	vld [tilespmem:$0x1FEF0]  }
0x149: {  	[tilespmem:$0x1F7B0] =	vst v4;
	v4 =	vld [tilespmem:$0x1FF10]  }
0x14a: {  	v12 =	vld.idx.msk [tilespmem:v12+s16+$0x0], $0xffff  }
0x14b: {  	v11 =	vor.u32 v5, v9  }
0x14c: {  	v7 =	vor.u32 v1, v9  }
0x14d: {  	v22 =	vld [tilespmem:$0x1FF80]  }
0x14e: {  	v21 =	vld [tilespmem:$0x1FF70];
	v8 =	vor.u32 v2, v9  }
0x14f: {  	v10 =	vor.u32 v4, v9;
	[tilespmem:$0x1F810] =	vst v12;
	v12 =	vld [tilespmem:$0x1FF90]  }
0x150: {  	v11 =	vld.idx.msk [tilespmem:v11+s16+$0x0], $0xffff  }
0x151: {  	v49 =	vld.idx.msk [tilespmem:v7+s16+$0x0], $0xffff  }
0x152: {  	v7 =	vld [tilespmem:$0x1FF50]  }
0x153: {  	v8 =	vld.idx.msk [tilespmem:v8+s16+$0x0], $0xffff  }
0x154: {  	v10 =	vld.idx.msk [tilespmem:v10+s16+$0x0], $0xffff  }
0x155: {  	v32 =	vld [tilespmem:$0x1FFF0];
	[tilespmem:$0x1F800] =	vst v11;
	v11 =	vor.u32 v22, v9  }
0x156: {  	v23 =	vld [tilespmem:$0x1FFA0]  }
0x157: {  	v24 =	vld [tilespmem:$0x1FFB0];
	v13 =	vor.u32 v7, v9  }
0x158: {  	v25 =	vld [tilespmem:$0x1FF40];
	v15 =	vor.u32 v12, v9;
	[tilespmem:$0x1F7E0] =	vst v8  }
0x159: {  	v8 =	vld [tilespmem:$0x1FF60];
	[tilespmem:$0x1F7F0] =	vst v10;
	v10 =	vor.u32 v21, v9  }
0x15a: {  	v11 =	vld.idx.msk [tilespmem:v11+s16+$0x0], $0xffff  }
0x15b: {  	v29 =	vld [tilespmem:$0x1FF00]  }
0x15c: {  	v13 =	vld.idx.msk [tilespmem:v13+s16+$0x0], $0xffff  }
0x15d: {  	v15 =	vld.idx.msk [tilespmem:v15+s16+$0x0], $0xffff  }
0x15e: {  	v14 =	vor.u32 v8, v9;
	v10 =	vld.idx.msk [tilespmem:v10+s16+$0x0], $0xffff  }
0x15f: {  	[tilespmem:$0x1F840] =	vst v11;
	v11 =	vld [tilespmem:$0x1FFE0];
	_ =	sdelay $0x1  }
0x160: {  	[tilespmem:$0x1F820] =	vst v13;
	v13 =	vor.u32 v23, v9;
	_ =	sdelay $0x1  }
0x161: {  	[tilespmem:$0x1F850] =	vst v15;
	v15 =	vor.u32 v29, v9;
	v41 =	vld.idx.msk [tilespmem:v14+s16+$0x0], $0xffff;
	v14 =	vor.u32 v24, v9  }
0x162: {  	s12 =	sadd.s32 $0x3, s11;
	[tilespmem:$0x1F830] =	vst v10;
	v10 =	vor.u32 v25, v9;
	v16 =	vor.u32 v11, v9;
	v9 =	vor.u32 v32, v9  }
0x163: {  	v19 =	vadd.s32 s12, v20  }
0x164: {  	v34 =	vld.idx.msk [tilespmem:v13+s16+$0x0], $0xffff;
	v13 =	vand.u32 $0x3F, v19  }
0x165: {  	[tilespmem:$0x1F970] =	vst v35;
	v35 =	vor.u32 v18, v13  }
0x166: {  	s5 =	sadd.s32 $0x2, s11  }
0x167: {  	v19 =	vadd.s32 s5, v20;
	v38 =	vld.idx.msk [tilespmem:v9+s16+$0x0], $0xffff;
	v9 =	vor.u32 v29, v13  }
0x168: {  	s12 =	sadd.s32 $0x1, s11;
	v51 =	vld.idx.msk [tilespmem:v14+s16+$0x0], $0xffff;
	v39 =	vand.u32 $0x3F, v19;
	[tilespmem:$0x1FB00] =	vst v9;
	v9 =	vor.u32 v32, v13  }
0x169: {  	v14 =	vadd.s32 s12, v20;
	v26 =	vld.idx.msk [tilespmem:v10+s16+$0x0], $0xffff;
	[tilespmem:$0x1FB10] =	vst v9;
	v9 =	vor.u32 v3, v39  }
0x16a: {  	v10 =	vand.u32 $0x3F, v14;
	v33 =	vld.idx.msk [tilespmem:v35+s16+$0x0], $0xffff;
	[tilespmem:$0x1F890] =	vst v9;
	v9 =	vor.u32 v18, v39  }
0x16b: {  	v40 =	vor.u32 v2, v13;
	v35 =	vor.u32 v2, v10;
	[tilespmem:$0x1F8A0] =	vst v9;
	v9 =	vor.u32 v2, v39;
	v2 =	vld [tilespmem:$0x1F820];
	_ =	sdelay $0x4  }
0x16c: {  	v2 =	vmul.f32 v2, v0;
	_ =	sdelay $0x1  }
0x16d: {  	[tilespmem:$0x1FA70] =	vst v2;
	v2 =	vmul.f32 v41, v0;
	_ =	sdelay $0x1  }
0x16e: {  	[tilespmem:$0x1FAA0] =	vst v2;
	v2 =	vld [tilespmem:$0x1F830];
	_ =	sdelay $0x2  }
0x16f: {  	[tilespmem:$0x1F8D0] =	vst v56  }
0x170: {  	[tilespmem:$0x1F990] =	vst v31;
	v53 =	vld.idx.msk [tilespmem:v15+s16+$0x0], $0xffff  }
0x171: {  	v15 =	vor.u32 v1, v13;
	[tilespmem:$0x1F8C0] =	vst v9;
	v9 =	vor.u32 v4, v39;
	v2 =	vmul.f32 v2, v0  }
0x172: {  	v20 =	vor.u32 v37, v13;
	v14 =	vor.u32 v63, v13;
	[tilespmem:$0x1F8F0] =	vst v9  }
0x173: {  	v19 =	vor.u32 v3, v13;
	v43 =	vor.u32 v4, v13;
	v9 =	vor.u32 v5, v39;
	[tilespmem:$0x1FAC0] =	vst v2;
	v2 =	vld [tilespmem:$0x1F840]  }
0x174: {  	v44 =	vor.u32 v5, v13;
	v50 =	vor.u32 v6, v13;
	[tilespmem:$0x1F900] =	vst v9;
	v9 =	vor.u32 v6, v39  }
0x175: {  	v54 =	vor.u32 v7, v13;
	v55 =	vor.u32 v8, v13;
	[tilespmem:$0x1F910] =	vst v9;
	v9 =	vor.u32 v7, v39  }
0x176: {  	v56 =	vor.u32 v21, v13;
	v47 =	vld.idx.msk [tilespmem:v15+s16+$0x0], $0xffff;
	[tilespmem:$0x1F920] =	vst v9;
	v9 =	vor.u32 v8, v39  }
0x177: {  	v57 =	vor.u32 v22, v13;
	v58 =	vor.u32 v12, v13;
	v15 =	vld [tilespmem:$0x1F7B0];
	[tilespmem:$0x1F9E0] =	vst v9;
	v9 =	vor.u32 v21, v39  }
0x178: {  	v62 =	vld.idx.msk [tilespmem:v20+s14+$0x0], $0xffff;
	[tilespmem:$0x1F9F0] =	vst v9;
	v9 =	vor.u32 v22, v39;
	v2 =	vmul.f32 v2, v0  }
0x179: {  	v59 =	vor.u32 v23, v13;
	v46 =	vor.u32 v25, v13;
	v30 =	vld.idx.msk [tilespmem:v20+s15+$0x0], $0xffff;
	[tilespmem:$0x1FA00] =	vst v9  }
0x17a: {  	v27 =	vor.u32 v37, v39;
	v31 =	vor.u32 v63, v39;
	v9 =	vor.u32 v12, v39;
	[tilespmem:$0x1FB20] =	vst v2;
	v2 =	vld [tilespmem:$0x1F850]  }
0x17b: {  	v36 =	vor.u32 v17, v39;
	v60 =	vld.idx.msk [tilespmem:v43+s16+$0x0], $0xffff;
	[tilespmem:$0x1FA20] =	vst v9;
	v9 =	vor.u32 v23, v39  }
0x17c: {  	v20 =	vor.u32 v24, v13;
	v43 =	vmul.f32 v15, v0;
	v15 =	vld [tilespmem:$0x1F7C0];
	[tilespmem:$0x1FBC0] =	vst v9;
	v9 =	vor.u32 v24, v39  }
0x17d: {  	v28 =	vld.idx.msk [tilespmem:v14+s16+$0x0], $0xffff;
	v14 =	vor.u32 v11, v13;
	[tilespmem:$0x1FBD0] =	vst v9;
	v9 =	vor.u32 v25, v39  }
0x17e: {  	v52 =	vld.idx.msk [tilespmem:v16+s16+$0x0], $0xffff;
	v16 =	vor.u32 v17, v13;
	[tilespmem:$0x1FBF0] =	vst v9;
	v9 =	vor.u32 v11, v39  }
0x17f: {  	v13 =	vld.idx.msk [tilespmem:v19+s16+$0x0], $0xffff;
	[tilespmem:$0x1FC00] =	vst v9;
	v9 =	vor.u32 v29, v39;
	v2 =	vmul.f32 v2, v0  }
0x180: {  	v19 =	vor.u32 v1, v39;
	[tilespmem:$0x1FC30] =	vst v9;
	v9 =	vor.u32 v32, v39;
	v39 =	vmul.f32 v42, v0  }
0x181: {  	v42 =	vor.u32 v17, v10;
	v17 =	vmul.f32 v15, v0;
	v15 =	vld [tilespmem:$0x1F7D0];
	[tilespmem:$0x1FB30] =	vst v2;
	v2 =	vmul.f32 v34, v0;
	_ =	sdelay $0x1  }
0x182: {  	[tilespmem:$0x1FB40] =	vst v2;
	v2 =	vmul.f32 v51, v0;
	_ =	sdelay $0x1  }
0x183: {  	[tilespmem:$0x1FB50] =	vst v2;
	v2 =	vmul.f32 v26, v0  }
0x184: {  	[tilespmem:$0x1F8E0] =	vst v45;
	v45 =	vor.u32 v37, v10;
	v37 =	vmul.f32 v15, v0;
	v15 =	vmul.f32 v49, v0  }
0x185: {  	v49 =	vor.u32 v18, v10;
	v18 =	vld [tilespmem:$0x1F800];
	[tilespmem:$0x1F9C0] =	vst v2;
	v2 =	vmul.f32 v52, v0  }
0x186: {  	[tilespmem:$0x1F940] =	vst v15;
	v15 =	vld [tilespmem:$0x1F7E0]  }
0x187: {  	v52 =	vmul.f32 v13, v62;
	v13 =	vld [tilespmem:$0x1F8A0];
	[tilespmem:$0x1FB60] =	vst v2;
	v2 =	vmul.f32 v53, v0  }
0x188: {  	v48 =	vld.idx.msk [tilespmem:v40+s16+$0x0], $0xffff;
	[tilespmem:$0x1FC40] =	vst v9  }
0x189: {  	v9 =	vld [tilespmem:$0x1F7A0];
	[tilespmem:$0x1FA30] =	vst v2;
	v2 =	vor.u32 v22, v10  }
0x18a: {  	v40 =	vor.u32 v3, v10;
	v3 =	vld.idx.msk [tilespmem:v55+s16+$0x0], $0xffff;
	[tilespmem:$0x1FA80] =	vst v2;
	v2 =	vor.u32 v23, v10  }
0x18b: {  	v18 =	vmul.f32 v18, v0;
	[tilespmem:$0x1FAE0] =	vst v2;
	v2 =	vld [tilespmem:$0x1F860]  }
0x18c: {  	v50 =	vld.idx.msk [tilespmem:v50+s16+$0x0], $0xffff;
	v15 =	vmul.f32 v15, v0  }
0x18d: {  	[tilespmem:$0x1F9A0] =	vst v18;
	v18 =	vld [tilespmem:$0x1F810]  }
0x18e: {  	v9 =	vmul.f32 v9, v0;
	[tilespmem:$0x1F960] =	vst v15;
	v15 =	vld [tilespmem:$0x1F7F0]  }
0x18f: {  	v23 =	vld.idx.msk [tilespmem:v13+s16+$0x0], $0xffff  }
0x190: {  	v2 =	vadd.f32 v9, v2;
	v9 =	vmul.f32 v3, v62;
	v3 =	vld [tilespmem:$0x1F890]  }
0x191: {  	v13 =	vld [tilespmem:$0x1F8C0]  }
0x192: {  	v20 =	vld.idx.msk [tilespmem:v20+s16+$0x0], $0xffff  }
0x193: {  	v18 =	vmul.f32 v18, v0;
	v15 =	vmul.f32 v15, v0;
	v26 =	vld.idx.msk [tilespmem:v45+s14+$0x0], $0xffff  }
0x194: {  	v0 =	vmul.f32 v38, v0;
	v53 =	vmul.f32 v30, v62;
	v30 =	vld.idx.msk [tilespmem:v27+s14+$0x0], $0xffff  }
0x195: {  	v27 =	vld.idx.msk [tilespmem:v27+s15+$0x0], $0xffff  }
0x196: {  	[tilespmem:$0x1FB70] =	vst v0;
	v0 =	vld.idx.msk [tilespmem:v45+s15+$0x0], $0xffff  }
0x197: {  	v63 =	vor.u32 v63, v10;
	v45 =	vmul.f32 v33, v62;
	v33 =	vmul.f32 v50, v62;
	v50 =	vld.idx.msk [tilespmem:v42+s16+$0x0], $0xffff  }
0x198: {  	v42 =	vld.idx.msk [tilespmem:v3+s16+$0x0], $0xffff  }
0x199: {  	v3 =	vmul.f32 v20, v62;
	v20 =	vld.idx.msk [tilespmem:v13+s16+$0x0], $0xffff  }
0x19a: {  	v13 =	vld [tilespmem:$0x1FC20];
	_ =	sdelay $0x1  }
0x19b: {  	v63 =	vld.idx.msk [tilespmem:v63+s16+$0x0], $0xffff  }
0x19c: {  	v34 =	vld.idx.msk [tilespmem:v46+s16+$0x0], $0xffff;
	v38 =	vmul.f32 v48, v62;
	v48 =	vmul.f32 v0, v26  }
0x19d: {  	v46 =	vor.u32 v21, v10;
	v22 =	vmul.f32 v28, v62;
	v28 =	vld.idx.msk [tilespmem:v31+s16+$0x0], $0xffff  }
0x19e: {  	v27 =	vmul.f32 v27, v30;
	v2 =	vadd.f32 v48, v2;
	v21 =	vadd.f32 v43, v13;
	v13 =	vld [tilespmem:$0x1FC60]  }
0x19f: {  	v54 =	vld.idx.msk [tilespmem:v54+s16+$0x0], $0xffff  }
0x1a0: {  	v16 =	vld.idx.msk [tilespmem:v16+s16+$0x0], $0xffff;
	v2 =	vadd.f32 v27, v2  }
0x1a1: {  	v31 =	vld.idx.msk [tilespmem:v36+s16+$0x0], $0xffff;
	v36 =	vmul.f32 v60, v62;
	v60 =	vor.u32 v25, v10  }
0x1a2: {  	v25 =	vmul.f32 v28, v30;
	v28 =	vmul.f32 v63, v26;
	v63 =	vadd.f32 v53, v2;
	v2 =	vld [tilespmem:$0x1F8D0]  }
0x1a3: {  	[tilespmem:$0x1FA50] =	vst v18;
	v18 =	vor.u32 v4, v10;
	v17 =	vadd.f32 v17, v13;
	v13 =	vld [tilespmem:$0x1F8E0]  }
0x1a4: {  	v56 =	vld.idx.msk [tilespmem:v56+s16+$0x0], $0xffff  }
0x1a5: {  	v58 =	vld.idx.msk [tilespmem:v58+s16+$0x0], $0xffff  }
0x1a6: {  	v55 =	vmul.f32 v54, v62;
	v54 =	vld.idx.msk [tilespmem:v40+s16+$0x0], $0xffff  }
0x1a7: {  	v41 =	vld.idx.msk [tilespmem:v59+s16+$0x0], $0xffff;
	v59 =	vor.u32 v5, v10;
	v5 =	vmul.f32 v16, v62;
	v27 =	vmul.f32 v31, v30  }
0x1a8: {  	v31 =	vmul.f32 v50, v26;
	v2 =	vadd.f32 v39, v2;
	v16 =	vadd.f32 v37, v13;
	v13 =	vld.idx.msk [tilespmem:v18+s16+$0x0], $0xffff  }
0x1a9: {  	[tilespmem:$0x1F980] =	vst v15;
	v18 =	vld [tilespmem:$0x1F8F0]  }
0x1aa: {  	v15 =	vor.u32 v1, v10;
	v1 =	vld.idx.msk [tilespmem:v57+s16+$0x0], $0xffff;
	v2 =	vadd.f32 v28, v2;
	v21 =	vadd.f32 v31, v21  }
0x1ab: {  	v14 =	vld.idx.msk [tilespmem:v14+s16+$0x0], $0xffff  }
0x1ac: {  	v4 =	vld.idx.msk [tilespmem:v49+s16+$0x0], $0xffff;
	v2 =	vadd.f32 v25, v2;
	v21 =	vadd.f32 v27, v21;
	_ =	sdelay $0x1  }
0x1ad: {  	v51 =	vmul.f32 v56, v62;
	v56 =	vadd.f32 v22, v2;
	v2 =	vadd.f32 v5, v21;
	v5 =	vld [tilespmem:$0x1F920]  }
0x1ae: {  	v54 =	vmul.f32 v54, v26;
	v40 =	vmul.f32 v1, v62  }
0x1af: {  	v1 =	vmul.f32 v58, v62;
	v58 =	vmul.f32 v14, v62;
	v14 =	vld.idx.msk [tilespmem:v35+s16+$0x0], $0xffff  }
0x1b0: {  	v4 =	vmul.f32 v4, v26;
	v25 =	vld.idx.msk [tilespmem:v18+s16+$0x0], $0xffff  }
0x1b1: {  	v28 =	vmul.f32 v42, v30;
	v17 =	vadd.f32 v54, v17;
	v18 =	vld [tilespmem:$0x1F900]  }
0x1b2: {  	v23 =	vmul.f32 v23, v30;
	v4 =	vadd.f32 v4, v16  }
0x1b3: {  	v17 =	vadd.f32 v28, v17  }
0x1b4: {  	v4 =	vadd.f32 v23, v4  }
0x1b5: {  	[tilespmem:$0x1FC20] =	vst v2;
	v2 =	vmul.f32 v14, v26;
	v14 =	vld.idx.msk [tilespmem:v5+s16+$0x0], $0xffff;
	v5 =	vadd.f32 v52, v17  }
0x1b6: {  	v45 =	vadd.f32 v45, v4;
	v4 =	vld [tilespmem:$0x1F930]  }
0x1b7: {  	[tilespmem:$0x1FC60] =	vst v5;
	v5 =	vld [tilespmem:$0x1F940];
	_ =	sdelay $0x1  }
0x1b8: {  	v23 =	vld.idx.msk [tilespmem:v18+s16+$0x0], $0xffff  }
0x1b9: {  	v18 =	vld [tilespmem:$0x1F910]  }
0x1ba: {  	v17 =	vld [tilespmem:$0x1F960]  }
0x1bb: {  	v4 =	vadd.f32 v5, v4;
	v5 =	vld [tilespmem:$0x1F950];
	_ =	sdelay $0x4  }
0x1bc: {  	v17 =	vadd.f32 v17, v5;
	v5 =	vld [tilespmem:$0x1F970]  }
0x1bd: {  	v27 =	vld.idx.msk [tilespmem:v18+s16+$0x0], $0xffff  }
0x1be: {  	v18 =	vld [tilespmem:$0x1F980];
	_ =	sdelay $0x4  }
0x1bf: {  	v21 =	vadd.f32 v18, v5;
	v5 =	vld [tilespmem:$0x1F990]  }
0x1c0: {  	v18 =	vld [tilespmem:$0x1F9A0];
	_ =	sdelay $0x3  }
0x1c1: {  	v61 =	vld.idx.msk [tilespmem:v44+s16+$0x0], $0xffff;
	v44 =	vor.u32 v7, v10  }
0x1c2: {  	v7 =	vor.u32 v8, v10;
	v8 =	vor.u32 v24, v10;
	v24 =	vadd.f32 v18, v5;
	v5 =	vld [tilespmem:$0x1F9E0];
	_ =	sdelay $0x4  }
0x1c3: {  	v15 =	vld.idx.msk [tilespmem:v15+s16+$0x0], $0xffff  }
0x1c4: {  	v19 =	vld.idx.msk [tilespmem:v19+s16+$0x0], $0xffff;
	v13 =	vmul.f32 v13, v26  }
0x1c5: {  	v16 =	vld.idx.msk [tilespmem:v59+s16+$0x0], $0xffff  }
0x1c6: {  	v13 =	vadd.f32 v13, v21;
	v21 =	vmul.f32 v23, v30;
	v23 =	vld.idx.msk [tilespmem:v5+s16+$0x0], $0xffff  }
0x1c7: {  	v5 =	vld [tilespmem:$0x1F9F0]  }
0x1c8: {  	v15 =	vmul.f32 v15, v26;
	_ =	sdelay $0x1  }
0x1c9: {  	v19 =	vmul.f32 v19, v30;
	v4 =	vadd.f32 v15, v4  }
0x1ca: {  	v16 =	vmul.f32 v16, v26  }
0x1cb: {  	v47 =	vmul.f32 v47, v62;
	v4 =	vadd.f32 v19, v4  }
0x1cc: {  	v16 =	vadd.f32 v16, v24  }
0x1cd: {  	v49 =	vmul.f32 v34, v62;
	v34 =	vadd.f32 v47, v4;
	v4 =	vld [tilespmem:$0x1FA20]  }
0x1ce: {  	v16 =	vadd.f32 v21, v16;
	v21 =	vld.idx.msk [tilespmem:v5+s16+$0x0], $0xffff  }
0x1cf: {  	v5 =	vld [tilespmem:$0x1FA00];
	_ =	sdelay $0x3  }
0x1d0: {  	v2 =	vadd.f32 v2, v17;
	v17 =	vmul.f32 v25, v30;
	_ =	sdelay $0x1  }
0x1d1: {  	v20 =	vmul.f32 v20, v30;
	v17 =	vadd.f32 v17, v13;
	v13 =	vld.idx.msk [tilespmem:v4+s16+$0x0], $0xffff  }
0x1d2: {  	v4 =	vld [tilespmem:$0x1FA40]  }
0x1d3: {  	v2 =	vadd.f32 v20, v2;
	v20 =	vmul.f32 v14, v30;
	v14 =	vld.idx.msk [tilespmem:v5+s16+$0x0], $0xffff  }
0x1d4: {  	v5 =	vld [tilespmem:$0x1FA50];
	_ =	sdelay $0x2  }
0x1d5: {  	v15 =	vld.idx.msk [tilespmem:v7+s16+$0x0], $0xffff  }
0x1d6: {  	v7 =	vld [tilespmem:$0x1FA70]  }
0x1d7: {  	v4 =	vadd.f32 v5, v4;
	v5 =	vld [tilespmem:$0x1FA60];
	_ =	sdelay $0x3  }
0x1d8: {  	v57 =	vor.u32 v6, v10;
	v6 =	vor.u32 v29, v10;
	v29 =	vld [tilespmem:$0x1F880]  }
0x1d9: {  	v18 =	vadd.f32 v7, v5;
	v5 =	vld [tilespmem:$0x1FA80]  }
0x1da: {  	v28 =	vld.idx.msk [tilespmem:v44+s16+$0x0], $0xffff  }
0x1db: {  	v0 =	vor.u32 v11, v10;
	v11 =	vld [tilespmem:$0x1F870]  }
0x1dc: {  	v12 =	vor.u32 v12, v10;
	v10 =	vor.u32 v32, v10;
	v32 =	vld [tilespmem:$0x1F8B0]  }
0x1dd: {  	v22 =	vld.idx.msk [tilespmem:v57+s16+$0x0], $0xffff  }
0x1de: {  	v25 =	vld [tilespmem:$0x1F9B0]  }
0x1df: {  	v61 =	vmul.f32 v61, v62;
	v38 =	vadd.f32 v38, v2;
	v2 =	vmul.f32 v28, v26;
	v28 =	vld [tilespmem:$0x1FA10]  }
0x1e0: {  	v7 =	vld [tilespmem:$0x1FAA0]  }
0x1e1: {  	v31 =	vadd.f32 v61, v16;
	v16 =	vld.idx.msk [tilespmem:v5+s16+$0x0], $0xffff  }
0x1e2: {  	v5 =	vld [tilespmem:$0x1FA90]  }
0x1e3: {  	v19 =	vmul.f32 v27, v30;
	v27 =	vld [tilespmem:$0x1F9D0]  }
0x1e4: {  	v35 =	vadd.f32 v36, v17;
	v17 =	vld.idx.msk [tilespmem:v12+s16+$0x0], $0xffff  }
0x1e5: {  	v43 =	vadd.f32 v2, v18;
	v2 =	vld [tilespmem:$0x1FAE0]  }
0x1e6: {  	v24 =	vld.idx.msk [tilespmem:v46+s16+$0x0], $0xffff  }
0x1e7: {  	v48 =	vmul.f32 v41, v62;
	v41 =	vadd.f32 v7, v5;
	v5 =	vld [tilespmem:$0x1FAB0]  }
0x1e8: {  	p0 =	sne.s32 s11, $0x3C;
	v7 =	vld [tilespmem:$0x1FAC0]  }
.Ltmp0:
0x1e9: {  	v46 =	vld [tilespmem:$0x1F9C0];
	(pc) =	sbr.rel @p0 .LBB2_3-.Ltmp0, $4  }
0x1ea: {  	v61 =	vld [tilespmem:$0x1FA30]  }
0x1eb: {  	v22 =	vmul.f32 v22, v26;
	v44 =	vmul.f32 v24, v26;
	v24 =	vld [tilespmem:$0x1FAD0]  }
0x1ec: {  	v39 =	vmul.f32 v15, v26;
	v18 =	vmul.f32 v23, v30;
	v23 =	vld [tilespmem:$0x1FAF0]  }
0x1ed: {  	s11 =	sadd.s32 $0x4, s11;
	v36 =	vmov v40;
	v40 =	vadd.f32 v22, v4;
	v15 =	vld.idx.msk [tilespmem:v2+s16+$0x0], $0xffff;
	v42 =	vadd.f32 v7, v5  }
0x1ee: {  	v5 =	vld [tilespmem:$0x1FBC0];
	_ =	sdelay $0x7  }
0x1ef: {  	v12 =	vadd.f32 v19, v40;
	v19 =	vadd.f32 v20, v43;
	v20 =	vld.idx.msk [tilespmem:v5+s16+$0x0], $0xffff  }
0x1f0: {  	v5 =	vld [tilespmem:$0x1FBD0];
	_ =	sdelay $0x5  }
0x1f1: {  	v2 =	vadd.f32 v39, v41;
	_ =	sdelay $0x1  }
0x1f2: {  	v2 =	vadd.f32 v18, v2;
	v18 =	vld.idx.msk [tilespmem:v5+s16+$0x0], $0xffff  }
0x1f3: {  	v5 =	vld [tilespmem:$0x1FBF0];
	_ =	sdelay $0x4  }
0x1f4: {  	v21 =	vmul.f32 v21, v30;
	v4 =	vadd.f32 v44, v42;
	_ =	sdelay $0x1  }
0x1f5: {  	v4 =	vadd.f32 v21, v4  }
0x1f6: {  	v21 =	vadd.f32 v33, v12;
	v12 =	vadd.f32 v55, v19;
	v19 =	vld.idx.msk [tilespmem:v5+s16+$0x0], $0xffff  }
0x1f7: {  	v5 =	vld [tilespmem:$0x1FB30];
	_ =	sdelay $0x3  }
0x1f8: {  	v22 =	vld.idx.msk [tilespmem:v8+s16+$0x0], $0xffff  }
0x1f9: {  	v8 =	vadd.f32 v9, v2;
	v9 =	vadd.f32 v5, v32;
	v5 =	vld [tilespmem:$0x1FB40];
	_ =	sdelay $0x4  }
0x1fa: {  	v23 =	vadd.f32 v5, v23;
	v5 =	vld [tilespmem:$0x1FB50];
	_ =	sdelay $0x3  }
0x1fb: {  	v7 =	vadd.f32 v51, v4;
	v4 =	vld [tilespmem:$0x1FB20]  }
0x1fc: {  	v24 =	vadd.f32 v5, v24;
	v5 =	vld.idx.msk [tilespmem:v0+s16+$0x0], $0xffff  }
0x1fd: {  	v0 =	vld [tilespmem:$0x1FC30];
	_ =	sdelay $0x3  }
0x1fe: {  	v16 =	vmul.f32 v16, v26;
	v4 =	vadd.f32 v4, v11;
	_ =	sdelay $0x1  }
0x1ff: {  	v14 =	vmul.f32 v14, v30;
	v4 =	vadd.f32 v16, v4  }
0x200: {  	v17 =	vmul.f32 v17, v26;
	v2 =	vld [tilespmem:$0x1FC00]  }
0x201: {  	v22 =	vmul.f32 v22, v26;
	v11 =	vmul.f32 v15, v26;
	v4 =	vadd.f32 v14, v4;
	v14 =	vld.idx.msk [tilespmem:v0+s16+$0x0], $0xffff  }
0x202: {  	v16 =	vmul.f32 v20, v30;
	v9 =	vadd.f32 v17, v9;
	v0 =	vld [tilespmem:$0x1FC40]  }
0x203: {  	v6 =	vld.idx.msk [tilespmem:v6+s16+$0x0], $0xffff;
	v18 =	vmul.f32 v18, v30;
	v11 =	vadd.f32 v11, v23;
	v17 =	vadd.f32 v22, v24;
	_ =	sdelay $0x1  }
0x204: {  	v11 =	vadd.f32 v16, v11;
	v16 =	vadd.f32 v18, v17  }
0x205: {  	v15 =	vld.idx.msk [tilespmem:v60+s16+$0x0], $0xffff  }
0x206: {  	v3 =	vadd.f32 v3, v16;
	v16 =	vld [tilespmem:$0x1FB60]  }
0x207: {  	v6 =	vmul.f32 v6, v26;
	v2 =	vld.idx.msk [tilespmem:v2+s16+$0x0], $0xffff;
	v18 =	vadd.f32 v61, v27  }
0x208: {  	v13 =	vmul.f32 v13, v30  }
0x209: {  	v6 =	vadd.f32 v6, v18;
	v14 =	vmul.f32 v14, v30;
	v17 =	vld.idx.msk [tilespmem:v0+s16+$0x0], $0xffff;
	v0 =	vadd.f32 v36, v4  }
0x20a: {  	v4 =	vmul.f32 v5, v26;
	v5 =	vadd.f32 v48, v11;
	v11 =	vadd.f32 v46, v25;
	v25 =	vld [tilespmem:$0x1FE70]  }
0x20b: {  	v15 =	vmul.f32 v15, v26;
	v16 =	vadd.f32 v16, v29  }
0x20c: {  	v2 =	vmul.f32 v2, v30;
	v9 =	vadd.f32 v13, v9;
	v6 =	vadd.f32 v14, v6;
	v14 =	vld [tilespmem:$0x1FD40]  }
0x20d: {  	s11 =	smul.u32 $0x280, s23;
	v13 =	vmul.f32 v19, v30;
	v11 =	vadd.f32 v15, v11;
	v4 =	vadd.f32 v4, v16;
	_ =	sdelay $0x1  }
0x20e: {  	v11 =	vadd.f32 v13, v11;
	v2 =	vadd.f32 v2, v4;
	v13 =	vld [tilespmem:$0x1FE60];
	v4 =	vadd.s32 s11, v25  }
0x20f: {  	v4 =	vand.u32 $0x7F80, v4  }
0x210: {  	v4 =	vor.u32 v14, v4;
	v14 =	vld [tilespmem:$0x1FD50];
	_ =	sdelay $0x2  }
0x211: {  	v13 =	vadd.s32 s11, v13  }
0x212: {  	v13 =	vand.u32 $0x7F80, v13  }
0x213: {  	v13 =	vor.u32 v14, v13;
	v14 =	vld [tilespmem:$0x1FE80];
	_ =	sdelay $0x1  }
0x214: {  	v15 =	vmul.f32 v17, v30;
	v17 =	vld [tilespmem:$0x1FD60];
	_ =	sdelay $0x2  }
0x215: {  	v14 =	vadd.s32 s11, v14  }
0x216: {  	v18 =	vadd.s32 $0x4, v25;
	v14 =	vand.u32 $0x7F80, v14  }
0x217: {  	[tilespmem:$0x1F5B0] =	vst v18;
	v14 =	vor.u32 v17, v14;
	v17 =	vadd.s32 s11, v18;
	v18 =	vld [tilespmem:$0x1FD70]  }
0x218: {  	v10 =	vld.idx.msk [tilespmem:v10+s16+$0x0], $0xffff  }
0x219: {  	v19 =	vld [tilespmem:$0x1FB70];
	v16 =	vor.u32 $0x3, v25  }
0x21a: {  	[tilespmem:$0x1F5A0] =	vst v16;
	v16 =	vadd.s32 s11, v16  }
0x21b: {  	v16 =	vand.u32 $0x7F80, v16  }
0x21c: {  	v16 =	vor.u32 v18, v16;
	v18 =	vld [tilespmem:$0x1FD80];
	_ =	sdelay $0x1  }
0x21d: {  	v10 =	vmul.f32 v10, v26;
	v20 =	vld [tilespmem:$0x1FD90];
	v19 =	vadd.f32 v19, v28;
	_ =	sdelay $0x1  }
0x21e: {  	v10 =	vadd.f32 v10, v19;
	v19 =	vadd.s32 $0x5, v25;
	v17 =	vand.u32 $0x7F80, v17  }
0x21f: {  	v17 =	vor.u32 v18, v17;
	v18 =	vadd.s32 s11, v19  }
0x220: {  	v22 =	vadd.s32 $0x7, v25;
	v18 =	vand.u32 $0x7F80, v18  }
0x221: {  	[tilespmem:$0x1F5E0] =	vst v22;
	v18 =	vor.u32 v20, v18;
	v20 =	vadd.s32 s11, v22;
	v22 =	vld [tilespmem:$0x1FDA0];
	_ =	sdelay $0x1  }
0x222: {  	[tilespmem:$0x1F5C0] =	vst v19;
	v19 =	vadd.s32 $0x6, v25  }
0x223: {  	[tilespmem:$0x1F5D0] =	vst v19;
	v19 =	vadd.s32 s11, v19  }
0x224: {  	v1 =	vadd.f32 v1, v9;
	v9 =	vld [tilespmem:$0x1FB00];
	v19 =	vand.u32 $0x7F80, v19  }
0x225: {  	v19 =	vor.u32 v22, v19;
	v22 =	vld [tilespmem:$0x1FB10];
	_ =	sdelay $0x5  }
0x226: {  	s5 =	sshll.u32 s23, $0x5;
	v23 =	vld [tilespmem:$0x1FDB0]  }
0x227: {  	s5 =	sand.u32 $0x3FFFFFE0, s5;
	v9 =	vld.idx.msk [tilespmem:v9+s16+$0x0], $0xffff  }
0x228: {  	v22 =	vld.idx.msk [tilespmem:v22+s16+$0x0], $0xffff;
	[tilespmem:s5+$0x18C00] =	vst v63  }
0x229: {  	[tilespmem:v4+s31+$0x0] =	vst.idx.msk $0xffff, v56;
	v4 =	vld [tilespmem:$0x1FDC0];
	_ =	sdelay $0x1  }
0x22a: {  	v24 =	vadd.s32 $0x8, v25;
	v20 =	vand.u32 $0x7F80, v20  }
0x22b: {  	[tilespmem:$0x1F5F0] =	vst v24;
	v20 =	vor.u32 v23, v20;
	v23 =	vadd.s32 s11, v24;
	v24 =	vadd.s32 $0x9, v25  }
0x22c: {  	v26 =	vadd.s32 $0xA, v25;
	v23 =	vand.u32 $0x7F80, v23;
	[tilespmem:$0x1F600] =	vst v24;
	v24 =	vadd.s32 s11, v24  }
0x22d: {  	[tilespmem:$0x1F610] =	vst v26;
	v4 =	vor.u32 v4, v23;
	v23 =	vand.u32 $0x7F80, v24;
	v24 =	vadd.s32 s11, v26;
	v26 =	vld [tilespmem:$0x1FC20];
	_ =	sdelay $0x4  }
0x22e: {  	[tilespmem:v13+s31+$0x0] =	vst.idx.msk $0xffff, v26;
	v13 =	vld [tilespmem:$0x1FDD0]  }
0x22f: {  	v26 =	vld [tilespmem:$0x1FC60];
	_ =	sdelay $0x4  }
0x230: {  	v13 =	vor.u32 v13, v23;
	v23 =	vand.u32 $0x7F80, v24;
	v24 =	vadd.s32 $0xB, v25;
	[tilespmem:v14+s31+$0x0] =	vst.idx.msk $0xffff, v26  }
0x231: {  	v14 =	vld [tilespmem:$0x1FDE0];
	[tilespmem:$0x1F620] =	vst v24  }
0x232: {  	[tilespmem:v16+s31+$0x0] =	vst.idx.msk $0xffff, v45  }
0x233: {  	[tilespmem:v17+s31+$0x0] =	vst.idx.msk $0xffff, v34  }
0x234: {  	v17 =	vld [tilespmem:$0x1FDF0];
	[tilespmem:v18+s31+$0x0] =	vst.idx.msk $0xffff, v38  }
0x235: {  	v18 =	vld [tilespmem:$0x1FE00];
	[tilespmem:v19+s31+$0x0] =	vst.idx.msk $0xffff, v35  }
0x236: {  	v19 =	vld [tilespmem:$0x1FE10];
	v14 =	vor.u32 v14, v23;
	v23 =	vadd.s32 s11, v24;
	v24 =	vadd.s32 $0xC, v25;
	[tilespmem:v20+s31+$0x0] =	vst.idx.msk $0xffff, v31  }
0x237: {  	[tilespmem:$0x1F630] =	vst v24  }
0x238: {  	v16 =	vand.u32 $0x7F80, v23;
	v23 =	vadd.s32 s11, v24;
	v24 =	vadd.s32 $0xD, v25;
	[tilespmem:v4+s31+$0x0] =	vst.idx.msk $0xffff, v21;
	v4 =	vld [tilespmem:$0x1FE20]  }
0x239: {  	v16 =	vor.u32 v17, v16;
	v17 =	vand.u32 $0x7F80, v23;
	v23 =	vadd.s32 s11, v24  }
0x23a: {  	v17 =	vor.u32 v18, v17;
	v18 =	vand.u32 $0x7F80, v23;
	v23 =	vadd.s32 $0xE, v25  }
0x23b: {  	[tilespmem:v13+s31+$0x0] =	vst.idx.msk $0xffff, v12;
	v18 =	vor.u32 v19, v18;
	v19 =	vadd.s32 s11, v23  }
0x23c: {  	[tilespmem:$0x1F650] =	vst v23;
	v23 =	vadd.s32 $0xF, v25;
	v19 =	vand.u32 $0x7F80, v19  }
0x23d: {  	v12 =	vld [tilespmem:$0x1FE30];
	[tilespmem:$0x1F660] =	vst v23;
	v4 =	vor.u32 v4, v19  }
0x23e: {  	[tilespmem:v14+s31+$0x0] =	vst.idx.msk $0xffff, v8;
	v8 =	vld [tilespmem:$0x1FE40]  }
0x23f: {  	[tilespmem:v16+s31+$0x0] =	vst.idx.msk $0xffff, v7  }
0x240: {  	v20 =	vadd.s32 s11, v23;
	v23 =	vadd.s32 $0x10, v25;
	[tilespmem:v17+s31+$0x0] =	vst.idx.msk $0xffff, v0;
	v0 =	vld [tilespmem:$0x1FE50]  }
0x241: {  	v19 =	vand.u32 $0x7F80, v20;
	v20 =	vadd.s32 s11, v23;
	[tilespmem:v18+s31+$0x0] =	vst.idx.msk $0xffff, v1;
	v1 =	vld [tilespmem:$0x1FE90]  }
0x242: {  	v12 =	vor.u32 v12, v19;
	v13 =	vand.u32 $0x7F80, v20;
	v19 =	vadd.s32 $0x11, v25;
	[tilespmem:v4+s31+$0x0] =	vst.idx.msk $0xffff, v5;
	v4 =	vld [tilespmem:$0x1FEA0]  }
0x243: {  	v14 =	vadd.s32 $0x12, v25;
	v8 =	vor.u32 v8, v13;
	v13 =	vadd.s32 s11, v19  }
0x244: {  	[tilespmem:$0x1F690] =	vst v14;
	v7 =	vand.u32 $0x7F80, v13;
	v13 =	vadd.s32 s11, v14;
	v14 =	vadd.s32 $0x13, v25  }
0x245: {  	v0 =	vor.u32 v0, v7;
	v7 =	vand.u32 $0x7F80, v13;
	v13 =	vadd.s32 s11, v14  }
0x246: {  	v9 =	vmul.f32 v9, v62;
	v1 =	vor.u32 v1, v7;
	v7 =	vand.u32 $0x7F80, v13  }
0x247: {  	v11 =	vadd.f32 v49, v11;
	v2 =	vadd.f32 v58, v2;
	v4 =	vor.u32 v4, v7  }
0x248: {  	v10 =	vadd.f32 v15, v10;
	v5 =	vmul.f32 v22, v62;
	[tilespmem:v12+s31+$0x0] =	vst.idx.msk $0xffff, v3  }
0x249: {  	v3 =	vadd.f32 v9, v6;
	[tilespmem:v8+s31+$0x0] =	vst.idx.msk $0xffff, v11  }
0x24a: {  	p0 =	seq.s32 s23, $0xF;
	v5 =	vadd.f32 v5, v10;
	[tilespmem:v0+s31+$0x0] =	vst.idx.msk $0xffff, v2  }
0x24b: {  	s3 =	sadd.s32 @!p0 $0x2, s3;
	s12 =	simm.s32 @!p0 $0x2C00;
	[tilespmem:v1+s31+$0x0] =	vst.idx.msk $0xffff, v3  }
0x24c: {  	s5 =	sshll.u32 @!p0 s3, $0x4;
	s3 =	smul.u32 @!p0 $0x500, s3;
	s11 =	simm.s32 @!p0 $0x10;
	[tilespmem:v4+s31+$0x0] =	vst.idx.msk $0xffff, v5  }
0x24d: {  	[tilespmem:s12], [sflag:$0x1] =	stream.indirect.gather @!p0 [hbm4b:s0+s11], $0x80, s5, s11, $0xb8;
	[tilespmem:$0x1B600] =	vst v63  }
0x24e: {  	s3 =	sshra.s32 @!p0 s3, $0x2;
	[tilespmem:$0x1F640] =	vst v24;
	s5 =	sadd.s32 @!p0 $0x200, s5;
	s12 =	simm.s32 @!p0 $0x3400  }
0x24f: {  	[tilespmem:s12], [sflag:$0x1] =	stream.indirect.gather @!p0 [hbm4b:s1+s11], $0x80, s5, s11, $0xb8;
	[tilespmem:$0x1B600] =	vst v63  }
0x250: {  	[tilespmem:$0x1F670] =	vst v23;
	s5 =	sadd.s32 @!p0 $0x400, s3;
	s11 =	simm.s32 @!p0 $0x80;
	s12 =	simm.s32 @!p0 $0x3C00  }
0x251: {  	[tilespmem:s12], [sflag:$0x1] =	stream.indirect.gather @!p0 [hbm4b:s1+s11], $0x80, s5, s11, $0xb8;
	[tilespmem:$0x1B600] =	vst v63  }
0x252: {  	[tilespmem:$0x1F680] =	vst v19;
	s5 =	sadd.s32 @!p0 $0x480, s3;
	s12 =	simm.s32 @!p0 $0x7C00  }
0x253: {  	[tilespmem:s12], [sflag:$0x1] =	stream.indirect.gather @!p0 [hbm4b:s1+s11], $0x80, s5, s11, $0xb8;
	[tilespmem:$0x1B600] =	vst v63  }
0x254: {  	[tilespmem:$0x1F6A0] =	vst v14;
	s3 =	sadd.s32 @!p0 $0x500, s3;
	s5 =	simm.s32 @!p0 $0x40;
	s11 =	simm.s32 @!p0 $0xBC00  }
0x255: {  	[tilespmem:s11], [sflag:$0x1] =	stream.indirect.gather @!p0 [hbm4b:s1+s5], $0x80, s3, s5, $0xb8;
	[tilespmem:$0x1B600] =	vst v63  }
0x256: {  	_ =	swait.ge [sflag:s2], $0x800  }
0x257: {  	[sflag:s2] =	ssyncset.done $0x0  }
0x258: {  	[sflag:s2] =	ssyncadd.s32 $0xFFFFF800  }
0x259: {  	_ =	swait.ge [sflag:s2], $0x800  }
0x25a: {  	[sflag:s2] =	ssyncset.done $0x0  }
0x25b: {  	[sflag:s2] =	ssyncadd.s32 $0xFFFFF800  }
0x25c: {  	_ =	swait.ge [sflag:s2], $0x4000  }
0x25d: {  	[sflag:s2] =	ssyncset.done $0x0  }
0x25e: {  	[sflag:s2] =	ssyncadd.s32 $0xFFFFC000  }
0x25f: {  	_ =	swait.ge [sflag:s2], $0x4000  }
0x260: {  	[sflag:s2] =	ssyncset.done $0x0  }
0x261: {  	[sflag:s2] =	ssyncadd.s32 $0xFFFFC000  }
0x262: {  	v26 =	vld [tilespmem:$0x1FFC0];
	_ =	swait.ge [sflag:s2], $0x2000  }
0x263: {  	v36 =	vld [tilespmem:$0x1FFD0]  }
0x264: {  	v27 =	vld [tilespmem:$0x1FEB0]  }
0x265: {  	v31 =	vld [tilespmem:$0x1FEC0]  }
0x266: {  	v33 =	vld [tilespmem:$0x1FED0]  }
0x267: {  	v50 =	vld [tilespmem:$0x1FEE0]  }
0x268: {  	v51 =	vld [tilespmem:$0x1FEF0]  }
0x269: {  	v52 =	vld [tilespmem:$0x1FF10]  }
0x26a: {  	v53 =	vld [tilespmem:$0x1FF20]  }
0x26b: {  	v55 =	vld [tilespmem:$0x1FF30]  }
0x26c: {  	v57 =	vld [tilespmem:$0x1FF50]  }
0x26d: {  	v58 =	vld [tilespmem:$0x1FF60]  }
0x26e: {  	v59 =	vld [tilespmem:$0x1FF70]  }
0x26f: {  	v22 =	vlaneseq.u32;
	s12 =	simm.s32 $0x0;
	v40 =	vld [tilespmem:$0x1FF80]  }
0x270: {  	v0 =	vadd.s32 s12, v22;
	v61 =	vld [tilespmem:$0x1FF90]  }
0x271: {  	v1 =	vand.u32 $0x3F, v0;
	v62 =	vld [tilespmem:$0x1FFA0]  }
0x272: {  	v39 =	vld [tilespmem:$0x1FFB0];
	v0 =	vor.u32 v26, v1  }
0x273: {  	v56 =	vld [tilespmem:$0x1FF40]  }
0x274: {  	v60 =	vld [tilespmem:$0x1FFE0];
	v2 =	vor.u32 v36, v1  }
0x275: {  	[sflag:s2] =	ssyncset.done $0x0;
	v45 =	vld [tilespmem:$0x1FF00];
	v3 =	vor.u32 v27, v1  }
0x276: {  	v54 =	vld [tilespmem:$0x1FFF0];
	[sflag:s2] =	ssyncadd.s32 $0xFFFFE000;
	v4 =	vor.u32 v31, v1  }
0x277: {  	v6 =	vor.u32 v33, v1;
	v5 =	vld.idx.msk [tilespmem:v0+s24+$0x0], $0xffff  }
0x278: {  	v9 =	vor.u32 v52, v1;
	v7 =	vld.idx.msk [tilespmem:v0+s25+$0x0], $0xffff  }
0x279: {  	v10 =	vor.u32 v53, v1;
	v8 =	vld.idx.msk [tilespmem:v2+s26+$0x0], $0xffff  }
0x27a: {  	v11 =	vor.u32 v55, v1;
	v29 =	vld.idx.msk [tilespmem:v3+s26+$0x0], $0xffff  }
0x27b: {  	v0 =	vor.u32 v50, v1;
	v4 =	vld.idx.msk [tilespmem:v4+s26+$0x0], $0xffff  }
0x27c: {  	v14 =	vor.u32 v59, v1;
	v6 =	vld.idx.msk [tilespmem:v6+s26+$0x0], $0xffff  }
0x27d: {  	v2 =	vor.u32 v51, v1;
	v9 =	vld.idx.msk [tilespmem:v9+s26+$0x0], $0xffff  }
0x27e: {  	v15 =	vor.u32 v40, v1;
	v10 =	vld.idx.msk [tilespmem:v10+s26+$0x0], $0xffff  }
0x27f: {  	v16 =	vor.u32 v61, v1;
	v11 =	vld.idx.msk [tilespmem:v11+s26+$0x0], $0xffff  }
0x280: {  	v12 =	vld.idx.msk [tilespmem:v0+s26+$0x0], $0xffff;
	v0 =	vor.u32 v57, v1  }
0x281: {  	v19 =	vor.u32 v39, v1;
	v14 =	vld.idx.msk [tilespmem:v14+s26+$0x0], $0xffff  }
0x282: {  	v13 =	vld.idx.msk [tilespmem:v2+s26+$0x0], $0xffff;
	v2 =	vor.u32 v58, v1  }
0x283: {  	v20 =	vor.u32 v56, v1;
	v15 =	vld.idx.msk [tilespmem:v15+s26+$0x0], $0xffff  }
0x284: {  	v21 =	vor.u32 v60, v1;
	v16 =	vld.idx.msk [tilespmem:v16+s26+$0x0], $0xffff  }
0x285: {  	v17 =	vld.idx.msk [tilespmem:v0+s26+$0x0], $0xffff;
	v0 =	vor.u32 v62, v1  }
0x286: {  	s5 =	simm.s32 $0x1;
	v24 =	vor.u32 v45, v1;
	v19 =	vld.idx.msk [tilespmem:v19+s26+$0x0], $0xffff;
	v7 =	vmul.f32 v7, v5  }
0x287: {  	v3 =	vimm.f32 $0.0e+00;
	v18 =	vld.idx.msk [tilespmem:v2+s26+$0x0], $0xffff;
	v2 =	vadd.s32 s5, v22  }
0x288: {  	s12 =	simm.s32 $0x2;
	s11 =	simm.s32 $0x3;
	v20 =	vld.idx.msk [tilespmem:v20+s26+$0x0], $0xffff;
	v7 =	vadd.f32 v7, v3;
	v48 =	vand.u32 $0x3F, v2  }
0x289: {  	v21 =	vld.idx.msk [tilespmem:v21+s26+$0x0], $0xffff;
	v2 =	vadd.s32 s11, v22;
	v22 =	vadd.s32 s12, v22;
	v23 =	vor.u32 v26, v48  }
0x28a: {  	v14 =	vmul.f32 v14, v5;
	v25 =	vld.idx.msk [tilespmem:v0+s26+$0x0], $0xffff;
	v0 =	vand.u32 $0x3F, v2;
	v2 =	vand.u32 $0x3F, v22  }
0x28b: {  	v24 =	vld.idx.msk [tilespmem:v24+s26+$0x0], $0xffff;
	v22 =	vor.u32 v54, v1;
	v1 =	vor.u32 v26, v0;
	v26 =	vor.u32 v26, v2  }
0x28c: {  	v42 =	vmul.f32 v8, v5;
	v44 =	vmul.f32 v29, v5;
	[tilespmem:$0x1F790] =	vst v14;
	v30 =	vor.u32 v53, v0  }
0x28d: {  	v4 =	vmul.f32 v4, v5;
	v16 =	vmul.f32 v16, v5;
	[tilespmem:$0x1F740] =	vst v30;
	v30 =	vor.u32 v55, v0  }
0x28e: {  	v6 =	vmul.f32 v6, v5;
	v10 =	vmul.f32 v10, v5;
	[tilespmem:$0x1F750] =	vst v30;
	v30 =	vld.idx.msk [tilespmem:v23+s24+$0x0], $0xffff  }
0x28f: {  	v12 =	vmul.f32 v12, v5;
	v14 =	vmul.f32 v15, v5;
	[tilespmem:$0x1F6C0] =	vst v16;
	v8 =	vld.idx.msk [tilespmem:v23+s25+$0x0], $0xffff  }
0x290: {  	v47 =	vor.u32 v36, v0;
	v37 =	vor.u32 v36, v2;
	v36 =	vor.u32 v36, v48;
	v29 =	vld.idx.msk [tilespmem:v26+s24+$0x0], $0xffff  }
0x291: {  	v4 =	vadd.f32 v4, v3;
	v13 =	vmul.f32 v13, v5;
	v38 =	vor.u32 v27, v48;
	v26 =	vld.idx.msk [tilespmem:v26+s25+$0x0], $0xffff  }
0x292: {  	v28 =	vor.u32 v27, v0;
	v23 =	vor.u32 v27, v2;
	v27 =	vmul.f32 v9, v5;
	v22 =	vld.idx.msk [tilespmem:v22+s26+$0x0], $0xffff  }
0x293: {  	v6 =	vadd.f32 v6, v3;
	v9 =	vmul.f32 v11, v5;
	v16 =	vmul.f32 v25, v5;
	v63 =	vld.idx.msk [tilespmem:v1+s24+$0x0], $0xffff  }
0x294: {  	[tilespmem:$0x1F6B0] =	vst v14;
	v11 =	vld.idx.msk [tilespmem:v1+s25+$0x0], $0xffff;
	v1 =	vmul.f32 v17, v5;
	v17 =	vmul.f32 v8, v30  }
0x295: {  	v43 =	vor.u32 v31, v48;
	v46 =	vor.u32 v33, v48;
	v14 =	vld.idx.msk [tilespmem:v36+s26+$0x0], $0xffff;
	[tilespmem:$0x1F6D0] =	vst v16  }
0x296: {  	v16 =	vld.idx.msk [tilespmem:v38+s26+$0x0], $0xffff;
	v8 =	vmul.f32 v18, v5;
	v15 =	vmul.f32 v26, v29;
	v7 =	vadd.f32 v17, v7  }
0x297: {  	v32 =	vor.u32 v31, v0;
	v18 =	vmul.f32 v19, v5;
	v19 =	vmul.f32 v21, v5;
	v21 =	vld.idx.msk [tilespmem:v23+s26+$0x0], $0xffff  }
0x298: {  	v49 =	vor.u32 v33, v0;
	v23 =	vld.idx.msk [tilespmem:v47+s26+$0x0], $0xffff;
	v7 =	vadd.f32 v15, v7;
	v15 =	vor.u32 v33, v2  }
0x299: {  	v17 =	vor.u32 v31, v2;
	[tilespmem:$0x1F6E0] =	vst v18;
	v18 =	vmul.f32 v20, v5;
	v20 =	vmul.f32 v24, v5  }
0x29a: {  	v35 =	vor.u32 v51, v0;
	v11 =	vmul.f32 v11, v63;
	[tilespmem:$0x1F700] =	vst v19;
	v19 =	vld.idx.msk [tilespmem:v37+s26+$0x0], $0xffff  }
0x29b: {  	v5 =	vmul.f32 v22, v5;
	v16 =	vmul.f32 v16, v30;
	[tilespmem:$0x1F710] =	vst v20;
	v20 =	vld.idx.msk [tilespmem:v46+s26+$0x0], $0xffff  }
0x29c: {  	v22 =	vadd.f32 v44, v3;
	[tilespmem:$0x1F6F0] =	vst v18;
	v18 =	vld.idx.msk [tilespmem:v43+s26+$0x0], $0xffff;
	v7 =	vadd.f32 v11, v7  }
0x29d: {  	v14 =	vmul.f32 v14, v30;
	[tilespmem:$0x1F720] =	vst v5;
	v5 =	vor.u32 v57, v0;
	v15 =	vld.idx.msk [tilespmem:v15+s26+$0x0], $0xffff  }
0x29e: {  	v16 =	vadd.f32 v16, v22;
	v17 =	vld.idx.msk [tilespmem:v17+s26+$0x0], $0xffff;
	[tilespmem:$0x1F730] =	vst v7;
	v7 =	vadd.f32 v42, v3  }
0x29f: {  	v26 =	vld.idx.msk [tilespmem:v49+s26+$0x0], $0xffff;
	v22 =	vor.u32 v51, v48;
	v21 =	vmul.f32 v21, v29;
	v23 =	vmul.f32 v23, v63  }
0x2a0: {  	v19 =	vmul.f32 v19, v29;
	v20 =	vmul.f32 v20, v30;
	v7 =	vadd.f32 v14, v7  }
0x2a1: {  	v16 =	vadd.f32 v21, v16;
	v21 =	vor.u32 v50, v2;
	v18 =	vmul.f32 v18, v30  }
0x2a2: {  	v25 =	vld.idx.msk [tilespmem:v32+s26+$0x0], $0xffff;
	v6 =	vadd.f32 v20, v6;
	v7 =	vadd.f32 v19, v7;
	v15 =	vmul.f32 v15, v29  }
0x2a3: {  	v24 =	vld.idx.msk [tilespmem:v28+s26+$0x0], $0xffff;
	v14 =	vor.u32 v50, v48;
	v4 =	vadd.f32 v18, v4;
	v17 =	vmul.f32 v17, v29  }
0x2a4: {  	v28 =	vld.idx.msk [tilespmem:v35+s26+$0x0], $0xffff;
	v43 =	vadd.f32 v23, v7;
	v23 =	vmul.f32 v26, v63;
	v6 =	vadd.f32 v15, v6  }
0x2a5: {  	v10 =	vadd.f32 v10, v3;
	v12 =	vadd.f32 v12, v3;
	v22 =	vld.idx.msk [tilespmem:v22+s26+$0x0], $0xffff;
	v20 =	vor.u32 v52, v48  }
0x2a6: {  	v19 =	vor.u32 v53, v48;
	v21 =	vld.idx.msk [tilespmem:v21+s26+$0x0], $0xffff;
	v4 =	vadd.f32 v17, v4;
	v44 =	vadd.f32 v23, v6  }
0x2a7: {  	v17 =	vor.u32 v51, v2;
	v6 =	vadd.f32 v13, v3;
	v23 =	vadd.f32 v27, v3;
	v3 =	vld [tilespmem:$0x1F740]  }
0x2a8: {  	v7 =	vor.u32 v53, v2;
	v53 =	vld.idx.msk [tilespmem:v5+s26+$0x0], $0xffff;
	v15 =	vor.u32 v52, v2  }
0x2a9: {  	v41 =	vor.u32 v52, v0;
	v14 =	vld.idx.msk [tilespmem:v14+s26+$0x0], $0xffff  }
0x2aa: {  	v34 =	vor.u32 v50, v0;
	v20 =	vld.idx.msk [tilespmem:v20+s26+$0x0], $0xffff  }
0x2ab: {  	v32 =	vimm.f32 $0.0e+00;
	v25 =	vmul.f32 v25, v63;
	v24 =	vmul.f32 v24, v63;
	v19 =	vld.idx.msk [tilespmem:v19+s26+$0x0], $0xffff  }
0x2ac: {  	v31 =	vimm.f32 $0.0e+00;
	v33 =	vimm.f32 $0.0e+00;
	v22 =	vmul.f32 v22, v30;
	v17 =	vld.idx.msk [tilespmem:v17+s26+$0x0], $0xffff  }
0x2ad: {  	v11 =	vor.u32 v58, v0;
	v36 =	vadd.f32 v24, v16;
	v24 =	vor.u32 v55, v48;
	v15 =	vld.idx.msk [tilespmem:v15+s26+$0x0], $0xffff  }
0x2ae: {  	v16 =	vor.u32 v40, v0;
	v18 =	vor.u32 v59, v0;
	v6 =	vadd.f32 v22, v6;
	v22 =	vld.idx.msk [tilespmem:v41+s26+$0x0], $0xffff  }
0x2af: {  	v42 =	vadd.f32 v25, v4;
	v4 =	vor.u32 v61, v0;
	v21 =	vmul.f32 v21, v29;
	v25 =	vld.idx.msk [tilespmem:v3+s26+$0x0], $0xffff  }
0x2b0: {  	v13 =	vor.u32 v62, v0;
	v52 =	vmul.f32 v53, v63;
	v14 =	vmul.f32 v14, v30;
	v3 =	vld [tilespmem:$0x1F750]  }
0x2b1: {  	v27 =	vor.u32 v39, v2;
	v7 =	vld.idx.msk [tilespmem:v7+s26+$0x0], $0xffff;
	v20 =	vmul.f32 v20, v30;
	v19 =	vmul.f32 v19, v30  }
0x2b2: {  	v12 =	vadd.f32 v14, v12;
	v14 =	vor.u32 v39, v0;
	v5 =	vmul.f32 v15, v29;
	v15 =	vld.idx.msk [tilespmem:v24+s26+$0x0], $0xffff  }
0x2b3: {  	v34 =	vld.idx.msk [tilespmem:v34+s26+$0x0], $0xffff;
	v20 =	vadd.f32 v20, v23;
	v23 =	vor.u32 v57, v48;
	v10 =	vadd.f32 v19, v10  }
0x2b4: {  	v11 =	vld.idx.msk [tilespmem:v11+s26+$0x0], $0xffff;
	v17 =	vmul.f32 v17, v29;
	v12 =	vadd.f32 v21, v12;
	v21 =	vor.u32 v60, v0  }
0x2b5: {  	v19 =	vor.u32 v56, v0;
	v24 =	vld.idx.msk [tilespmem:v18+s26+$0x0], $0xffff;
	v18 =	vmul.f32 v22, v63;
	v5 =	vadd.f32 v5, v20  }
0x2b6: {  	v13 =	vld.idx.msk [tilespmem:v13+s26+$0x0], $0xffff;
	v7 =	vmul.f32 v7, v29;
	v6 =	vadd.f32 v17, v6;
	v17 =	vmul.f32 v28, v63  }
0x2b7: {  	v37 =	vadd.f32 v18, v5;
	v5 =	vld.idx.msk [tilespmem:v4+s26+$0x0], $0xffff;
	v4 =	vmul.f32 v15, v30;
	v15 =	vor.u32 v58, v48  }
0x2b8: {  	v7 =	vadd.f32 v7, v10;
	v10 =	vor.u32 v57, v2;
	v22 =	vor.u32 v59, v2;
	v26 =	vld.idx.msk [tilespmem:v3+s26+$0x0], $0xffff  }
0x2b9: {  	v20 =	vor.u32 v55, v2;
	v21 =	vld.idx.msk [tilespmem:v21+s26+$0x0], $0xffff;
	v3 =	vor.u32 v45, v0;
	v0 =	vor.u32 v54, v0  }
0x2ba: {  	v28 =	vimm.f32 $0.0e+00;
	v57 =	vor.u32 v54, v2;
	v23 =	vld.idx.msk [tilespmem:v23+s26+$0x0], $0xffff;
	[tilespmem:$0x1F770] =	vst v0;
	v0 =	vmul.f32 v34, v63  }
0x2bb: {  	v50 =	vimm.f32 $0.0e+00;
	v14 =	vld.idx.msk [tilespmem:v14+s26+$0x0], $0xffff;
	v1 =	vadd.f32 v1, v28;
	v47 =	vadd.f32 v17, v6;
	[tilespmem:$0x1F760] =	vst v3  }
0x2bc: {  	v3 =	vadd.f32 v9, v28;
	v55 =	vld.idx.msk [tilespmem:v15+s26+$0x0], $0xffff;
	v46 =	vadd.f32 v0, v12;
	v12 =	vor.u32 v58, v2  }
0x2bd: {  	v0 =	vld.idx.msk [tilespmem:v16+s26+$0x0], $0xffff;
	v16 =	vmul.f32 v25, v63;
	v34 =	vmul.f32 v26, v63;
	v26 =	vor.u32 v61, v2  }
0x2be: {  	v41 =	vmul.f32 v21, v63;
	v17 =	vadd.f32 v4, v3;
	v4 =	vmul.f32 v11, v63;
	v11 =	vld.idx.msk [tilespmem:v20+s26+$0x0], $0xffff  }
0x2bf: {  	v38 =	vadd.f32 v16, v7;
	v7 =	vmul.f32 v23, v30;
	v16 =	vld.idx.msk [tilespmem:v19+s26+$0x0], $0xffff;
	v19 =	vor.u32 v59, v48  }
0x2c0: {  	v25 =	vor.u32 v40, v2;
	v58 =	vor.u32 v45, v2;
	v23 =	vld.idx.msk [tilespmem:v10+s26+$0x0], $0xffff;
	v59 =	vor.u32 v56, v2  }
0x2c1: {  	v18 =	vadd.f32 v7, v1;
	v7 =	vor.u32 v60, v2;
	v1 =	vor.u32 v62, v48;
	v21 =	vld.idx.msk [tilespmem:v12+s26+$0x0], $0xffff  }
0x2c2: {  	v53 =	vmul.f32 v0, v63;
	v0 =	vor.u32 v62, v2;
	v2 =	vmul.f32 v13, v63;
	v13 =	vld.idx.msk [tilespmem:v26+s26+$0x0], $0xffff  }
0x2c3: {  	v6 =	vor.u32 v39, v48;
	[tilespmem:$0x1F780] =	vst v0;
	v0 =	vor.u32 v40, v48;
	v26 =	vadd.f32 v8, v28;
	v8 =	vld [tilespmem:$0x1F790]  }
0x2c4: {  	v51 =	vmul.f32 v24, v63;
	v49 =	vmul.f32 v5, v63;
	v5 =	vor.u32 v61, v48;
	v19 =	vld.idx.msk [tilespmem:v19+s26+$0x0], $0xffff  }
0x2c5: {  	v24 =	vld.idx.msk [tilespmem:v22+s26+$0x0], $0xffff;
	v15 =	vor.u32 v54, v48;
	v3 =	vmul.f32 v14, v63;
	v14 =	vor.u32 v45, v48  }
0x2c6: {  	v45 =	vimm.f32 $0.0e+00;
	v10 =	vor.u32 v56, v48;
	v20 =	vmul.f32 v11, v29;
	v11 =	vld.idx.msk [tilespmem:v25+s26+$0x0], $0xffff  }
0x2c7: {  	v12 =	vor.u32 v60, v48;
	v25 =	vmul.f32 v55, v30;
	v55 =	vimm.f32 $0.0e+00;
	v9 =	vld.idx.msk [tilespmem:v1+s26+$0x0], $0xffff  }
0x2c8: {  	v35 =	vmul.f32 v16, v63;
	v23 =	vmul.f32 v23, v29;
	v39 =	vadd.f32 v8, v28;
	v8 =	vld.idx.msk [tilespmem:v0+s26+$0x0], $0xffff  }
0x2c9: {  	s23 =	sadd.s32 $0x1, s23;
	s3 =	simm.s32 $0x4;
	v48 =	vimm.f32 $0.0e+00;
	v21 =	vmul.f32 v21, v29;
	v40 =	vmul.f32 v19, v30;
	v19 =	vld.idx.msk [tilespmem:v5+s26+$0x0], $0xffff  }
.LBB2_5:
0x2ca: {  	v22 =	vadd.f32 v25, v26  }
0x2cb: {  	v25 =	vadd.f32 v40, v39  }
0x2cc: {  	v24 =	vmul.f32 v24, v29;
	v17 =	vadd.f32 v20, v17;
	v20 =	vadd.f32 v21, v22  }
0x2cd: {  	v0 =	vld [tilespmem:$0x1F780]  }
0x2ce: {  	v21 =	vadd.f32 v24, v25;
	v4 =	vadd.f32 v4, v20  }
0x2cf: {  	v16 =	vld.idx.msk [tilespmem:v6+s26+$0x0], $0xffff  }
0x2d0: {  	v5 =	vadd.f32 v34, v17;
	v17 =	vld [tilespmem:$0x1F6D0];
	[tilespmem:$0x1F550] =	vst v4;
	v4 =	vadd.f32 v51, v21  }
0x2d1: {  	v6 =	vld.idx.msk [tilespmem:v7+s26+$0x0], $0xffff  }
0x2d2: {  	v18 =	vadd.f32 v23, v18;
	[tilespmem:$0x1F570] =	vst v4;
	v4 =	vld [tilespmem:$0x1F6B0]  }
0x2d3: {  	v7 =	vld [tilespmem:$0x1F6C0]  }
0x2d4: {  	[tilespmem:$0x1F510] =	vst v5;
	v5 =	vadd.f32 v52, v18;
	v18 =	vld [tilespmem:$0x1F6E0]  }
0x2d5: {  	v1 =	vld.idx.msk [tilespmem:v0+s26+$0x0], $0xffff;
	_ =	sdelay $0x1  }
0x2d6: {  	v11 =	vmul.f32 v11, v29;
	v8 =	vmul.f32 v8, v30;
	v22 =	vld.idx.msk [tilespmem:v27+s26+$0x0], $0xffff;
	v4 =	vadd.f32 v4, v28  }
0x2d7: {  	v9 =	vmul.f32 v9, v30;
	v16 =	vmul.f32 v16, v30;
	v17 =	vadd.f32 v17, v31  }
0x2d8: {  	[tilespmem:$0x1F530] =	vst v5;
	v5 =	vmul.f32 v19, v30;
	v7 =	vadd.f32 v7, v33;
	v4 =	vadd.f32 v8, v4  }
0x2d9: {  	v10 =	vld.idx.msk [tilespmem:v10+s26+$0x0], $0xffff;
	v18 =	vadd.f32 v18, v32;
	v1 =	vmul.f32 v1, v29;
	v8 =	vadd.f32 v9, v17  }
0x2da: {  	v13 =	vmul.f32 v13, v29;
	v5 =	vadd.f32 v5, v7;
	v7 =	vld.idx.msk [tilespmem:v14+s26+$0x0], $0xffff;
	v4 =	vadd.f32 v11, v4  }
0x2db: {  	v14 =	vld.idx.msk [tilespmem:v15+s26+$0x0], $0xffff;
	v15 =	vmul.f32 v22, v29;
	v9 =	vadd.f32 v16, v18;
	v1 =	vadd.f32 v1, v8  }
0x2dc: {  	v12 =	vld.idx.msk [tilespmem:v12+s26+$0x0], $0xffff;
	v5 =	vadd.f32 v13, v5;
	v4 =	vadd.f32 v53, v4  }
0x2dd: {  	v0 =	vld.idx.msk [tilespmem:v59+s26+$0x0], $0xffff;
	v8 =	vadd.f32 v15, v9;
	v1 =	vadd.f32 v2, v1  }
0x2de: {  	v2 =	vld [tilespmem:$0x1F6F0];
	[tilespmem:$0x1F2F0] =	vst v4;
	v4 =	vadd.f32 v49, v5  }
0x2df: {  	[tilespmem:$0x1F490] =	vst v1;
	v1 =	vadd.f32 v3, v8;
	v3 =	vld [tilespmem:$0x1F700]  }
0x2e0: {  	[tilespmem:$0x1F590] =	vst v4;
	v4 =	vld [tilespmem:$0x1F760];
	_ =	sdelay $0x1  }
0x2e1: {  	[tilespmem:$0x1F500] =	vst v1;
	v1 =	vld [tilespmem:$0x1F770]  }
0x2e2: {  	v10 =	vmul.f32 v10, v30;
	v8 =	vld [tilespmem:$0x1F710];
	v2 =	vadd.f32 v2, v45  }
0x2e3: {  	v0 =	vmul.f32 v0, v29  }
0x2e4: {  	v5 =	vmul.f32 v12, v30;
	v12 =	vld [tilespmem:$0x1F720];
	v3 =	vadd.f32 v3, v55;
	v2 =	vadd.f32 v10, v2  }
0x2e5: {  	v11 =	vld.idx.msk [tilespmem:v58+s26+$0x0], $0xffff  }
0x2e6: {  	v6 =	vmul.f32 v6, v29;
	v9 =	vld.idx.msk [tilespmem:v57+s26+$0x0], $0xffff;
	v3 =	vadd.f32 v5, v3;
	v0 =	vadd.f32 v0, v2  }
0x2e7: {  	v8 =	vadd.f32 v8, v48;
	v4 =	vld.idx.msk [tilespmem:v4+s26+$0x0], $0xffff  }
0x2e8: {  	v7 =	vmul.f32 v7, v30;
	v55 =	vld [tilespmem:$0x1FEB0];
	v2 =	vadd.f32 v6, v3;
	v0 =	vadd.f32 v35, v0  }
0x2e9: {  	v20 =	vlaneseq.u32;
	v13 =	vmul.f32 v14, v30;
	v12 =	vadd.f32 v12, v50;
	v1 =	vld.idx.msk [tilespmem:v1+s26+$0x0], $0xffff  }
0x2ea: {  	v5 =	vmul.f32 v11, v29;
	v7 =	vadd.f32 v7, v8;
	[tilespmem:$0x1F3A0] =	vst v0;
	v0 =	vadd.f32 v41, v2  }
0x2eb: {  	v58 =	vld [tilespmem:$0x1FFD0];
	v9 =	vmul.f32 v9, v29;
	v8 =	vadd.f32 v13, v12;
	v6 =	vadd.s32 s3, v20  }
0x2ec: {  	[tilespmem:$0x1F370] =	vst v0;
	v0 =	vand.u32 $0x3F, v6;
	v3 =	vmul.f32 v4, v63;
	v4 =	vadd.f32 v5, v7  }
0x2ed: {  	v49 =	vld [tilespmem:$0x1FFC0];
	v6 =	vor.u32 v55, v0  }
0x2ee: {  	v5 =	vadd.f32 v9, v8;
	v1 =	vmul.f32 v1, v63;
	v2 =	vadd.f32 v3, v4;
	v3 =	vld [tilespmem:$0x1FEC0]  }
0x2ef: {  	v52 =	vld [tilespmem:$0x1FF10]  }
0x2f0: {  	v1 =	vadd.f32 v1, v5;
	v4 =	vor.u32 v58, v0;
	v5 =	vld [tilespmem:$0x1FED0]  }
0x2f1: {  	v16 =	vld [tilespmem:$0x1FF70]  }
0x2f2: {  	v14 =	vld [tilespmem:$0x1FF60];
	[tilespmem:$0x1F480] =	vst v1;
	v1 =	vor.u32 v49, v0  }
0x2f3: {  	v6 =	vld.idx.msk [tilespmem:v6+s26+$0x0], $0xffff;
	v7 =	vor.u32 v3, v0  }
0x2f4: {  	v10 =	vld [tilespmem:$0x1FEE0]  }
0x2f5: {  	v8 =	vor.u32 v5, v0;
	v35 =	vld.idx.msk [tilespmem:v4+s26+$0x0], $0xffff  }
0x2f6: {  	v4 =	vld [tilespmem:$0x1FEF0]  }
0x2f7: {  	v11 =	vor.u32 v52, v0;
	[tilespmem:$0x1F320] =	vst v2;
	v2 =	vld.idx.msk [tilespmem:v1+s24+$0x0], $0xffff  }
0x2f8: {  	[tilespmem:$0x1F220] =	vst v6;
	v6 =	vld.idx.msk [tilespmem:v7+s26+$0x0], $0xffff  }
0x2f9: {  	v61 =	vld.idx.msk [tilespmem:v1+s25+$0x0], $0xffff;
	v1 =	vor.u32 v10, v0  }
0x2fa: {  	v7 =	vld.idx.msk [tilespmem:v8+s26+$0x0], $0xffff  }
0x2fb: {  	v12 =	vld [tilespmem:$0x1FF50];
	v9 =	vor.u32 v4, v0  }
0x2fc: {  	v11 =	vld.idx.msk [tilespmem:v11+s26+$0x0], $0xffff  }
0x2fd: {  	[tilespmem:$0x1F230] =	vst v6;
	v6 =	vld [tilespmem:$0x1FF20]  }
0x2fe: {  	v1 =	vld.idx.msk [tilespmem:v1+s26+$0x0], $0xffff  }
0x2ff: {  	[tilespmem:$0x1F240] =	vst v7;
	v7 =	vld [tilespmem:$0x1FF30]  }
0x300: {  	v9 =	vld.idx.msk [tilespmem:v9+s26+$0x0], $0xffff  }
0x301: {  	v21 =	vld [tilespmem:$0x1FFB0];
	[tilespmem:$0x1F270] =	vst v11;
	v11 =	vor.u32 v16, v0  }
0x302: {  	v19 =	vld [tilespmem:$0x1FFA0];
	v13 =	vor.u32 v6, v0  }
0x303: {  	v22 =	vld [tilespmem:$0x1FF40];
	[tilespmem:$0x1F250] =	vst v1;
	v1 =	vor.u32 v12, v0  }
0x304: {  	v17 =	vld [tilespmem:$0x1FF80];
	v8 =	vor.u32 v7, v0  }
0x305: {  	v18 =	vld [tilespmem:$0x1FF90];
	[tilespmem:$0x1F260] =	vst v9;
	v9 =	vor.u32 v14, v0  }
0x306: {  	v11 =	vld.idx.msk [tilespmem:v11+s26+$0x0], $0xffff  }
0x307: {  	v13 =	vld.idx.msk [tilespmem:v13+s26+$0x0], $0xffff  }
0x308: {  	v1 =	vld.idx.msk [tilespmem:v1+s26+$0x0], $0xffff  }
0x309: {  	v8 =	vld.idx.msk [tilespmem:v8+s26+$0x0], $0xffff  }
0x30a: {  	v9 =	vld.idx.msk [tilespmem:v9+s26+$0x0], $0xffff  }
0x30b: {  	[tilespmem:$0x1F2C0] =	vst v11;
	v11 =	vor.u32 v22, v0  }
0x30c: {  	[tilespmem:$0x1F280] =	vst v13;
	v13 =	vor.u32 v17, v0  }
0x30d: {  	[tilespmem:$0x1F2A0] =	vst v1;
	v1 =	vor.u32 v19, v0  }
0x30e: {  	[tilespmem:$0x1F290] =	vst v8;
	v8 =	vor.u32 v18, v0  }
0x30f: {  	v25 =	vld [tilespmem:$0x1FF00];
	[tilespmem:$0x1F2B0] =	vst v9;
	v9 =	vor.u32 v21, v0  }
0x310: {  	s5 =	sadd.s32 $0x3, s3;
	[tilespmem:$0x1F440] =	vst v37;
	v37 =	vld.idx.msk [tilespmem:v11+s26+$0x0], $0xffff  }
0x311: {  	v15 =	vadd.s32 s5, v20;
	v13 =	vld.idx.msk [tilespmem:v13+s26+$0x0], $0xffff  }
0x312: {  	v30 =	vld.idx.msk [tilespmem:v1+s26+$0x0], $0xffff;
	v1 =	vand.u32 $0x3F, v15  }
0x313: {  	s12 =	sadd.s32 $0x1, s3;
	v23 =	vor.u32 v49, v1;
	v29 =	vld.idx.msk [tilespmem:v8+s26+$0x0], $0xffff  }
0x314: {  	[tilespmem:$0x1F350] =	vst v36;
	v11 =	vor.u32 v55, v1;
	v8 =	vor.u32 v25, v0;
	v36 =	vld.idx.msk [tilespmem:v9+s26+$0x0], $0xffff;
	v9 =	vadd.s32 s12, v20  }
0x315: {  	[tilespmem:$0x1F410] =	vst v47;
	v39 =	vor.u32 v4, v1;
	v15 =	vand.u32 $0x3F, v9;
	v9 =	vor.u32 v58, v1  }
0x316: {  	v40 =	vor.u32 v52, v1;
	v47 =	vor.u32 v6, v1;
	[tilespmem:$0x1F2D0] =	vst v13;
	v13 =	vor.u32 v60, v0  }
0x317: {  	v48 =	vor.u32 v7, v1;
	v51 =	vor.u32 v12, v1;
	v0 =	vor.u32 v54, v0  }
0x318: {  	s11 =	sadd.s32 $0x2, s3;
	v53 =	vor.u32 v16, v1;
	v26 =	vor.u32 v17, v1;
	v27 =	vor.u32 v18, v1  }
0x319: {  	[tilespmem:$0x1F340] =	vst v43;
	v28 =	vor.u32 v19, v1;
	v31 =	vor.u32 v21, v1;
	v20 =	vadd.s32 s11, v20;
	v43 =	vld.idx.msk [tilespmem:v8+s26+$0x0], $0xffff  }
0x31a: {  	[tilespmem:$0x1F460] =	vst v38;
	v33 =	vor.u32 v22, v1;
	v34 =	vor.u32 v60, v1;
	v24 =	vand.u32 $0x3F, v20;
	v32 =	vld.idx.msk [tilespmem:v9+s26+$0x0], $0xffff  }
0x31b: {  	v20 =	vor.u32 v5, v1;
	v8 =	vor.u32 v10, v1;
	v9 =	vor.u32 v25, v1;
	v38 =	vld.idx.msk [tilespmem:v13+s26+$0x0], $0xffff  }
0x31c: {  	v13 =	vor.u32 v3, v1;
	v59 =	vld.idx.msk [tilespmem:v0+s26+$0x0], $0xffff;
	v0 =	vor.u32 v14, v1;
	v1 =	vor.u32 v54, v1  }
0x31d: {  	[tilespmem:$0x1F770] =	vst v1;
	v1 =	vor.u32 v3, v24  }
0x31e: {  	[tilespmem:$0x1F2E0] =	vst v1;
	v1 =	vor.u32 v5, v24  }
0x31f: {  	[tilespmem:$0x1F300] =	vst v1;
	v1 =	vor.u32 v10, v24  }
0x320: {  	[tilespmem:$0x1F310] =	vst v1;
	v1 =	vor.u32 v4, v24  }
0x321: {  	[tilespmem:$0x1F330] =	vst v1;
	v1 =	vor.u32 v52, v24  }
0x322: {  	[tilespmem:$0x1F390] =	vst v1;
	v1 =	vor.u32 v6, v24  }
0x323: {  	[tilespmem:$0x1F3B0] =	vst v1;
	v1 =	vor.u32 v7, v24  }
0x324: {  	[tilespmem:$0x1F3C0] =	vst v1;
	v1 =	vor.u32 v12, v24  }
0x325: {  	[tilespmem:$0x1F3E0] =	vst v1;
	v1 =	vor.u32 v14, v24  }
0x326: {  	[tilespmem:$0x1F4A0] =	vst v1;
	v1 =	vor.u32 v16, v24  }
0x327: {  	[tilespmem:$0x1F4B0] =	vst v1;
	v1 =	vor.u32 v17, v24  }
0x328: {  	[tilespmem:$0x1F4C0] =	vst v1;
	v1 =	vor.u32 v18, v24  }
0x329: {  	[tilespmem:$0x1F4F0] =	vst v1;
	v1 =	vor.u32 v19, v24  }
0x32a: {  	[tilespmem:$0x1F780] =	vst v1;
	v1 =	vor.u32 v21, v24  }
0x32b: {  	[tilespmem:$0x1F4E0] =	vst v1;
	v1 =	vor.u32 v22, v24  }
0x32c: {  	[tilespmem:$0x1F3D0] =	vst v1;
	v1 =	vor.u32 v60, v24  }
0x32d: {  	[tilespmem:$0x1F430] =	vst v1;
	v1 =	vor.u32 v54, v24  }
0x32e: {  	[tilespmem:$0x1F4D0] =	vst v1;
	v1 =	vld [tilespmem:$0x1F220];
	_ =	sdelay $0x3  }
0x32f: {  	[tilespmem:$0x1F360] =	vst v42;
	v42 =	vld.idx.msk [tilespmem:v11+s26+$0x0], $0xffff  }
0x330: {  	v11 =	vmul.f32 v1, v2;
	v1 =	vld [tilespmem:$0x1F230];
	_ =	sdelay $0x2  }
0x331: {  	[tilespmem:$0x1F380] =	vst v44;
	v41 =	vor.u32 v49, v24;
	v44 =	vor.u32 v58, v24;
	v45 =	vor.u32 v55, v24  }
0x332: {  	v50 =	vor.u32 v49, v15;
	v49 =	vor.u32 v58, v15;
	v58 =	vmul.f32 v35, v2  }
0x333: {  	v35 =	vor.u32 v55, v15;
	v55 =	vmul.f32 v1, v2;
	v1 =	vor.u32 v3, v15;
	v3 =	vld [tilespmem:$0x1F280];
	_ =	sdelay $0x4  }
0x334: {  	v3 =	vmul.f32 v3, v2;
	_ =	sdelay $0x1  }
0x335: {  	[tilespmem:$0x1F470] =	vst v3;
	v3 =	vld [tilespmem:$0x1F290];
	_ =	sdelay $0x3  }
0x336: {  	v57 =	vld.idx.msk [tilespmem:v8+s26+$0x0], $0xffff  }
0x337: {  	v8 =	vmul.f32 v61, v2;
	v61 =	vld.idx.msk [tilespmem:v51+s26+$0x0], $0xffff;
	v3 =	vmul.f32 v3, v2  }
0x338: {  	v51 =	vld.idx.msk [tilespmem:v0+s26+$0x0], $0xffff  }
0x339: {  	[tilespmem:$0x1F520] =	vst v3;
	v3 =	vld [tilespmem:$0x1F2A0]  }
0x33a: {  	v0 =	vld [tilespmem:$0x1F240];
	_ =	sdelay $0x3  }
0x33b: {  	v62 =	vld.idx.msk [tilespmem:v39+s26+$0x0], $0xffff;
	v3 =	vmul.f32 v3, v2  }
0x33c: {  	v39 =	vor.u32 v25, v24;
	v24 =	vmul.f32 v0, v2;
	v0 =	vld [tilespmem:$0x1F250]  }
0x33d: {  	[tilespmem:$0x1F540] =	vst v3;
	v3 =	vld [tilespmem:$0x1F2B0];
	_ =	sdelay $0x3  }
0x33e: {  	v0 =	vmul.f32 v0, v2  }
0x33f: {  	v3 =	vmul.f32 v3, v2  }
0x340: {  	[tilespmem:$0x1F400] =	vst v0;
	v0 =	vld [tilespmem:$0x1F260]  }
0x341: {  	[tilespmem:$0x1F560] =	vst v3;
	v3 =	vld [tilespmem:$0x1F2C0];
	_ =	sdelay $0x3  }
0x342: {  	v0 =	vmul.f32 v0, v2  }
0x343: {  	v3 =	vmul.f32 v3, v2  }
0x344: {  	[tilespmem:$0x1F420] =	vst v0;
	v0 =	vld [tilespmem:$0x1F270]  }
0x345: {  	[tilespmem:$0x1F580] =	vst v3;
	v3 =	vld [tilespmem:$0x1F2D0];
	_ =	sdelay $0x2  }
0x346: {  	v63 =	vld.idx.msk [tilespmem:v23+s24+$0x0], $0xffff  }
0x347: {  	v0 =	vmul.f32 v0, v2  }
0x348: {  	v3 =	vmul.f32 v3, v2  }
0x349: {  	[tilespmem:$0x1F450] =	vst v0;
	v0 =	vld.idx.msk [tilespmem:v26+s26+$0x0], $0xffff  }
0x34a: {  	v26 =	vld.idx.msk [tilespmem:v27+s26+$0x0], $0xffff;
	[tilespmem:$0x1F6B0] =	vst v3;
	v3 =	vmul.f32 v29, v2  }
0x34b: {  	v27 =	vor.u32 v52, v15;
	v52 =	vmul.f32 v61, v63;
	v61 =	vld.idx.msk [tilespmem:v1+s26+$0x0], $0xffff  }
0x34c: {  	v1 =	vld [tilespmem:$0x1F2E0];
	[tilespmem:$0x1F6C0] =	vst v3;
	v3 =	vmul.f32 v30, v2;
	_ =	sdelay $0x1  }
0x34d: {  	[tilespmem:$0x1F6D0] =	vst v3;
	v3 =	vmul.f32 v36, v2  }
0x34e: {  	v23 =	vld.idx.msk [tilespmem:v23+s25+$0x0], $0xffff  }
0x34f: {  	[tilespmem:$0x1F6E0] =	vst v3;
	v3 =	vmul.f32 v37, v2;
	_ =	sdelay $0x1  }
0x350: {  	[tilespmem:$0x1F6F0] =	vst v3;
	v3 =	vmul.f32 v38, v2;
	_ =	sdelay $0x1  }
0x351: {  	[tilespmem:$0x1F700] =	vst v3;
	v3 =	vmul.f32 v43, v2;
	v43 =	vmul.f32 v23, v63;
	v23 =	vld.idx.msk [tilespmem:v1+s26+$0x0], $0xffff  }
0x352: {  	v1 =	vld [tilespmem:$0x1F300];
	_ =	sdelay $0x4  }
0x353: {  	v47 =	vld.idx.msk [tilespmem:v47+s26+$0x0], $0xffff  }
0x354: {  	v48 =	vld.idx.msk [tilespmem:v48+s26+$0x0], $0xffff  }
0x355: {  	v53 =	vld.idx.msk [tilespmem:v53+s26+$0x0], $0xffff  }
0x356: {  	v38 =	vor.u32 v14, v15;
	v14 =	vor.u32 v25, v15;
	v25 =	vld.idx.msk [tilespmem:v1+s26+$0x0], $0xffff  }
0x357: {  	v1 =	vld [tilespmem:$0x1F310]  }
0x358: {  	v33 =	vld.idx.msk [tilespmem:v33+s26+$0x0], $0xffff  }
0x359: {  	v29 =	vld.idx.msk [tilespmem:v41+s24+$0x0], $0xffff  }
0x35a: {  	v41 =	vld.idx.msk [tilespmem:v41+s25+$0x0], $0xffff;
	v2 =	vmul.f32 v59, v2  }
0x35b: {  	v30 =	vld.idx.msk [tilespmem:v50+s24+$0x0], $0xffff  }
0x35c: {  	[tilespmem:$0x1F720] =	vst v2;
	v2 =	vld.idx.msk [tilespmem:v50+s25+$0x0], $0xffff  }
0x35d: {  	[tilespmem:$0x1F710] =	vst v3;
	v3 =	vld [tilespmem:$0x1F730]  }
0x35e: {  	v59 =	vmul.f32 v32, v63;
	v32 =	vmul.f32 v47, v63;
	v47 =	vld.idx.msk [tilespmem:v49+s26+$0x0], $0xffff  }
0x35f: {  	v49 =	vmul.f32 v26, v63;
	v26 =	vld.idx.msk [tilespmem:v1+s26+$0x0], $0xffff  }
0x360: {  	v1 =	vld [tilespmem:$0x1F330]  }
0x361: {  	v56 =	vld.idx.msk [tilespmem:v20+s26+$0x0], $0xffff  }
0x362: {  	v45 =	vld.idx.msk [tilespmem:v45+s26+$0x0], $0xffff;
	v3 =	vadd.f32 v8, v3;
	v2 =	vmul.f32 v2, v30  }
0x363: {  	v5 =	vor.u32 v5, v15;
	v36 =	vld.idx.msk [tilespmem:v34+s26+$0x0], $0xffff  }
0x364: {  	v34 =	vmul.f32 v48, v63;
	v48 =	vld.idx.msk [tilespmem:v35+s26+$0x0], $0xffff;
	v41 =	vmul.f32 v41, v29;
	v35 =	vadd.f32 v2, v3  }
0x365: {  	v50 =	vor.u32 v16, v15;
	v16 =	vor.u32 v17, v15  }
0x366: {  	v17 =	vmul.f32 v56, v63;
	v56 =	vor.u32 v19, v15;
	v19 =	vadd.f32 v41, v35  }
0x367: {  	v20 =	vor.u32 v4, v15;
	v4 =	vmul.f32 v51, v63  }
0x368: {  	v35 =	vmul.f32 v33, v63;
	v33 =	vmul.f32 v45, v29;
	v45 =	vld.idx.msk [tilespmem:v1+s26+$0x0], $0xffff;
	v1 =	vadd.f32 v43, v19  }
0x369: {  	v51 =	vmul.f32 v53, v63;
	v53 =	vmul.f32 v0, v63;
	v0 =	vld.idx.msk [tilespmem:v5+s26+$0x0], $0xffff  }
0x36a: {  	[tilespmem:$0x1F730] =	vst v1;
	v1 =	vld [tilespmem:$0x1F340]  }
0x36b: {  	v5 =	vld [tilespmem:$0x1F360];
	_ =	sdelay $0x3  }
0x36c: {  	[tilespmem:$0x1F760] =	vst v9;
	v9 =	vor.u32 v10, v15;
	v19 =	vadd.f32 v58, v1;
	v1 =	vld [tilespmem:$0x1F350]  }
0x36d: {  	v58 =	vmov v39;
	v39 =	vadd.f32 v55, v5;
	v5 =	vld [tilespmem:$0x1F380];
	_ =	sdelay $0x3  }
0x36e: {  	v11 =	vadd.f32 v11, v1;
	v1 =	vld.idx.msk [tilespmem:v9+s26+$0x0], $0xffff  }
0x36f: {  	v9 =	vadd.f32 v24, v5;
	v5 =	vld [tilespmem:$0x1F390];
	_ =	sdelay $0x6  }
0x370: {  	[tilespmem:$0x1F3F0] =	vst v46;
	v46 =	vld.idx.msk [tilespmem:v13+s26+$0x0], $0xffff;
	v13 =	vor.u32 v6, v15  }
0x371: {  	v6 =	vor.u32 v21, v15;
	v21 =	vmul.f32 v25, v29;
	v25 =	vmul.f32 v26, v29;
	v26 =	vld.idx.msk [tilespmem:v5+s26+$0x0], $0xffff  }
0x372: {  	v5 =	vld [tilespmem:$0x1F3B0];
	_ =	sdelay $0x5  }
0x373: {  	v31 =	vld.idx.msk [tilespmem:v31+s26+$0x0], $0xffff  }
0x374: {  	v8 =	vld.idx.msk [tilespmem:v20+s26+$0x0], $0xffff  }
0x375: {  	v20 =	vld.idx.msk [tilespmem:v5+s26+$0x0], $0xffff  }
0x376: {  	v5 =	vld [tilespmem:$0x1F3C0]  }
0x377: {  	v44 =	vld.idx.msk [tilespmem:v44+s26+$0x0], $0xffff;
	_ =	sdelay $0x2  }
0x378: {  	v41 =	vmul.f32 v36, v63;
	v36 =	vmul.f32 v47, v30;
	_ =	sdelay $0x1  }
0x379: {  	v3 =	vmul.f32 v31, v63;
	v31 =	vmul.f32 v44, v29;
	v19 =	vadd.f32 v36, v19;
	_ =	sdelay $0x1  }
0x37a: {  	v19 =	vadd.f32 v31, v19;
	v31 =	vld.idx.msk [tilespmem:v5+s26+$0x0], $0xffff  }
0x37b: {  	v5 =	vld [tilespmem:$0x1F3E0]  }
0x37c: {  	v0 =	vmul.f32 v0, v30  }
0x37d: {  	v44 =	vmul.f32 v48, v30  }
0x37e: {  	v0 =	vadd.f32 v0, v9  }
0x37f: {  	v11 =	vadd.f32 v44, v11  }
0x380: {  	v0 =	vadd.f32 v21, v0  }
0x381: {  	v42 =	vmul.f32 v42, v63;
	v11 =	vadd.f32 v33, v11  }
0x382: {  	v44 =	vadd.f32 v17, v0;
	v0 =	vld [tilespmem:$0x1F3F0]  }
0x383: {  	v36 =	vadd.f32 v42, v11;
	v11 =	vld.idx.msk [tilespmem:v5+s26+$0x0], $0xffff  }
0x384: {  	v5 =	vld [tilespmem:$0x1F400];
	_ =	sdelay $0x2  }
0x385: {  	v9 =	vld.idx.msk [tilespmem:v13+s26+$0x0], $0xffff  }
0x386: {  	v13 =	vld [tilespmem:$0x1F420]  }
0x387: {  	v0 =	vadd.f32 v5, v0;
	v5 =	vld [tilespmem:$0x1F410];
	_ =	sdelay $0x3  }
0x388: {  	v61 =	vmul.f32 v61, v30;
	v17 =	vld [tilespmem:$0x1F450]  }
0x389: {  	v13 =	vadd.f32 v13, v5;
	v5 =	vld [tilespmem:$0x1F440]  }
0x38a: {  	v23 =	vmul.f32 v23, v29;
	v47 =	vadd.f32 v61, v39;
	_ =	sdelay $0x1  }
0x38b: {  	v46 =	vmul.f32 v46, v63;
	v23 =	vadd.f32 v23, v47;
	_ =	sdelay $0x1  }
0x38c: {  	v42 =	vadd.f32 v46, v23;
	v23 =	vadd.f32 v17, v5;
	v5 =	vld [tilespmem:$0x1F460]  }
0x38d: {  	v17 =	vld [tilespmem:$0x1F470];
	_ =	sdelay $0x4  }
0x38e: {  	v24 =	vadd.f32 v17, v5;
	v5 =	vld [tilespmem:$0x1F4A0];
	_ =	sdelay $0x3  }
0x38f: {  	v8 =	vmul.f32 v8, v30;
	v1 =	vmul.f32 v1, v30;
	_ =	sdelay $0x1  }
0x390: {  	v21 =	vmul.f32 v45, v29;
	v0 =	vadd.f32 v1, v0;
	v1 =	vadd.f32 v8, v13;
	_ =	sdelay $0x1  }
0x391: {  	v1 =	vadd.f32 v21, v1;
	v21 =	vld.idx.msk [tilespmem:v5+s26+$0x0], $0xffff  }
0x392: {  	v5 =	vld [tilespmem:$0x1F4B0];
	_ =	sdelay $0x4  }
0x393: {  	v28 =	vld.idx.msk [tilespmem:v28+s26+$0x0], $0xffff;
	v62 =	vmul.f32 v62, v63  }
0x394: {  	v7 =	vor.u32 v7, v15;
	v27 =	vld.idx.msk [tilespmem:v27+s26+$0x0], $0xffff;
	v9 =	vmul.f32 v9, v30  }
0x395: {  	v47 =	vadd.f32 v62, v1;
	v1 =	vld [tilespmem:$0x1F4F0]  }
0x396: {  	v9 =	vadd.f32 v9, v24;
	v24 =	vld.idx.msk [tilespmem:v5+s26+$0x0], $0xffff  }
0x397: {  	v5 =	vld [tilespmem:$0x1F4C0]  }
0x398: {  	v40 =	vld.idx.msk [tilespmem:v40+s26+$0x0], $0xffff  }
0x399: {  	v10 =	vor.u32 v22, v15;
	v22 =	vld.idx.msk [tilespmem:v7+s26+$0x0], $0xffff;
	v43 =	vadd.f32 v59, v19;
	v19 =	vmul.f32 v27, v30  }
0x39a: {  	v7 =	vld [tilespmem:$0x1F430]  }
0x39b: {  	v2 =	vmul.f32 v28, v63;
	v28 =	vld [tilespmem:$0x1F2F0];
	v13 =	vmul.f32 v26, v29;
	v19 =	vadd.f32 v19, v23  }
0x39c: {  	v48 =	vld [tilespmem:$0x1F320]  }
0x39d: {  	v23 =	vmul.f32 v20, v29;
	v19 =	vadd.f32 v13, v19;
	v13 =	vld.idx.msk [tilespmem:v1+s26+$0x0], $0xffff  }
0x39e: {  	v1 =	vld [tilespmem:$0x1F510]  }
0x39f: {  	v9 =	vadd.f32 v23, v9;
	v23 =	vmul.f32 v11, v29;
	v11 =	vld.idx.msk [tilespmem:v5+s26+$0x0], $0xffff  }
0x3a0: {  	v5 =	vld [tilespmem:$0x1F520]  }
0x3a1: {  	v55 =	vld [tilespmem:$0x1F370]  }
0x3a2: {  	v61 =	vld.idx.msk [tilespmem:v50+s26+$0x0], $0xffff  }
0x3a3: {  	v8 =	vld.idx.msk [tilespmem:v38+s26+$0x0], $0xffff  }
0x3a4: {  	v38 =	vadd.f32 v32, v9;
	v9 =	vld [tilespmem:$0x1F540]  }
0x3a5: {  	v1 =	vadd.f32 v5, v1;
	v5 =	vld [tilespmem:$0x1F530]  }
0x3a6: {  	v37 =	vor.u32 v12, v15;
	v50 =	vld [tilespmem:$0x1F480]  }
0x3a7: {  	v59 =	vld [tilespmem:$0x1F3D0]  }
0x3a8: {  	v0 =	vadd.f32 v25, v0;
	v25 =	vmul.f32 v8, v30;
	v8 =	vld.idx.msk [tilespmem:v16+s26+$0x0], $0xffff  }
0x3a9: {  	v16 =	vld [tilespmem:$0x1F560]  }
0x3aa: {  	v9 =	vadd.f32 v9, v5;
	v5 =	vld [tilespmem:$0x1F550]  }
0x3ab: {  	v27 =	vld.idx.msk [tilespmem:v37+s26+$0x0], $0xffff  }
0x3ac: {  	v57 =	vmul.f32 v57, v63;
	v45 =	vld [tilespmem:$0x1F3A0]  }
0x3ad: {  	v33 =	vld [tilespmem:$0x1F590]  }
0x3ae: {  	v18 =	vor.u32 v18, v15;
	v46 =	vadd.f32 v57, v0;
	v57 =	vld [tilespmem:$0x1F4D0]  }
0x3af: {  	v26 =	vadd.f32 v16, v5;
	v5 =	vld [tilespmem:$0x1F570]  }
0x3b0: {  	p0 =	sne.s32 s3, $0x3C;
	v16 =	vld [tilespmem:$0x1F580]  }
.Ltmp1:
0x3b1: {  	v40 =	vmul.f32 v40, v63;
	v0 =	vmul.f32 v27, v30;
	v27 =	vld [tilespmem:$0x1F4E0];
	(pc) =	sbr.rel @p0 .LBB2_5-.Ltmp1, $4  }
0x3b2: {  	v22 =	vmul.f32 v22, v30;
	v20 =	vmul.f32 v31, v29;
	v31 =	vld [tilespmem:$0x1F490]  }
0x3b3: {  	v12 =	vor.u32 v60, v15;
	v37 =	vadd.f32 v40, v19;
	v19 =	vld.idx.msk [tilespmem:v18+s26+$0x0], $0xffff  }
0x3b4: {  	v15 =	vor.u32 v54, v15;
	v40 =	vmul.f32 v61, v30;
	v32 =	vld [tilespmem:$0x1F500];
	v17 =	vadd.f32 v22, v1  }
0x3b5: {  	s3 =	sadd.s32 $0x4, s3;
	v21 =	vmul.f32 v21, v29;
	v18 =	vadd.f32 v0, v9;
	v9 =	vld.idx.msk [tilespmem:v56+s26+$0x0], $0xffff;
	v39 =	vadd.f32 v16, v5  }
0x3b6: {  	_ =	sdelay $0x3  }
0x3b7: {  	v0 =	vld.idx.msk [tilespmem:v6+s26+$0x0], $0xffff  }
0x3b8: {  	v1 =	vld [tilespmem:$0x1F780]  }
0x3b9: {  	v16 =	vld.idx.msk [tilespmem:v27+s26+$0x0], $0xffff  }
0x3ba: {  	v22 =	vld.idx.msk [tilespmem:v59+s26+$0x0], $0xffff  }
0x3bb: {  	v27 =	vld.idx.msk [tilespmem:v7+s26+$0x0], $0xffff  }
0x3bc: {  	v10 =	vld.idx.msk [tilespmem:v10+s26+$0x0], $0xffff  }
0x3bd: {  	v12 =	vld.idx.msk [tilespmem:v12+s26+$0x0], $0xffff  }
0x3be: {  	v14 =	vld.idx.msk [tilespmem:v14+s26+$0x0], $0xffff  }
0x3bf: {  	v15 =	vld.idx.msk [tilespmem:v15+s26+$0x0], $0xffff  }
0x3c0: {  	v61 =	vld [tilespmem:$0x1F770]  }
0x3c1: {  	v62 =	vld [tilespmem:$0x1F5A0]  }
0x3c2: {  	v25 =	vadd.f32 v25, v26;
	v18 =	vadd.f32 v23, v18;
	v23 =	vld [tilespmem:$0x1F6D0]  }
0x3c3: {  	v17 =	vadd.f32 v20, v17;
	v26 =	vadd.f32 v40, v39;
	v39 =	vld [tilespmem:$0x1F6F0]  }
0x3c4: {  	v40 =	vld [tilespmem:$0x1F710]  }
0x3c5: {  	v5 =	vadd.f32 v34, v17;
	v17 =	vld [tilespmem:$0x1F6B0]  }
0x3c6: {  	v20 =	vadd.f32 v21, v25;
	v25 =	vld.idx.msk [tilespmem:v57+s26+$0x0], $0xffff  }
0x3c7: {  	v57 =	vld [tilespmem:$0x1F690]  }
0x3c8: {  	v24 =	vmul.f32 v24, v29;
	v34 =	vld [tilespmem:$0x1FEF0]  }
0x3c9: {  	v56 =	vadd.f32 v52, v18;
	v18 =	vld [tilespmem:$0x1F6C0]  }
0x3ca: {  	v21 =	vadd.f32 v24, v26;
	v24 =	vld [tilespmem:$0x1F6E0]  }
0x3cb: {  	v26 =	vld [tilespmem:$0x1FE60]  }
0x3cc: {  	v52 =	vld [tilespmem:$0x1F670]  }
0x3cd: {  	v4 =	vadd.f32 v4, v20;
	v20 =	vld.idx.msk [tilespmem:v58+s26+$0x0], $0xffff  }
0x3ce: {  	v17 =	vadd.f32 v17, v28;
	v28 =	vld [tilespmem:$0x1F760]  }
0x3cf: {  	v8 =	vmul.f32 v8, v30;
	v59 =	vadd.f32 v51, v21;
	v21 =	vld [tilespmem:$0x1FE70]  }
0x3d0: {  	v19 =	vmul.f32 v19, v30;
	v23 =	vadd.f32 v23, v31;
	v31 =	vld [tilespmem:$0x1FE80];
	v18 =	vadd.f32 v18, v33  }
0x3d1: {  	v1 =	vld.idx.msk [tilespmem:v1+s26+$0x0], $0xffff  }
0x3d2: {  	v9 =	vmul.f32 v9, v30;
	v8 =	vadd.f32 v8, v17;
	v17 =	vadd.f32 v19, v18;
	v18 =	vld [tilespmem:$0x1F730]  }
0x3d3: {  	v24 =	vadd.f32 v24, v32;
	v32 =	vld.idx.msk [tilespmem:v61+s26+$0x0], $0xffff  }
0x3d4: {  	v9 =	vadd.f32 v9, v23;
	v23 =	vld [tilespmem:$0x1F5E0];
	v21 =	vadd.s32 s18, v21  }
0x3d5: {  	v61 =	vld [tilespmem:$0x1F6A0]  }
0x3d6: {  	v28 =	vld.idx.msk [tilespmem:v28+s26+$0x0], $0xffff  }
0x3d7: {  	v0 =	vmul.f32 v0, v30;
	[tilespmem:s22+$0x18C00] =	vst v18;
	v18 =	vld [tilespmem:$0x1F5B0]  }
0x3d8: {  	v11 =	vmul.f32 v11, v29;
	v19 =	vld [tilespmem:$0x1F5C0]  }
0x3d9: {  	v16 =	vmul.f32 v16, v29;
	v26 =	vadd.s32 s18, v26;
	v0 =	vadd.f32 v0, v24;
	[tilespmem:v21+s31+$0x0] =	vst.idx.msk $0xffff, v43;
	v21 =	vld [tilespmem:$0x1F5D0]  }
0x3da: {  	v13 =	vmul.f32 v13, v29;
	v24 =	vld [tilespmem:$0x1FEC0];
	v31 =	vadd.s32 s18, v31  }
0x3db: {  	v33 =	vadd.s32 s18, v62;
	v8 =	vadd.f32 v11, v8;
	v0 =	vadd.f32 v16, v0;
	v16 =	vld [tilespmem:$0x1F610]  }
0x3dc: {  	v11 =	vadd.f32 v13, v17;
	v17 =	vld [tilespmem:$0x1F700];
	v18 =	vadd.s32 s18, v18  }
0x3dd: {  	v8 =	vadd.f32 v53, v8;
	v53 =	vld [tilespmem:$0x1F680];
	v19 =	vadd.s32 s18, v19  }
0x3de: {  	v1 =	vmul.f32 v1, v29;
	v11 =	vadd.f32 v49, v11;
	v49 =	vld [tilespmem:$0x1F660];
	[tilespmem:v26+s31+$0x0] =	vst.idx.msk $0xffff, v36;
	v21 =	vadd.s32 s18, v21  }
0x3df: {  	v36 =	vld [tilespmem:$0x1F5F0];
	[tilespmem:v31+s31+$0x0] =	vst.idx.msk $0xffff, v42  }
0x3e0: {  	v1 =	vadd.f32 v1, v9;
	v9 =	vld [tilespmem:$0x1F600];
	[tilespmem:v33+s31+$0x0] =	vst.idx.msk $0xffff, v44  }
0x3e1: {  	v43 =	vmul.f32 v10, v30;
	v10 =	vld [tilespmem:$0x1F640];
	[tilespmem:v18+s31+$0x0] =	vst.idx.msk $0xffff, v46  }
0x3e2: {  	v42 =	vld [tilespmem:$0x1F720];
	[tilespmem:v19+s31+$0x0] =	vst.idx.msk $0xffff, v47  }
0x3e3: {  	v23 =	vadd.s32 s18, v23;
	[tilespmem:v21+s31+$0x0] =	vst.idx.msk $0xffff, v37;
	v37 =	vld [tilespmem:$0x1F620]  }
0x3e4: {  	v13 =	vadd.s32 s18, v36;
	v18 =	vld [tilespmem:$0x1F630]  }
0x3e5: {  	v7 =	vadd.s32 s18, v53;
	v53 =	vld [tilespmem:$0x1FF50];
	v9 =	vadd.s32 s18, v9  }
0x3e6: {  	v16 =	vadd.s32 s18, v16;
	v46 =	vld [tilespmem:$0x1F650]  }
0x3e7: {  	v51 =	vmul.f32 v22, v29;
	v0 =	vadd.f32 v3, v0;
	v6 =	vadd.s32 s18, v49;
	v49 =	vld [tilespmem:$0x1FFB0]  }
0x3e8: {  	v1 =	vadd.f32 v2, v1;
	v17 =	vadd.f32 v17, v55;
	v21 =	vld [tilespmem:$0x1FF10];
	[tilespmem:v23+s31+$0x0] =	vst.idx.msk $0xffff, v38;
	v2 =	vadd.s32 s18, v37  }
0x3e9: {  	v44 =	vmul.f32 v14, v30;
	v38 =	vld [tilespmem:$0x1FF70];
	[tilespmem:v13+s31+$0x0] =	vst.idx.msk $0xffff, v5;
	v5 =	vadd.f32 v40, v48;
	v18 =	vadd.s32 s18, v18  }
0x3ea: {  	v10 =	vadd.s32 s18, v10;
	v13 =	vadd.f32 v42, v50;
	v42 =	vld [tilespmem:$0x1FFC0];
	[tilespmem:v9+s31+$0x0] =	vst.idx.msk $0xffff, v56;
	v9 =	vmul.f32 v12, v30  }
0x3eb: {  	v3 =	vadd.f32 v39, v45;
	v45 =	vmul.f32 v15, v30;
	v40 =	vld [tilespmem:$0x1FF90];
	v14 =	vadd.s32 s18, v46;
	[tilespmem:v16+s31+$0x0] =	vst.idx.msk $0xffff, v4  }
0x3ec: {  	v30 =	vld [tilespmem:$0x1FF30];
	v4 =	vadd.f32 v44, v5;
	v48 =	vadd.f32 v9, v17;
	v9 =	vmul.f32 v20, v29  }
0x3ed: {  	v47 =	vadd.f32 v43, v3;
	v50 =	vadd.f32 v45, v13;
	v16 =	vld [tilespmem:$0x1FEB0];
	[tilespmem:v2+s31+$0x0] =	vst.idx.msk $0xffff, v59  }
0x3ee: {  	v12 =	vadd.s32 s18, v52;
	v44 =	vld [tilespmem:$0x1FF20];
	v56 =	vadd.f32 v9, v4;
	[tilespmem:v18+s31+$0x0] =	vst.idx.msk $0xffff, v8;
	v8 =	vmul.f32 v27, v29  }
0x3ef: {  	v37 =	vld [tilespmem:$0x1FF60];
	v2 =	vadd.f32 v51, v47;
	v59 =	vmul.f32 v28, v63;
	[tilespmem:v10+s31+$0x0] =	vst.idx.msk $0xffff, v11  }
0x3f0: {  	v4 =	vadd.s32 s18, v57;
	v47 =	vld [tilespmem:$0x1FF80];
	v10 =	vmul.f32 v25, v29;
	[tilespmem:v14+s31+$0x0] =	vst.idx.msk $0xffff, v1;
	v55 =	vadd.f32 v8, v48  }
0x3f1: {  	p0 =	sne.s32 s23, $0x10;
	v18 =	vld [tilespmem:$0x1FED0];
	v58 =	vadd.f32 v35, v2;
	v62 =	vadd.f32 v59, v56;
	[tilespmem:v6+s31+$0x0] =	vst.idx.msk $0xffff, v0;
	v6 =	vadd.s32 s18, v61  }
.Ltmp2:
0x3f2: {  	v56 =	vld [tilespmem:$0x1FFD0];
	v8 =	vmul.f32 v32, v63;
	v5 =	vadd.f32 v10, v50;
	v1 =	vadd.f32 v41, v55;
	(pc) =	sbr.rel @p0 .LBB2_2-.Ltmp2, $4  }
0x3f3: {  	v35 =	vld [tilespmem:$0x1FF40];
	[tilespmem:v12+s31+$0x0] =	vst.idx.msk $0xffff, v58  }
0x3f4: {  	v10 =	vld [tilespmem:$0x1FF00];
	v63 =	vadd.f32 v8, v5;
	[tilespmem:v7+s31+$0x0] =	vst.idx.msk $0xffff, v1  }
0x3f5: {  	v55 =	vld [tilespmem:$0x1FEE0];
	[tilespmem:v4+s31+$0x0] =	vst.idx.msk $0xffff, v62  }
0x3f6: {  	v41 =	vld [tilespmem:$0x1FFA0];
	[tilespmem:v6+s31+$0x0] =	vst.idx.msk $0xffff, v63  }
0x3f7: {  	s3 =	simm.s32 $0x18C00  }
0x3f8: {  	[hbm4b:s8+s4] =	stream.linear.scatter [tilespmem:s3], [sflag:$0x3], $0x200, $0x38;
	[tilespmem:$0x1B600] =	vst v63  }
0x3f9: {  	s17 =	sadd.s32 $0x1, s17;
	_ =	swait.ge [sflag:s13], $0x200  }
0x3fa: {  	p0 =	sne.s32 s17, s10;
	[sflag:s13] =	ssyncset.done $0x0  }
.Ltmp3:
0x3fb: {  	[sflag:s13] =	ssyncadd.s32 $0xFFFFFE00;
	(pc) =	sbr.rel @p0 .LBB2_1-.Ltmp3, $4  }
0x3fc: {  	[hbm4b:s9+s4] =	stream.linear.scatter [tilespmem:s31], [sflag:$0x3], $0x2800, $0x38;
	[tilespmem:$0x1B600] =	vst v63  }
0x3fd: {  	_ =	swait.ge [sflag:s13], $0x2800  }
0x3fe: {  	[sflag:s13] =	ssyncset.done $0x0  }
0x3ff: {  	[sflag:s13] =	ssyncadd.s32 $0xFFFFD800  }
0x400: {  	_ =	sfence.sel $0x180000  }
0x401: {  	[bflag:$0x0] =	sbarrier.arrive $0xFFFF  }
0x402: {  	_ =	strace $0x90000047  }
0x403: {  	s0 =	stileid.u32;
	[bflag:$0x2] =	sbarrier.arrive $0xFFFF  }
0x404: {  	p0 =	sne.s32 s0, $0x0;
	s0 =	rddreg [dreg:$0x7]  }
0x405: {  	s0 =	sadd.s32 @!p0 $0x100000, s0  }
0x406: {  	[sflag:s0] =	ssyncadd.tile.s32 @!p0 $0x1;
	_ =	shalt  }
.Lfunc_end2:
_tile_overlayer_lowered:
.L_overlay_start_2:
0x407: {  	(tag) =	ssettag $0x2  }
0x408: {  	s0 =	rddreg [dreg:$0x0];
	s2 =	stileid.u32  }
0x409: {  	s1 =	rddreg [dreg:$0x1];
	p0 =	sne.s32 s2, $0x0  }
0x40a: {  	s3 =	rddreg [dreg:$0x2];
	[bflag:$0x3] =	sbarrier.arrive $0xFFFF;
	s2 =	simm.s32 @!p0 $0x1C03  }
0x40b: {  	[timem:s3], [sflag:s2] =	dma.local @!p0 [hbm:s0], s1  }
0x40c: {  	s0 =	simm.s32 @!p0 $0x3  }
0x40d: {  	_ =	swait.ge @!p0 [sflag:s0], s1  }
0x40e: {  	s1 =	ssub.s32 @!p0 $0x0, s1;
	[sflag:s0] =	ssyncset.done @!p0 $0x0  }
0x40f: {  	[sflag:s0] =	ssyncadd.s32 @!p0 s1  }
0x410: {  	[bflag:$0x3] =	sbarrier.arrive $0xFFFF  }
0x411: {  	_ =	shalt  }

</sc_bundles>
